<compile_context>
chip_gen: v7x
topology: tpu7x:2x2x1
jax: 0.10.2.dev20260603
libtpu: 0.0.44.dev20260713+nightly
codegen_flags: <defaults>
</compile_context>

<pallas_src>
import functools

import jax
import jax.numpy as jnp
from jax import lax
from jax.experimental import pallas as pl
from jax.experimental.pallas import tpu as pltpu
from jax.experimental.pallas import tpu_sc as plsc

NC = 2
NS = 16
LANES = 16
CHUNK = 128
NBUF = 2
PGRP = 4
BR = 512
DH = 64


def _sc_mesh():
    return plsc.VectorSubcoreMesh(core_axis_name="c", subcore_axis_name="s")




def _aggregate(gs, src_slab, dst_slab, zrows, npad, nchunk, dm,
               split_by_core=False, const_rows=False):
    rps = npad // NS
    M = 2 * NBUF
    span = nchunk // NC if split_by_core else nchunk

    @functools.partial(
        pl.kernel,
        out_type=jax.ShapeDtypeStruct((NC, npad, dm), jnp.float32),
        mesh=_sc_mesh(),
        compiler_params=pltpu.CompilerParams(use_tc_tiling_on_sc=False),
        scratch_types=[
            pltpu.VMEM((nchunk, CHUNK), jnp.int32),
            pltpu.VMEM((nchunk, CHUNK), jnp.int32),
            pltpu.VMEM((M, CHUNK, dm), jnp.float32),
            pltpu.VMEM_SHARED((npad, dm), jnp.float32),
            pltpu.SemaphoreType.DMA((M,)),
            pltpu.SemaphoreType.DMA((M,)),
        ],
    )
    def k(gs_hbm, src_hbm, dst_hbm, zrows_hbm, out_hbm, src_v, dst_v, rows,
          acc, gsems, ssems):
        cid = lax.axis_index("c")
        sid = lax.axis_index("s")

        pltpu.sync_copy(src_hbm.at[sid], src_v)
        pltpu.sync_copy(dst_hbm.at[sid], dst_v)
        pltpu.sync_copy(zrows_hbm, acc.at[pl.ds(sid * rps, rps)])

        plsc.subcore_barrier()

        base = cid * span if split_by_core else 0

        if const_rows:
            pds = []
            for j in range(M):
                pds.append(
                    pltpu.async_copy(
                        gs_hbm.at[cid].at[src_v.at[base + j]],
                        rows.at[j],
                        gsems.at[j],
                    )
                )
            for d in pds:
                d.wait()

            @pl.loop(0, span, step=M)
            def _(c0):
                sds = []
                for j in range(M):
                    sds.append(
                        pltpu.async_copy(
                            rows.at[j],
                            acc.at[dst_v.at[base + c0 + j]],
                            ssems.at[j],
                            add=True,
                        )
                    )
                for d in sds:
                    d.wait()
        else:
            @pl.loop(0, span, step=M)
            def _(c0):
                gds = []
                for j in range(M):
                    gds.append(
                        pltpu.async_copy(
                            gs_hbm.at[cid].at[src_v.at[base + c0 + j]],
                            rows.at[j],
                            gsems.at[j],
                        )
                    )
                sds = []
                for j in range(M):
                    gds[j].wait()
                    sds.append(
                        pltpu.async_copy(
                            rows.at[j],
                            acc.at[dst_v.at[base + c0 + j]],
                            ssems.at[j],
                            add=True,
                        )
                    )
                for d in sds:
                    d.wait()

        plsc.subcore_barrier()
        pltpu.sync_copy(
            acc.at[pl.ds(sid * rps, rps)],
            out_hbm.at[cid].at[pl.ds(sid * rps, rps)],
        )

    return k(gs, src_slab, dst_slab, zrows)




def _dinv_block(degp_blk):
    deg = degp_blk[0, :, 0:1] + degp_blk[1, :, 0:1] + 1.0
    return lax.rsqrt(deg)


def _split_ref(o_ref, g):
    o_ref[0] = g[:, :DH]
    o_ref[1] = g[:, DH:]


def _g1_tc(x, W1, degp, npad):
    n, d_in = x.shape
    dm = W1.shape[1]

    def body(x_ref, w_ref, degp_ref, g_ref):
        h = jnp.dot(x_ref[...], w_ref[...], preferred_element_type=jnp.float32)
        _split_ref(g_ref, h * _dinv_block(degp_ref[...]))

    return pl.pallas_call(
        body,
        grid=(npad // BR,),
        in_specs=[
            pl.BlockSpec((BR, d_in), lambda i: (i, 0)),
            pl.BlockSpec((d_in, dm), lambda i: (0, 0)),
            pl.BlockSpec((NC, BR, LANES), lambda i: (0, i, 0)),
        ],
        out_specs=pl.BlockSpec((NC, BR, DH), lambda i: (0, i, 0)),
        out_shape=jax.ShapeDtypeStruct((NC, npad, DH), jnp.float32),
    )(x, W1, degp)


def _g2_tc(agg, gs1, degp, b1, W2, npad):
    dm = W2.shape[1]

    def body(a_ref, g1_ref, degp_ref, b1_ref, w_ref, g2_ref):
        dinv = _dinv_block(degp_ref[...])
        s = jnp.concatenate(
            [a_ref[0] + g1_ref[0], a_ref[1] + g1_ref[1]], axis=-1
        )
        t = jnp.maximum(s * dinv + b1_ref[...], 0.0)
        h = jnp.dot(t, w_ref[...], preferred_element_type=jnp.float32)
        _split_ref(g2_ref, h * dinv)

    return pl.pallas_call(
        body,
        grid=(npad // BR,),
        in_specs=[
            pl.BlockSpec((NC, BR, DH), lambda i: (0, i, 0)),
            pl.BlockSpec((NC, BR, DH), lambda i: (0, i, 0)),
            pl.BlockSpec((NC, BR, LANES), lambda i: (0, i, 0)),
            pl.BlockSpec((1, dm), lambda i: (0, 0)),
            pl.BlockSpec((dm, dm), lambda i: (0, 0)),
        ],
        out_specs=pl.BlockSpec((NC, BR, DH), lambda i: (0, i, 0)),
        out_shape=jax.ShapeDtypeStruct((NC, npad, DH), jnp.float32),
    )(agg, gs1, degp, b1, W2)


def _final_tc(agg, gs2, degp, b2, n):
    npad = gs2.shape[1]
    dm = NC * DH

    def body(a_ref, g2_ref, degp_ref, b2_ref, o_ref):
        dinv = _dinv_block(degp_ref[...])
        s = jnp.concatenate(
            [a_ref[0] + g2_ref[0], a_ref[1] + g2_ref[1]], axis=-1
        )
        o_ref[...] = s * dinv + b2_ref[...]

    return pl.pallas_call(
        body,
        grid=(npad // BR,),
        in_specs=[
            pl.BlockSpec((NC, BR, DH), lambda i: (0, i, 0)),
            pl.BlockSpec((NC, BR, DH), lambda i: (0, i, 0)),
            pl.BlockSpec((NC, BR, LANES), lambda i: (0, i, 0)),
            pl.BlockSpec((1, dm), lambda i: (0, 0)),
        ],
        out_specs=pl.BlockSpec((BR, dm), lambda i: (i, 0)),
        out_shape=jax.ShapeDtypeStruct((n, dm), jnp.float32),
    )(agg, gs2, degp, b2)




def kernel(x, edge_index, W1, b1, W2, b2):
    n, d_in = x.shape
    e = edge_index.shape[1]

    npad = -(-n // (NS * CHUNK)) * (NS * CHUNK)
    per_w = -(-e // NS)
    nchunk = -(-per_w // CHUNK)
    nchunk = -(-nchunk // (NC * PGRP)) * (NC * PGRP)
    epad = NS * nchunk * CHUNK

    src = edge_index[0]
    dst = edge_index[1]
    pad = epad - e
    ar = jnp.arange(pad, dtype=jnp.int32)
    src_slab = jnp.concatenate([src, (ar * 41) % n]).reshape(NS, nchunk, CHUNK)
    dst_slab = jnp.concatenate([dst, n + ar % (npad - n)]).reshape(
        NS, nchunk, CHUNK
    )

    rps = npad // NS
    zrows_d = jnp.zeros((rps, LANES), jnp.float32)
    zrows_a = jnp.zeros((rps, DH), jnp.float32)
    ones = jnp.ones((NC, npad, LANES), jnp.float32)

    degp = _aggregate(ones, dst_slab, dst_slab, zrows_d, npad, nchunk, LANES,
                      split_by_core=True, const_rows=True)
    gs1 = _g1_tc(x, W1, degp, npad)
    agg1 = _aggregate(gs1, src_slab, dst_slab, zrows_a, npad, nchunk, DH)
    gs2 = _g2_tc(agg1, gs1, degp, b1.reshape(1, -1), W2, npad)
    agg2 = _aggregate(gs2, src_slab, dst_slab, zrows_a, npad, nchunk, DH)
    return _final_tc(agg2, gs2, degp, b2.reshape(1, -1), n)

# --- scband reference (transcript-rebuilt; emitter-appended) ---
"""Pipeline reference for scband-gcn-5342939316741 (READ-ONLY COPY).

The authoritative reference and input builder live on the scoring server;
editing this copy changes nothing except your own understanding.
"""

import jax, jax.numpy as jnp
import numpy as np

N = 10000
E = 320000
D_IN = 128
D_H = 128
D_OUT = 128


def setup_inputs(seed: int = 0) -> dict:
    key = jax.random.key(seed)
    k1, k2, k3, k4, k5, k6 = jax.random.split(key, 6)
    x = jax.random.normal(k1, (N, D_IN), dtype=jnp.float32)
    edge_index = jax.random.randint(k2, (2, E), 0, N, dtype=jnp.int32)
    s1 = float(np.sqrt(2.0 / (D_IN + D_H)))
    s2 = float(np.sqrt(2.0 / (D_H + D_OUT)))
    W1 = jax.random.normal(k3, (D_IN, D_H), dtype=jnp.float32) * s1
    b1 = jnp.zeros((D_H,), dtype=jnp.float32)
    W2 = jax.random.normal(k4, (D_H, D_OUT), dtype=jnp.float32) * s2
    b2 = jnp.zeros((D_OUT,), dtype=jnp.float32)
    return {"x": x, "edge_index": edge_index, "W1": W1, "b1": b1, "W2": W2, "b2": b2}


def gcn_conv(x, edge_index, W, b):
    # Faithful GCNConv: add self-loops, symmetric D^{-1/2} (A+I) D^{-1/2} normalization,
    # linear transform, message = norm * h[src], scatter-add to dst, add bias.
    n = x.shape[0]
    src = edge_index[0]
    dst = edge_index[1]
    loop = jnp.arange(n, dtype=src.dtype)
    src = jnp.concatenate([src, loop])
    dst = jnp.concatenate([dst, loop])
    ones = jnp.ones(src.shape[0], dtype=x.dtype)
    deg = jax.ops.segment_sum(ones, dst, num_segments=n)
    dinv = jnp.where(deg > 0, jax.lax.rsqrt(jnp.maximum(deg, 1e-12)), 0.0)
    norm = dinv[src] * dinv[dst]
    h = x @ W
    msg = h[src] * norm[:, None]
    out = jax.ops.segment_sum(msg, dst, num_segments=n)
    return out + b


def reference(x, edge_index, W1, b1, W2, b2):
    h = jax.nn.relu(gcn_conv(x, edge_index, W1, b1))
    # F.dropout with training=False is identity (eval mode)
    return gcn_conv(h, edge_index, W2, b2)

if __name__ == "__main__":
    import jax
    _d = setup_inputs()
    print(jax.jit(kernel)(*tuple(_d.values())))

</pallas_src>

<mosaic_0001>
#map = affine_map<(d0, d1) -> (0, 0, 0)>
#map1 = affine_map<(d0, d1) -> (0, 0)>
module attributes {stable_mosaic.version = 14 : i64} {
  func.func @k(%arg0: i32, %arg1: i32, %arg2: memref<2x10240x64xf32, #tpu.memory_space<hbm>>, %arg3: memref<16x160x128xi32, #tpu.memory_space<hbm>>, %arg4: memref<16x160x128xi32, #tpu.memory_space<hbm>>, %arg5: memref<640x64xf32, #tpu.memory_space<hbm>>, %arg6: memref<2x10240x64xf32, #tpu.memory_space<hbm>>, %arg7: memref<160x128xi32, #tpu.memory_space<vmem>>, %arg8: memref<160x128xi32, #tpu.memory_space<vmem>>, %arg9: memref<4x128x64xf32, #tpu.memory_space<vmem>>, %arg10: memref<10240x64xf32, #tpu.memory_space<vmem_shared>>, %arg11: memref<4x!tpu.dma_semaphore, #tpu.memory_space<semaphore_mem>>, %arg12: memref<4x!tpu.dma_semaphore, #tpu.memory_space<semaphore_mem>>) attributes {dimension_semantics = [#tpu.dimension_semantics<core_parallel>, #tpu.dimension_semantics<subcore_parallel>], iteration_bounds = array<i64: 2, 16>, scalar_prefetch = 0 : i64, scratch_operands = 6 : i64, tpu.core_type = #tpu.core_type<sc_vector_subcore>, window_params = [{transform_indices = #map}, {transform_indices = #map}, {transform_indices = #map}, {transform_indices = #map1}, {transform_indices = #map}]} {
    "tpu.region"() ({
      %run_scoped3A = tpu.sem_alloc : memref<!tpu.dma_semaphore, #tpu.memory_space<semaphore_mem>>
      %dma_start3A = arith.constant 0 : i32
      %dma_start3A_10 = arith.constant 0 : i32
      %dma_start3A_11 = tpu.memref_slice %arg3[%arg1, %dma_start3A, %dma_start3A_10] : memref<16x160x128xi32, #tpu.memory_space<hbm>> -> memref<1x160x128xi32, #tpu.memory_space<hbm>>
      %dma_start3A_12 = tpu.memref_squeeze %dma_start3A_11 : memref<1x160x128xi32, #tpu.memory_space<hbm>> -> memref<160x128xi32, #tpu.memory_space<hbm>>
      %dma_start3A_13 = arith.constant 0 : i32
      %dma_start3A_14 = arith.constant 0 : i32
      %dma_start3A_15 = tpu.memref_slice %arg3[%arg1, %dma_start3A_13, %dma_start3A_14] : memref<16x160x128xi32, #tpu.memory_space<hbm>> -> memref<1x160x128xi32, #tpu.memory_space<hbm>>
      %dma_start3A_16 = tpu.memref_squeeze %dma_start3A_15 : memref<1x160x128xi32, #tpu.memory_space<hbm>> -> memref<160x128xi32, #tpu.memory_space<hbm>>
      tpu.enqueue_dma source(%dma_start3A_16 : memref<160x128xi32, #tpu.memory_space<hbm>>) target(%arg7 : memref<160x128xi32, #tpu.memory_space<vmem>>) target_semaphore(%run_scoped3A : memref<!tpu.dma_semaphore, #tpu.memory_space<semaphore_mem>>)
      %dma_wait3A = arith.constant 0 : i32
      %dma_wait3A_17 = arith.constant 0 : i32
      %dma_wait3A_18 = tpu.memref_slice %arg3[%arg1, %dma_wait3A, %dma_wait3A_17] : memref<16x160x128xi32, #tpu.memory_space<hbm>> -> memref<1x160x128xi32, #tpu.memory_space<hbm>>
      %dma_wait3A_19 = tpu.memref_squeeze %dma_wait3A_18 : memref<1x160x128xi32, #tpu.memory_space<hbm>> -> memref<160x128xi32, #tpu.memory_space<hbm>>
      %dma_wait3A_20 = arith.constant 0 : i32
      %dma_wait3A_21 = arith.constant 0 : i32
      %dma_wait3A_22 = tpu.memref_slice %arg3[%arg1, %dma_wait3A_20, %dma_wait3A_21] : memref<16x160x128xi32, #tpu.memory_space<hbm>> -> memref<1x160x128xi32, #tpu.memory_space<hbm>>
      %dma_wait3A_23 = tpu.memref_squeeze %dma_wait3A_22 : memref<1x160x128xi32, #tpu.memory_space<hbm>> -> memref<160x128xi32, #tpu.memory_space<hbm>>
      tpu.wait_dma2 semaphore(%run_scoped3A : memref<!tpu.dma_semaphore, #tpu.memory_space<semaphore_mem>>) src(%dma_wait3A_23 : memref<160x128xi32, #tpu.memory_space<hbm>>) dst(%arg7 : memref<160x128xi32, #tpu.memory_space<vmem>>)
      tpu.yield
    }) : () -> ()
    "tpu.region"() ({
      %run_scoped3A = tpu.sem_alloc : memref<!tpu.dma_semaphore, #tpu.memory_space<semaphore_mem>>
      %dma_start3A = arith.constant 0 : i32
      %dma_start3A_10 = arith.constant 0 : i32
      %dma_start3A_11 = tpu.memref_slice %arg4[%arg1, %dma_start3A, %dma_start3A_10] : memref<16x160x128xi32, #tpu.memory_space<hbm>> -> memref<1x160x128xi32, #tpu.memory_space<hbm>>
      %dma_start3A_12 = tpu.memref_squeeze %dma_start3A_11 : memref<1x160x128xi32, #tpu.memory_space<hbm>> -> memref<160x128xi32, #tpu.memory_space<hbm>>
      %dma_start3A_13 = arith.constant 0 : i32
      %dma_start3A_14 = arith.constant 0 : i32
      %dma_start3A_15 = tpu.memref_slice %arg4[%arg1, %dma_start3A_13, %dma_start3A_14] : memref<16x160x128xi32, #tpu.memory_space<hbm>> -> memref<1x160x128xi32, #tpu.memory_space<hbm>>
      %dma_start3A_16 = tpu.memref_squeeze %dma_start3A_15 : memref<1x160x128xi32, #tpu.memory_space<hbm>> -> memref<160x128xi32, #tpu.memory_space<hbm>>
      tpu.enqueue_dma source(%dma_start3A_16 : memref<160x128xi32, #tpu.memory_space<hbm>>) target(%arg8 : memref<160x128xi32, #tpu.memory_space<vmem>>) target_semaphore(%run_scoped3A : memref<!tpu.dma_semaphore, #tpu.memory_space<semaphore_mem>>)
      %dma_wait3A = arith.constant 0 : i32
      %dma_wait3A_17 = arith.constant 0 : i32
      %dma_wait3A_18 = tpu.memref_slice %arg4[%arg1, %dma_wait3A, %dma_wait3A_17] : memref<16x160x128xi32, #tpu.memory_space<hbm>> -> memref<1x160x128xi32, #tpu.memory_space<hbm>>
      %dma_wait3A_19 = tpu.memref_squeeze %dma_wait3A_18 : memref<1x160x128xi32, #tpu.memory_space<hbm>> -> memref<160x128xi32, #tpu.memory_space<hbm>>
      %dma_wait3A_20 = arith.constant 0 : i32
      %dma_wait3A_21 = arith.constant 0 : i32
      %dma_wait3A_22 = tpu.memref_slice %arg4[%arg1, %dma_wait3A_20, %dma_wait3A_21] : memref<16x160x128xi32, #tpu.memory_space<hbm>> -> memref<1x160x128xi32, #tpu.memory_space<hbm>>
      %dma_wait3A_23 = tpu.memref_squeeze %dma_wait3A_22 : memref<1x160x128xi32, #tpu.memory_space<hbm>> -> memref<160x128xi32, #tpu.memory_space<hbm>>
      tpu.wait_dma2 semaphore(%run_scoped3A : memref<!tpu.dma_semaphore, #tpu.memory_space<semaphore_mem>>) src(%dma_wait3A_23 : memref<160x128xi32, #tpu.memory_space<hbm>>) dst(%arg8 : memref<160x128xi32, #tpu.memory_space<vmem>>)
      tpu.yield
    }) : () -> ()
    %mul3A = arith.constant 640 : i32
    %mul3A_0 = arith.muli %arg1, %mul3A : i32
    "tpu.region"() ({
      %run_scoped3A = tpu.sem_alloc : memref<!tpu.dma_semaphore, #tpu.memory_space<semaphore_mem>>
      %dma_start3A = arith.constant 0 : i32
      %dma_start3A_10 = tpu.memref_slice %arg10[%mul3A_0, %dma_start3A] : memref<10240x64xf32, #tpu.memory_space<vmem_shared>> -> memref<640x64xf32, #tpu.memory_space<vmem_shared>>
      tpu.enqueue_dma source(%arg5 : memref<640x64xf32, #tpu.memory_space<hbm>>) target(%dma_start3A_10 : memref<640x64xf32, #tpu.memory_space<vmem_shared>>) target_semaphore(%run_scoped3A : memref<!tpu.dma_semaphore, #tpu.memory_space<semaphore_mem>>)
      %dma_wait3A = arith.constant 0 : i32
      %dma_wait3A_11 = tpu.memref_slice %arg10[%mul3A_0, %dma_wait3A] : memref<10240x64xf32, #tpu.memory_space<vmem_shared>> -> memref<640x64xf32, #tpu.memory_space<vmem_shared>>
      tpu.wait_dma2 semaphore(%run_scoped3A : memref<!tpu.dma_semaphore, #tpu.memory_space<semaphore_mem>>) src(%arg5 : memref<640x64xf32, #tpu.memory_space<hbm>>) dst(%dma_wait3A_11 : memref<640x64xf32, #tpu.memory_space<vmem_shared>>)
      tpu.yield
    }) : () -> ()
    %barrier3A = arith.constant 0 : index
    tpu.barrier barrier_id(%barrier3A)
    %scan3A = arith.constant 0 : i32
    %scan3A_1 = arith.constant 40 : i32
    %scan3A_2 = arith.addi %scan3A, %scan3A_1 : i32
    %scan3A_3 = arith.constant 1 : i32
    scf.for %scan3A_10 = %scan3A to %scan3A_2 step %scan3A_3  : i32 {
      %mul3A_11 = arith.constant 4 : i32
      %mul3A_12 = arith.muli %scan3A_10, %mul3A_11 : i32
      %add3A = arith.constant 0 : i32
      %add3A_13 = arith.addi %add3A, %mul3A_12 : i32
      %add3A_14 = arith.constant 0 : i32
      %add3A_15 = arith.addi %add3A_14, %add3A_13 : i32
      %add3A_16 = arith.constant 0 : i32
      %add3A_17 = arith.addi %add3A_15, %add3A_16 : i32
      %dma_start3A = arith.constant 0 : i32
      %dma_start3A_18 = arith.constant 0 : i32
      %dma_start3A_19 = arith.constant 0 : i32
      %dma_start3A_20 = arith.constant 0 : i32
      %dma_start3A_21 = tpu.memref_slice %arg9[%dma_start3A, %dma_start3A_19, %dma_start3A_20] : memref<4x128x64xf32, #tpu.memory_space<vmem>> -> memref<1x128x64xf32, #tpu.memory_space<vmem>>
      %dma_start3A_22 = tpu.memref_squeeze %dma_start3A_21 : memref<1x128x64xf32, #tpu.memory_space<vmem>> -> memref<128x64xf32, #tpu.memory_space<vmem>>
      %dma_start3A_23 = arith.constant 0 : i32
      %dma_start3A_24 = tpu.memref_slice %arg7[%add3A_17, %dma_start3A_23] : memref<160x128xi32, #tpu.memory_space<vmem>> -> memref<1x128xi32, #tpu.memory_space<vmem>>
      %dma_start3A_25 = tpu.memref_squeeze %dma_start3A_24 : memref<1x128xi32, #tpu.memory_space<vmem>> -> memref<128xi32, #tpu.memory_space<vmem>>
      %dma_start3A_26 = arith.constant 0 : i32
      %dma_start3A_27 = arith.constant 0 : i32
      %dma_start3A_28 = tpu.memref_slice %arg2[%arg0, %dma_start3A_26, %dma_start3A_27] : memref<2x10240x64xf32, #tpu.memory_space<hbm>> -> memref<1x10240x64xf32, #tpu.memory_space<hbm>>
      %dma_start3A_29 = tpu.memref_squeeze %dma_start3A_28 : memref<1x10240x64xf32, #tpu.memory_space<hbm>> -> memref<10240x64xf32, #tpu.memory_space<hbm>>
      %dma_start3A_30 = arith.constant 0 : i32
      %dma_start3A_31 = arith.constant 0 : i32
      %dma_start3A_32 = tpu.memref_slice %dma_start3A_29[%dma_start3A_30, %dma_start3A_31] : memref<10240x64xf32, #tpu.memory_space<hbm>> -> memref<10240x64xf32, #tpu.memory_space<hbm>>
      %dma_start3A_33 = tpu.memref_slice %arg11[%dma_start3A_18] : memref<4x!tpu.dma_semaphore, #tpu.memory_space<semaphore_mem>> -> memref<1x!tpu.dma_semaphore, #tpu.memory_space<semaphore_mem>>
      %dma_start3A_34 = tpu.memref_squeeze %dma_start3A_33 : memref<1x!tpu.dma_semaphore, #tpu.memory_space<semaphore_mem>> -> memref<!tpu.dma_semaphore, #tpu.memory_space<semaphore_mem>>
      tpu.enqueue_indirect_dma source(%dma_start3A_32 : memref<10240x64xf32, #tpu.memory_space<hbm>>) target(%dma_start3A_22 : memref<128x64xf32, #tpu.memory_space<vmem>>) offsets(%dma_start3A_25 : memref<128xi32, #tpu.memory_space<vmem>>) semaphore(%dma_start3A_34 : memref<!tpu.dma_semaphore, #tpu.memory_space<semaphore_mem>>)
      %add3A_35 = arith.constant 0 : i32
      %add3A_36 = arith.addi %add3A_35, %add3A_13 : i32
      %add3A_37 = arith.constant 1 : i32
      %add3A_38 = arith.addi %add3A_36, %add3A_37 : i32
      %dma_start3A_39 = arith.constant 1 : i32
      %dma_start3A_40 = arith.constant 1 : i32
      %dma_start3A_41 = arith.constant 0 : i32
      %dma_start3A_42 = arith.constant 0 : i32
      %dma_start3A_43 = tpu.memref_slice %arg9[%dma_start3A_39, %dma_start3A_41, %dma_start3A_42] : memref<4x128x64xf32, #tpu.memory_space<vmem>> -> memref<1x128x64xf32, #tpu.memory_space<vmem>>
      %dma_start3A_44 = tpu.memref_squeeze %dma_start3A_43 : memref<1x128x64xf32, #tpu.memory_space<vmem>> -> memref<128x64xf32, #tpu.memory_space<vmem>>
      %dma_start3A_45 = arith.constant 0 : i32
      %dma_start3A_46 = tpu.memref_slice %arg7[%add3A_38, %dma_start3A_45] : memref<160x128xi32, #tpu.memory_space<vmem>> -> memref<1x128xi32, #tpu.memory_space<vmem>>
      %dma_start3A_47 = tpu.memref_squeeze %dma_start3A_46 : memref<1x128xi32, #tpu.memory_space<vmem>> -> memref<128xi32, #tpu.memory_space<vmem>>
      %dma_start3A_48 = arith.constant 0 : i32
      %dma_start3A_49 = arith.constant 0 : i32
      %dma_start3A_50 = tpu.memref_slice %arg2[%arg0, %dma_start3A_48, %dma_start3A_49] : memref<2x10240x64xf32, #tpu.memory_space<hbm>> -> memref<1x10240x64xf32, #tpu.memory_space<hbm>>
      %dma_start3A_51 = tpu.memref_squeeze %dma_start3A_50 : memref<1x10240x64xf32, #tpu.memory_space<hbm>> -> memref<10240x64xf32, #tpu.memory_space<hbm>>
      %dma_start3A_52 = arith.constant 0 : i32
      %dma_start3A_53 = arith.constant 0 : i32
      %dma_start3A_54 = tpu.memref_slice %dma_start3A_51[%dma_start3A_52, %dma_start3A_53] : memref<10240x64xf32, #tpu.memory_space<hbm>> -> memref<10240x64xf32, #tpu.memory_space<hbm>>
      %dma_start3A_55 = tpu.memref_slice %arg11[%dma_start3A_40] : memref<4x!tpu.dma_semaphore, #tpu.memory_space<semaphore_mem>> -> memref<1x!tpu.dma_semaphore, #tpu.memory_space<semaphore_mem>>
      %dma_start3A_56 = tpu.memref_squeeze %dma_start3A_55 : memref<1x!tpu.dma_semaphore, #tpu.memory_space<semaphore_mem>> -> memref<!tpu.dma_semaphore, #tpu.memory_space<semaphore_mem>>
      tpu.enqueue_indirect_dma source(%dma_start3A_54 : memref<10240x64xf32, #tpu.memory_space<hbm>>) target(%dma_start3A_44 : memref<128x64xf32, #tpu.memory_space<vmem>>) offsets(%dma_start3A_47 : memref<128xi32, #tpu.memory_space<vmem>>) semaphore(%dma_start3A_56 : memref<!tpu.dma_semaphore, #tpu.memory_space<semaphore_mem>>)
      %add3A_57 = arith.constant 0 : i32
      %add3A_58 = arith.addi %add3A_57, %add3A_13 : i32
      %add3A_59 = arith.constant 2 : i32
      %add3A_60 = arith.addi %add3A_58, %add3A_59 : i32
      %dma_start3A_61 = arith.constant 2 : i32
      %dma_start3A_62 = arith.constant 2 : i32
      %dma_start3A_63 = arith.constant 0 : i32
      %dma_start3A_64 = arith.constant 0 : i32
      %dma_start3A_65 = tpu.memref_slice %arg9[%dma_start3A_61, %dma_start3A_63, %dma_start3A_64] : memref<4x128x64xf32, #tpu.memory_space<vmem>> -> memref<1x128x64xf32, #tpu.memory_space<vmem>>
      %dma_start3A_66 = tpu.memref_squeeze %dma_start3A_65 : memref<1x128x64xf32, #tpu.memory_space<vmem>> -> memref<128x64xf32, #tpu.memory_space<vmem>>
      %dma_start3A_67 = arith.constant 0 : i32
      %dma_start3A_68 = tpu.memref_slice %arg7[%add3A_60, %dma_start3A_67] : memref<160x128xi32, #tpu.memory_space<vmem>> -> memref<1x128xi32, #tpu.memory_space<vmem>>
      %dma_start3A_69 = tpu.memref_squeeze %dma_start3A_68 : memref<1x128xi32, #tpu.memory_space<vmem>> -> memref<128xi32, #tpu.memory_space<vmem>>
      %dma_start3A_70 = arith.constant 0 : i32
      %dma_start3A_71 = arith.constant 0 : i32
      %dma_start3A_72 = tpu.memref_slice %arg2[%arg0, %dma_start3A_70, %dma_start3A_71] : memref<2x10240x64xf32, #tpu.memory_space<hbm>> -> memref<1x10240x64xf32, #tpu.memory_space<hbm>>
      %dma_start3A_73 = tpu.memref_squeeze %dma_start3A_72 : memref<1x10240x64xf32, #tpu.memory_space<hbm>> -> memref<10240x64xf32, #tpu.memory_space<hbm>>
      %dma_start3A_74 = arith.constant 0 : i32
      %dma_start3A_75 = arith.constant 0 : i32
      %dma_start3A_76 = tpu.memref_slice %dma_start3A_73[%dma_start3A_74, %dma_start3A_75] : memref<10240x64xf32, #tpu.memory_space<hbm>> -> memref<10240x64xf32, #tpu.memory_space<hbm>>
      %dma_start3A_77 = tpu.memref_slice %arg11[%dma_start3A_62] : memref<4x!tpu.dma_semaphore, #tpu.memory_space<semaphore_mem>> -> memref<1x!tpu.dma_semaphore, #tpu.memory_space<semaphore_mem>>
      %dma_start3A_78 = tpu.memref_squeeze %dma_start3A_77 : memref<1x!tpu.dma_semaphore, #tpu.memory_space<semaphore_mem>> -> memref<!tpu.dma_semaphore, #tpu.memory_space<semaphore_mem>>
      tpu.enqueue_indirect_dma source(%dma_start3A_76 : memref<10240x64xf32, #tpu.memory_space<hbm>>) target(%dma_start3A_66 : memref<128x64xf32, #tpu.memory_space<vmem>>) offsets(%dma_start3A_69 : memref<128xi32, #tpu.memory_space<vmem>>) semaphore(%dma_start3A_78 : memref<!tpu.dma_semaphore, #tpu.memory_space<semaphore_mem>>)
      %add3A_79 = arith.constant 0 : i32
      %add3A_80 = arith.addi %add3A_79, %add3A_13 : i32
      %add3A_81 = arith.constant 3 : i32
      %add3A_82 = arith.addi %add3A_80, %add3A_81 : i32
      %dma_start3A_83 = arith.constant 3 : i32
      %dma_start3A_84 = arith.constant 3 : i32
      %dma_start3A_85 = arith.constant 0 : i32
      %dma_start3A_86 = arith.constant 0 : i32
      %dma_start3A_87 = tpu.memref_slice %arg9[%dma_start3A_83, %dma_start3A_85, %dma_start3A_86] : memref<4x128x64xf32, #tpu.memory_space<vmem>> -> memref<1x128x64xf32, #tpu.memory_space<vmem>>
      %dma_start3A_88 = tpu.memref_squeeze %dma_start3A_87 : memref<1x128x64xf32, #tpu.memory_space<vmem>> -> memref<128x64xf32, #tpu.memory_space<vmem>>
      %dma_start3A_89 = arith.constant 0 : i32
      %dma_start3A_90 = tpu.memref_slice %arg7[%add3A_82, %dma_start3A_89] : memref<160x128xi32, #tpu.memory_space<vmem>> -> memref<1x128xi32, #tpu.memory_space<vmem>>
      %dma_start3A_91 = tpu.memref_squeeze %dma_start3A_90 : memref<1x128xi32, #tpu.memory_space<vmem>> -> memref<128xi32, #tpu.memory_space<vmem>>
      %dma_start3A_92 = arith.constant 0 : i32
      %dma_start3A_93 = arith.constant 0 : i32
      %dma_start3A_94 = tpu.memref_slice %arg2[%arg0, %dma_start3A_92, %dma_start3A_93] : memref<2x10240x64xf32, #tpu.memory_space<hbm>> -> memref<1x10240x64xf32, #tpu.memory_space<hbm>>
      %dma_start3A_95 = tpu.memref_squeeze %dma_start3A_94 : memref<1x10240x64xf32, #tpu.memory_space<hbm>> -> memref<10240x64xf32, #tpu.memory_space<hbm>>
      %dma_start3A_96 = arith.constant 0 : i32
      %dma_start3A_97 = arith.constant 0 : i32
      %dma_start3A_98 = tpu.memref_slice %dma_start3A_95[%dma_start3A_96, %dma_start3A_97] : memref<10240x64xf32, #tpu.memory_space<hbm>> -> memref<10240x64xf32, #tpu.memory_space<hbm>>
      %dma_start3A_99 = tpu.memref_slice %arg11[%dma_start3A_84] : memref<4x!tpu.dma_semaphore, #tpu.memory_space<semaphore_mem>> -> memref<1x!tpu.dma_semaphore, #tpu.memory_space<semaphore_mem>>
      %dma_start3A_100 = tpu.memref_squeeze %dma_start3A_99 : memref<1x!tpu.dma_semaphore, #tpu.memory_space<semaphore_mem>> -> memref<!tpu.dma_semaphore, #tpu.memory_space<semaphore_mem>>
      tpu.enqueue_indirect_dma source(%dma_start3A_98 : memref<10240x64xf32, #tpu.memory_space<hbm>>) target(%dma_start3A_88 : memref<128x64xf32, #tpu.memory_space<vmem>>) offsets(%dma_start3A_91 : memref<128xi32, #tpu.memory_space<vmem>>) semaphore(%dma_start3A_100 : memref<!tpu.dma_semaphore, #tpu.memory_space<semaphore_mem>>)
      %dma_wait3A = arith.constant 0 : i32
      %dma_wait3A_101 = arith.constant 0 : i32
      %dma_wait3A_102 = arith.constant 0 : i32
      %dma_wait3A_103 = arith.constant 0 : i32
      %dma_wait3A_104 = tpu.memref_slice %arg9[%dma_wait3A, %dma_wait3A_102, %dma_wait3A_103] : memref<4x128x64xf32, #tpu.memory_space<vmem>> -> memref<1x128x64xf32, #tpu.memory_space<vmem>>
      %dma_wait3A_105 = tpu.memref_squeeze %dma_wait3A_104 : memref<1x128x64xf32, #tpu.memory_space<vmem>> -> memref<128x64xf32, #tpu.memory_space<vmem>>
      %dma_wait3A_106 = arith.constant 0 : i32
      %dma_wait3A_107 = tpu.memref_slice %arg7[%add3A_17, %dma_wait3A_106] : memref<160x128xi32, #tpu.memory_space<vmem>> -> memref<1x128xi32, #tpu.memory_space<vmem>>
      %dma_wait3A_108 = tpu.memref_squeeze %dma_wait3A_107 : memref<1x128xi32, #tpu.memory_space<vmem>> -> memref<128xi32, #tpu.memory_space<vmem>>
      %dma_wait3A_109 = arith.constant 0 : i32
      %dma_wait3A_110 = arith.constant 0 : i32
      %dma_wait3A_111 = tpu.memref_slice %arg2[%arg0, %dma_wait3A_109, %dma_wait3A_110] : memref<2x10240x64xf32, #tpu.memory_space<hbm>> -> memref<1x10240x64xf32, #tpu.memory_space<hbm>>
      %dma_wait3A_112 = tpu.memref_squeeze %dma_wait3A_111 : memref<1x10240x64xf32, #tpu.memory_space<hbm>> -> memref<10240x64xf32, #tpu.memory_space<hbm>>
      %dma_wait3A_113 = arith.constant 0 : i32
      %dma_wait3A_114 = arith.constant 0 : i32
      %dma_wait3A_115 = tpu.memref_slice %dma_wait3A_112[%dma_wait3A_113, %dma_wait3A_114] : memref<10240x64xf32, #tpu.memory_space<hbm>> -> memref<10240x64xf32, #tpu.memory_space<hbm>>
      %dma_wait3A_116 = tpu.memref_slice %arg11[%dma_wait3A_101] : memref<4x!tpu.dma_semaphore, #tpu.memory_space<semaphore_mem>> -> memref<1x!tpu.dma_semaphore, #tpu.memory_space<semaphore_mem>>
      %dma_wait3A_117 = tpu.memref_squeeze %dma_wait3A_116 : memref<1x!tpu.dma_semaphore, #tpu.memory_space<semaphore_mem>> -> memref<!tpu.dma_semaphore, #tpu.memory_space<semaphore_mem>>
      tpu.wait_indirect_dma semaphore(%dma_wait3A_117 : memref<!tpu.dma_semaphore, #tpu.memory_space<semaphore_mem>>) src(%dma_wait3A_115 : memref<10240x64xf32, #tpu.memory_space<hbm>>) dst(%dma_wait3A_105 : memref<128x64xf32, #tpu.memory_space<vmem>>)
      %add3A_118 = arith.constant 0 : i32
      %add3A_119 = arith.addi %add3A_118, %add3A_13 : i32
      %add3A_120 = arith.constant 0 : i32
      %add3A_121 = arith.addi %add3A_119, %add3A_120 : i32
      %dma_start3A_122 = arith.constant 0 : i32
      %dma_start3A_123 = arith.constant 0 : i32
      %dma_start3A_124 = arith.constant 0 : i32
      %dma_start3A_125 = arith.constant 0 : i32
      %dma_start3A_126 = tpu.memref_slice %arg9[%dma_start3A_122, %dma_start3A_124, %dma_start3A_125] : memref<4x128x64xf32, #tpu.memory_space<vmem>> -> memref<1x128x64xf32, #tpu.memory_space<vmem>>
      %dma_start3A_127 = tpu.memref_squeeze %dma_start3A_126 : memref<1x128x64xf32, #tpu.memory_space<vmem>> -> memref<128x64xf32, #tpu.memory_space<vmem>>
      %dma_start3A_128 = arith.constant 0 : i32
      %dma_start3A_129 = tpu.memref_slice %arg8[%add3A_121, %dma_start3A_128] : memref<160x128xi32, #tpu.memory_space<vmem>> -> memref<1x128xi32, #tpu.memory_space<vmem>>
      %dma_start3A_130 = tpu.memref_squeeze %dma_start3A_129 : memref<1x128xi32, #tpu.memory_space<vmem>> -> memref<128xi32, #tpu.memory_space<vmem>>
      %dma_start3A_131 = arith.constant 0 : i32
      %dma_start3A_132 = arith.constant 0 : i32
      %dma_start3A_133 = tpu.memref_slice %arg10[%dma_start3A_131, %dma_start3A_132] : memref<10240x64xf32, #tpu.memory_space<vmem_shared>> -> memref<10240x64xf32, #tpu.memory_space<vmem_shared>>
      %dma_start3A_134 = tpu.memref_slice %arg12[%dma_start3A_123] : memref<4x!tpu.dma_semaphore, #tpu.memory_space<semaphore_mem>> -> memref<1x!tpu.dma_semaphore, #tpu.memory_space<semaphore_mem>>
      %dma_start3A_135 = tpu.memref_squeeze %dma_start3A_134 : memref<1x!tpu.dma_semaphore, #tpu.memory_space<semaphore_mem>> -> memref<!tpu.dma_semaphore, #tpu.memory_space<semaphore_mem>>
      tpu.enqueue_indirect_dma source(%dma_start3A_127 : memref<128x64xf32, #tpu.memory_space<vmem>>) target(%dma_start3A_133 : memref<10240x64xf32, #tpu.memory_space<vmem_shared>>) offsets(%dma_start3A_130 : memref<128xi32, #tpu.memory_space<vmem>>) semaphore(%dma_start3A_135 : memref<!tpu.dma_semaphore, #tpu.memory_space<semaphore_mem>>) {add = true}
      %dma_wait3A_136 = arith.constant 1 : i32
      %dma_wait3A_137 = arith.constant 1 : i32
      %dma_wait3A_138 = arith.constant 0 : i32
      %dma_wait3A_139 = arith.constant 0 : i32
      %dma_wait3A_140 = tpu.memref_slice %arg9[%dma_wait3A_136, %dma_wait3A_138, %dma_wait3A_139] : memref<4x128x64xf32, #tpu.memory_space<vmem>> -> memref<1x128x64xf32, #tpu.memory_space<vmem>>
      %dma_wait3A_141 = tpu.memref_squeeze %dma_wait3A_140 : memref<1x128x64xf32, #tpu.memory_space<vmem>> -> memref<128x64xf32, #tpu.memory_space<vmem>>
      %dma_wait3A_142 = arith.constant 0 : i32
      %dma_wait3A_143 = tpu.memref_slice %arg7[%add3A_38, %dma_wait3A_142] : memref<160x128xi32, #tpu.memory_space<vmem>> -> memref<1x128xi32, #tpu.memory_space<vmem>>
      %dma_wait3A_144 = tpu.memref_squeeze %dma_wait3A_143 : memref<1x128xi32, #tpu.memory_space<vmem>> -> memref<128xi32, #tpu.memory_space<vmem>>
      %dma_wait3A_145 = arith.constant 0 : i32
      %dma_wait3A_146 = arith.constant 0 : i32
      %dma_wait3A_147 = tpu.memref_slice %arg2[%arg0, %dma_wait3A_145, %dma_wait3A_146] : memref<2x10240x64xf32, #tpu.memory_space<hbm>> -> memref<1x10240x64xf32, #tpu.memory_space<hbm>>
      %dma_wait3A_148 = tpu.memref_squeeze %dma_wait3A_147 : memref<1x10240x64xf32, #tpu.memory_space<hbm>> -> memref<10240x64xf32, #tpu.memory_space<hbm>>
      %dma_wait3A_149 = arith.constant 0 : i32
      %dma_wait3A_150 = arith.constant 0 : i32
      %dma_wait3A_151 = tpu.memref_slice %dma_wait3A_148[%dma_wait3A_149, %dma_wait3A_150] : memref<10240x64xf32, #tpu.memory_space<hbm>> -> memref<10240x64xf32, #tpu.memory_space<hbm>>
      %dma_wait3A_152 = tpu.memref_slice %arg11[%dma_wait3A_137] : memref<4x!tpu.dma_semaphore, #tpu.memory_space<semaphore_mem>> -> memref<1x!tpu.dma_semaphore, #tpu.memory_space<semaphore_mem>>
      %dma_wait3A_153 = tpu.memref_squeeze %dma_wait3A_152 : memref<1x!tpu.dma_semaphore, #tpu.memory_space<semaphore_mem>> -> memref<!tpu.dma_semaphore, #tpu.memory_space<semaphore_mem>>
      tpu.wait_indirect_dma semaphore(%dma_wait3A_153 : memref<!tpu.dma_semaphore, #tpu.memory_space<semaphore_mem>>) src(%dma_wait3A_151 : memref<10240x64xf32, #tpu.memory_space<hbm>>) dst(%dma_wait3A_141 : memref<128x64xf32, #tpu.memory_space<vmem>>)
      %add3A_154 = arith.constant 0 : i32
      %add3A_155 = arith.addi %add3A_154, %add3A_13 : i32
      %add3A_156 = arith.constant 1 : i32
      %add3A_157 = arith.addi %add3A_155, %add3A_156 : i32
      %dma_start3A_158 = arith.constant 1 : i32
      %dma_start3A_159 = arith.constant 1 : i32
      %dma_start3A_160 = arith.constant 0 : i32
      %dma_start3A_161 = arith.constant 0 : i32
      %dma_start3A_162 = tpu.memref_slice %arg9[%dma_start3A_158, %dma_start3A_160, %dma_start3A_161] : memref<4x128x64xf32, #tpu.memory_space<vmem>> -> memref<1x128x64xf32, #tpu.memory_space<vmem>>
      %dma_start3A_163 = tpu.memref_squeeze %dma_start3A_162 : memref<1x128x64xf32, #tpu.memory_space<vmem>> -> memref<128x64xf32, #tpu.memory_space<vmem>>
      %dma_start3A_164 = arith.constant 0 : i32
      %dma_start3A_165 = tpu.memref_slice %arg8[%add3A_157, %dma_start3A_164] : memref<160x128xi32, #tpu.memory_space<vmem>> -> memref<1x128xi32, #tpu.memory_space<vmem>>
      %dma_start3A_166 = tpu.memref_squeeze %dma_start3A_165 : memref<1x128xi32, #tpu.memory_space<vmem>> -> memref<128xi32, #tpu.memory_space<vmem>>
      %dma_start3A_167 = arith.constant 0 : i32
      %dma_start3A_168 = arith.constant 0 : i32
      %dma_start3A_169 = tpu.memref_slice %arg10[%dma_start3A_167, %dma_start3A_168] : memref<10240x64xf32, #tpu.memory_space<vmem_shared>> -> memref<10240x64xf32, #tpu.memory_space<vmem_shared>>
      %dma_start3A_170 = tpu.memref_slice %arg12[%dma_start3A_159] : memref<4x!tpu.dma_semaphore, #tpu.memory_space<semaphore_mem>> -> memref<1x!tpu.dma_semaphore, #tpu.memory_space<semaphore_mem>>
      %dma_start3A_171 = tpu.memref_squeeze %dma_start3A_170 : memref<1x!tpu.dma_semaphore, #tpu.memory_space<semaphore_mem>> -> memref<!tpu.dma_semaphore, #tpu.memory_space<semaphore_mem>>
      tpu.enqueue_indirect_dma source(%dma_start3A_163 : memref<128x64xf32, #tpu.memory_space<vmem>>) target(%dma_start3A_169 : memref<10240x64xf32, #tpu.memory_space<vmem_shared>>) offsets(%dma_start3A_166 : memref<128xi32, #tpu.memory_space<vmem>>) semaphore(%dma_start3A_171 : memref<!tpu.dma_semaphore, #tpu.memory_space<semaphore_mem>>) {add = true}
      %dma_wait3A_172 = arith.constant 2 : i32
      %dma_wait3A_173 = arith.constant 2 : i32
      %dma_wait3A_174 = arith.constant 0 : i32
      %dma_wait3A_175 = arith.constant 0 : i32
      %dma_wait3A_176 = tpu.memref_slice %arg9[%dma_wait3A_172, %dma_wait3A_174, %dma_wait3A_175] : memref<4x128x64xf32, #tpu.memory_space<vmem>> -> memref<1x128x64xf32, #tpu.memory_space<vmem>>
      %dma_wait3A_177 = tpu.memref_squeeze %dma_wait3A_176 : memref<1x128x64xf32, #tpu.memory_space<vmem>> -> memref<128x64xf32, #tpu.memory_space<vmem>>
      %dma_wait3A_178 = arith.constant 0 : i32
      %dma_wait3A_179 = tpu.memref_slice %arg7[%add3A_60, %dma_wait3A_178] : memref<160x128xi32, #tpu.memory_space<vmem>> -> memref<1x128xi32, #tpu.memory_space<vmem>>
      %dma_wait3A_180 = tpu.memref_squeeze %dma_wait3A_179 : memref<1x128xi32, #tpu.memory_space<vmem>> -> memref<128xi32, #tpu.memory_space<vmem>>
      %dma_wait3A_181 = arith.constant 0 : i32
      %dma_wait3A_182 = arith.constant 0 : i32
      %dma_wait3A_183 = tpu.memref_slice %arg2[%arg0, %dma_wait3A_181, %dma_wait3A_182] : memref<2x10240x64xf32, #tpu.memory_space<hbm>> -> memref<1x10240x64xf32, #tpu.memory_space<hbm>>
      %dma_wait3A_184 = tpu.memref_squeeze %dma_wait3A_183 : memref<1x10240x64xf32, #tpu.memory_space<hbm>> -> memref<10240x64xf32, #tpu.memory_space<hbm>>
      %dma_wait3A_185 = arith.constant 0 : i32
      %dma_wait3A_186 = arith.constant 0 : i32
      %dma_wait3A_187 = tpu.memref_slice %dma_wait3A_184[%dma_wait3A_185, %dma_wait3A_186] : memref<10240x64xf32, #tpu.memory_space<hbm>> -> memref<10240x64xf32, #tpu.memory_space<hbm>>
      %dma_wait3A_188 = tpu.memref_slice %arg11[%dma_wait3A_173] : memref<4x!tpu.dma_semaphore, #tpu.memory_space<semaphore_mem>> -> memref<1x!tpu.dma_semaphore, #tpu.memory_space<semaphore_mem>>
      %dma_wait3A_189 = tpu.memref_squeeze %dma_wait3A_188 : memref<1x!tpu.dma_semaphore, #tpu.memory_space<semaphore_mem>> -> memref<!tpu.dma_semaphore, #tpu.memory_space<semaphore_mem>>
      tpu.wait_indirect_dma semaphore(%dma_wait3A_189 : memref<!tpu.dma_semaphore, #tpu.memory_space<semaphore_mem>>) src(%dma_wait3A_187 : memref<10240x64xf32, #tpu.memory_space<hbm>>) dst(%dma_wait3A_177 : memref<128x64xf32, #tpu.memory_space<vmem>>)
      %add3A_190 = arith.constant 0 : i32
      %add3A_191 = arith.addi %add3A_190, %add3A_13 : i32
      %add3A_192 = arith.constant 2 : i32
      %add3A_193 = arith.addi %add3A_191, %add3A_192 : i32
      %dma_start3A_194 = arith.constant 2 : i32
      %dma_start3A_195 = arith.constant 2 : i32
      %dma_start3A_196 = arith.constant 0 : i32
      %dma_start3A_197 = arith.constant 0 : i32
      %dma_start3A_198 = tpu.memref_slice %arg9[%dma_start3A_194, %dma_start3A_196, %dma_start3A_197] : memref<4x128x64xf32, #tpu.memory_space<vmem>> -> memref<1x128x64xf32, #tpu.memory_space<vmem>>
      %dma_start3A_199 = tpu.memref_squeeze %dma_start3A_198 : memref<1x128x64xf32, #tpu.memory_space<vmem>> -> memref<128x64xf32, #tpu.memory_space<vmem>>
      %dma_start3A_200 = arith.constant 0 : i32
      %dma_start3A_201 = tpu.memref_slice %arg8[%add3A_193, %dma_start3A_200] : memref<160x128xi32, #tpu.memory_space<vmem>> -> memref<1x128xi32, #tpu.memory_space<vmem>>
      %dma_start3A_202 = tpu.memref_squeeze %dma_start3A_201 : memref<1x128xi32, #tpu.memory_space<vmem>> -> memref<128xi32, #tpu.memory_space<vmem>>
      %dma_start3A_203 = arith.constant 0 : i32
      %dma_start3A_204 = arith.constant 0 : i32
      %dma_start3A_205 = tpu.memref_slice %arg10[%dma_start3A_203, %dma_start3A_204] : memref<10240x64xf32, #tpu.memory_space<vmem_shared>> -> memref<10240x64xf32, #tpu.memory_space<vmem_shared>>
      %dma_start3A_206 = tpu.memref_slice %arg12[%dma_start3A_195] : memref<4x!tpu.dma_semaphore, #tpu.memory_space<semaphore_mem>> -> memref<1x!tpu.dma_semaphore, #tpu.memory_space<semaphore_mem>>
      %dma_start3A_207 = tpu.memref_squeeze %dma_start3A_206 : memref<1x!tpu.dma_semaphore, #tpu.memory_space<semaphore_mem>> -> memref<!tpu.dma_semaphore, #tpu.memory_space<semaphore_mem>>
      tpu.enqueue_indirect_dma source(%dma_start3A_199 : memref<128x64xf32, #tpu.memory_space<vmem>>) target(%dma_start3A_205 : memref<10240x64xf32, #tpu.memory_space<vmem_shared>>) offsets(%dma_start3A_202 : memref<128xi32, #tpu.memory_space<vmem>>) semaphore(%dma_start3A_207 : memref<!tpu.dma_semaphore, #tpu.memory_space<semaphore_mem>>) {add = true}
      %dma_wait3A_208 = arith.constant 3 : i32
      %dma_wait3A_209 = arith.constant 3 : i32
      %dma_wait3A_210 = arith.constant 0 : i32
      %dma_wait3A_211 = arith.constant 0 : i32
      %dma_wait3A_212 = tpu.memref_slice %arg9[%dma_wait3A_208, %dma_wait3A_210, %dma_wait3A_211] : memref<4x128x64xf32, #tpu.memory_space<vmem>> -> memref<1x128x64xf32, #tpu.memory_space<vmem>>
      %dma_wait3A_213 = tpu.memref_squeeze %dma_wait3A_212 : memref<1x128x64xf32, #tpu.memory_space<vmem>> -> memref<128x64xf32, #tpu.memory_space<vmem>>
      %dma_wait3A_214 = arith.constant 0 : i32
      %dma_wait3A_215 = tpu.memref_slice %arg7[%add3A_82, %dma_wait3A_214] : memref<160x128xi32, #tpu.memory_space<vmem>> -> memref<1x128xi32, #tpu.memory_space<vmem>>
      %dma_wait3A_216 = tpu.memref_squeeze %dma_wait3A_215 : memref<1x128xi32, #tpu.memory_space<vmem>> -> memref<128xi32, #tpu.memory_space<vmem>>
      %dma_wait3A_217 = arith.constant 0 : i32
      %dma_wait3A_218 = arith.constant 0 : i32
      %dma_wait3A_219 = tpu.memref_slice %arg2[%arg0, %dma_wait3A_217, %dma_wait3A_218] : memref<2x10240x64xf32, #tpu.memory_space<hbm>> -> memref<1x10240x64xf32, #tpu.memory_space<hbm>>
      %dma_wait3A_220 = tpu.memref_squeeze %dma_wait3A_219 : memref<1x10240x64xf32, #tpu.memory_space<hbm>> -> memref<10240x64xf32, #tpu.memory_space<hbm>>
      %dma_wait3A_221 = arith.constant 0 : i32
      %dma_wait3A_222 = arith.constant 0 : i32
      %dma_wait3A_223 = tpu.memref_slice %dma_wait3A_220[%dma_wait3A_221, %dma_wait3A_222] : memref<10240x64xf32, #tpu.memory_space<hbm>> -> memref<10240x64xf32, #tpu.memory_space<hbm>>
      %dma_wait3A_224 = tpu.memref_slice %arg11[%dma_wait3A_209] : memref<4x!tpu.dma_semaphore, #tpu.memory_space<semaphore_mem>> -> memref<1x!tpu.dma_semaphore, #tpu.memory_space<semaphore_mem>>
      %dma_wait3A_225 = tpu.memref_squeeze %dma_wait3A_224 : memref<1x!tpu.dma_semaphore, #tpu.memory_space<semaphore_mem>> -> memref<!tpu.dma_semaphore, #tpu.memory_space<semaphore_mem>>
      tpu.wait_indirect_dma semaphore(%dma_wait3A_225 : memref<!tpu.dma_semaphore, #tpu.memory_space<semaphore_mem>>) src(%dma_wait3A_223 : memref<10240x64xf32, #tpu.memory_space<hbm>>) dst(%dma_wait3A_213 : memref<128x64xf32, #tpu.memory_space<vmem>>)
      %add3A_226 = arith.constant 0 : i32
      %add3A_227 = arith.addi %add3A_226, %add3A_13 : i32
      %add3A_228 = arith.constant 3 : i32
      %add3A_229 = arith.addi %add3A_227, %add3A_228 : i32
      %dma_start3A_230 = arith.constant 3 : i32
      %dma_start3A_231 = arith.constant 3 : i32
      %dma_start3A_232 = arith.constant 0 : i32
      %dma_start3A_233 = arith.constant 0 : i32
      %dma_start3A_234 = tpu.memref_slice %arg9[%dma_start3A_230, %dma_start3A_232, %dma_start3A_233] : memref<4x128x64xf32, #tpu.memory_space<vmem>> -> memref<1x128x64xf32, #tpu.memory_space<vmem>>
      %dma_start3A_235 = tpu.memref_squeeze %dma_start3A_234 : memref<1x128x64xf32, #tpu.memory_space<vmem>> -> memref<128x64xf32, #tpu.memory_space<vmem>>
      %dma_start3A_236 = arith.constant 0 : i32
      %dma_start3A_237 = tpu.memref_slice %arg8[%add3A_229, %dma_start3A_236] : memref<160x128xi32, #tpu.memory_space<vmem>> -> memref<1x128xi32, #tpu.memory_space<vmem>>
      %dma_start3A_238 = tpu.memref_squeeze %dma_start3A_237 : memref<1x128xi32, #tpu.memory_space<vmem>> -> memref<128xi32, #tpu.memory_space<vmem>>
      %dma_start3A_239 = arith.constant 0 : i32
      %dma_start3A_240 = arith.constant 0 : i32
      %dma_start3A_241 = tpu.memref_slice %arg10[%dma_start3A_239, %dma_start3A_240] : memref<10240x64xf32, #tpu.memory_space<vmem_shared>> -> memref<10240x64xf32, #tpu.memory_space<vmem_shared>>
      %dma_start3A_242 = tpu.memref_slice %arg12[%dma_start3A_231] : memref<4x!tpu.dma_semaphore, #tpu.memory_space<semaphore_mem>> -> memref<1x!tpu.dma_semaphore, #tpu.memory_space<semaphore_mem>>
      %dma_start3A_243 = tpu.memref_squeeze %dma_start3A_242 : memref<1x!tpu.dma_semaphore, #tpu.memory_space<semaphore_mem>> -> memref<!tpu.dma_semaphore, #tpu.memory_space<semaphore_mem>>
      tpu.enqueue_indirect_dma source(%dma_start3A_235 : memref<128x64xf32, #tpu.memory_space<vmem>>) target(%dma_start3A_241 : memref<10240x64xf32, #tpu.memory_space<vmem_shared>>) offsets(%dma_start3A_238 : memref<128xi32, #tpu.memory_space<vmem>>) semaphore(%dma_start3A_243 : memref<!tpu.dma_semaphore, #tpu.memory_space<semaphore_mem>>) {add = true}
      %dma_wait3A_244 = arith.constant 0 : i32
      %dma_wait3A_245 = arith.constant 0 : i32
      %dma_wait3A_246 = arith.constant 0 : i32
      %dma_wait3A_247 = arith.constant 0 : i32
      %dma_wait3A_248 = tpu.memref_slice %arg9[%dma_wait3A_244, %dma_wait3A_246, %dma_wait3A_247] : memref<4x128x64xf32, #tpu.memory_space<vmem>> -> memref<1x128x64xf32, #tpu.memory_space<vmem>>
      %dma_wait3A_249 = tpu.memref_squeeze %dma_wait3A_248 : memref<1x128x64xf32, #tpu.memory_space<vmem>> -> memref<128x64xf32, #tpu.memory_space<vmem>>
      %dma_wait3A_250 = arith.constant 0 : i32
      %dma_wait3A_251 = tpu.memref_slice %arg8[%add3A_121, %dma_wait3A_250] : memref<160x128xi32, #tpu.memory_space<vmem>> -> memref<1x128xi32, #tpu.memory_space<vmem>>
      %dma_wait3A_252 = tpu.memref_squeeze %dma_wait3A_251 : memref<1x128xi32, #tpu.memory_space<vmem>> -> memref<128xi32, #tpu.memory_space<vmem>>
      %dma_wait3A_253 = arith.constant 0 : i32
      %dma_wait3A_254 = arith.constant 0 : i32
      %dma_wait3A_255 = tpu.memref_slice %arg10[%dma_wait3A_253, %dma_wait3A_254] : memref<10240x64xf32, #tpu.memory_space<vmem_shared>> -> memref<10240x64xf32, #tpu.memory_space<vmem_shared>>
      %dma_wait3A_256 = tpu.memref_slice %arg12[%dma_wait3A_245] : memref<4x!tpu.dma_semaphore, #tpu.memory_space<semaphore_mem>> -> memref<1x!tpu.dma_semaphore, #tpu.memory_space<semaphore_mem>>
      %dma_wait3A_257 = tpu.memref_squeeze %dma_wait3A_256 : memref<1x!tpu.dma_semaphore, #tpu.memory_space<semaphore_mem>> -> memref<!tpu.dma_semaphore, #tpu.memory_space<semaphore_mem>>
      tpu.wait_indirect_dma semaphore(%dma_wait3A_257 : memref<!tpu.dma_semaphore, #tpu.memory_space<semaphore_mem>>) src(%dma_wait3A_249 : memref<128x64xf32, #tpu.memory_space<vmem>>) dst(%dma_wait3A_255 : memref<10240x64xf32, #tpu.memory_space<vmem_shared>>)
      %dma_wait3A_258 = arith.constant 1 : i32
      %dma_wait3A_259 = arith.constant 1 : i32
      %dma_wait3A_260 = arith.constant 0 : i32
      %dma_wait3A_261 = arith.constant 0 : i32
      %dma_wait3A_262 = tpu.memref_slice %arg9[%dma_wait3A_258, %dma_wait3A_260, %dma_wait3A_261] : memref<4x128x64xf32, #tpu.memory_space<vmem>> -> memref<1x128x64xf32, #tpu.memory_space<vmem>>
      %dma_wait3A_263 = tpu.memref_squeeze %dma_wait3A_262 : memref<1x128x64xf32, #tpu.memory_space<vmem>> -> memref<128x64xf32, #tpu.memory_space<vmem>>
      %dma_wait3A_264 = arith.constant 0 : i32
      %dma_wait3A_265 = tpu.memref_slice %arg8[%add3A_157, %dma_wait3A_264] : memref<160x128xi32, #tpu.memory_space<vmem>> -> memref<1x128xi32, #tpu.memory_space<vmem>>
      %dma_wait3A_266 = tpu.memref_squeeze %dma_wait3A_265 : memref<1x128xi32, #tpu.memory_space<vmem>> -> memref<128xi32, #tpu.memory_space<vmem>>
      %dma_wait3A_267 = arith.constant 0 : i32
      %dma_wait3A_268 = arith.constant 0 : i32
      %dma_wait3A_269 = tpu.memref_slice %arg10[%dma_wait3A_267, %dma_wait3A_268] : memref<10240x64xf32, #tpu.memory_space<vmem_shared>> -> memref<10240x64xf32, #tpu.memory_space<vmem_shared>>
      %dma_wait3A_270 = tpu.memref_slice %arg12[%dma_wait3A_259] : memref<4x!tpu.dma_semaphore, #tpu.memory_space<semaphore_mem>> -> memref<1x!tpu.dma_semaphore, #tpu.memory_space<semaphore_mem>>
      %dma_wait3A_271 = tpu.memref_squeeze %dma_wait3A_270 : memref<1x!tpu.dma_semaphore, #tpu.memory_space<semaphore_mem>> -> memref<!tpu.dma_semaphore, #tpu.memory_space<semaphore_mem>>
      tpu.wait_indirect_dma semaphore(%dma_wait3A_271 : memref<!tpu.dma_semaphore, #tpu.memory_space<semaphore_mem>>) src(%dma_wait3A_263 : memref<128x64xf32, #tpu.memory_space<vmem>>) dst(%dma_wait3A_269 : memref<10240x64xf32, #tpu.memory_space<vmem_shared>>)
      %dma_wait3A_272 = arith.constant 2 : i32
      %dma_wait3A_273 = arith.constant 2 : i32
      %dma_wait3A_274 = arith.constant 0 : i32
      %dma_wait3A_275 = arith.constant 0 : i32
      %dma_wait3A_276 = tpu.memref_slice %arg9[%dma_wait3A_272, %dma_wait3A_274, %dma_wait3A_275] : memref<4x128x64xf32, #tpu.memory_space<vmem>> -> memref<1x128x64xf32, #tpu.memory_space<vmem>>
      %dma_wait3A_277 = tpu.memref_squeeze %dma_wait3A_276 : memref<1x128x64xf32, #tpu.memory_space<vmem>> -> memref<128x64xf32, #tpu.memory_space<vmem>>
      %dma_wait3A_278 = arith.constant 0 : i32
      %dma_wait3A_279 = tpu.memref_slice %arg8[%add3A_193, %dma_wait3A_278] : memref<160x128xi32, #tpu.memory_space<vmem>> -> memref<1x128xi32, #tpu.memory_space<vmem>>
      %dma_wait3A_280 = tpu.memref_squeeze %dma_wait3A_279 : memref<1x128xi32, #tpu.memory_space<vmem>> -> memref<128xi32, #tpu.memory_space<vmem>>
      %dma_wait3A_281 = arith.constant 0 : i32
      %dma_wait3A_282 = arith.constant 0 : i32
      %dma_wait3A_283 = tpu.memref_slice %arg10[%dma_wait3A_281, %dma_wait3A_282] : memref<10240x64xf32, #tpu.memory_space<vmem_shared>> -> memref<10240x64xf32, #tpu.memory_space<vmem_shared>>
      %dma_wait3A_284 = tpu.memref_slice %arg12[%dma_wait3A_273] : memref<4x!tpu.dma_semaphore, #tpu.memory_space<semaphore_mem>> -> memref<1x!tpu.dma_semaphore, #tpu.memory_space<semaphore_mem>>
      %dma_wait3A_285 = tpu.memref_squeeze %dma_wait3A_284 : memref<1x!tpu.dma_semaphore, #tpu.memory_space<semaphore_mem>> -> memref<!tpu.dma_semaphore, #tpu.memory_space<semaphore_mem>>
      tpu.wait_indirect_dma semaphore(%dma_wait3A_285 : memref<!tpu.dma_semaphore, #tpu.memory_space<semaphore_mem>>) src(%dma_wait3A_277 : memref<128x64xf32, #tpu.memory_space<vmem>>) dst(%dma_wait3A_283 : memref<10240x64xf32, #tpu.memory_space<vmem_shared>>)
      %dma_wait3A_286 = arith.constant 3 : i32
      %dma_wait3A_287 = arith.constant 3 : i32
      %dma_wait3A_288 = arith.constant 0 : i32
      %dma_wait3A_289 = arith.constant 0 : i32
      %dma_wait3A_290 = tpu.memref_slice %arg9[%dma_wait3A_286, %dma_wait3A_288, %dma_wait3A_289] : memref<4x128x64xf32, #tpu.memory_space<vmem>> -> memref<1x128x64xf32, #tpu.memory_space<vmem>>
      %dma_wait3A_291 = tpu.memref_squeeze %dma_wait3A_290 : memref<1x128x64xf32, #tpu.memory_space<vmem>> -> memref<128x64xf32, #tpu.memory_space<vmem>>
      %dma_wait3A_292 = arith.constant 0 : i32
      %dma_wait3A_293 = tpu.memref_slice %arg8[%add3A_229, %dma_wait3A_292] : memref<160x128xi32, #tpu.memory_space<vmem>> -> memref<1x128xi32, #tpu.memory_space<vmem>>
      %dma_wait3A_294 = tpu.memref_squeeze %dma_wait3A_293 : memref<1x128xi32, #tpu.memory_space<vmem>> -> memref<128xi32, #tpu.memory_space<vmem>>
      %dma_wait3A_295 = arith.constant 0 : i32
      %dma_wait3A_296 = arith.constant 0 : i32
      %dma_wait3A_297 = tpu.memref_slice %arg10[%dma_wait3A_295, %dma_wait3A_296] : memref<10240x64xf32, #tpu.memory_space<vmem_shared>> -> memref<10240x64xf32, #tpu.memory_space<vmem_shared>>
      %dma_wait3A_298 = tpu.memref_slice %arg12[%dma_wait3A_287] : memref<4x!tpu.dma_semaphore, #tpu.memory_space<semaphore_mem>> -> memref<1x!tpu.dma_semaphore, #tpu.memory_space<semaphore_mem>>
      %dma_wait3A_299 = tpu.memref_squeeze %dma_wait3A_298 : memref<1x!tpu.dma_semaphore, #tpu.memory_space<semaphore_mem>> -> memref<!tpu.dma_semaphore, #tpu.memory_space<semaphore_mem>>
      tpu.wait_indirect_dma semaphore(%dma_wait3A_299 : memref<!tpu.dma_semaphore, #tpu.memory_space<semaphore_mem>>) src(%dma_wait3A_291 : memref<128x64xf32, #tpu.memory_space<vmem>>) dst(%dma_wait3A_297 : memref<10240x64xf32, #tpu.memory_space<vmem_shared>>)
    }
    %scan3A_4 = arith.constant 40 : i32
    %barrier3A_5 = arith.constant 0 : index
    tpu.barrier barrier_id(%barrier3A_5)
    %mul3A_6 = arith.constant 640 : i32
    %mul3A_7 = arith.muli %arg1, %mul3A_6 : i32
    %mul3A_8 = arith.constant 640 : i32
    %mul3A_9 = arith.muli %arg1, %mul3A_8 : i32
    "tpu.region"() ({
      %run_scoped3A = tpu.sem_alloc : memref<!tpu.dma_semaphore, #tpu.memory_space<semaphore_mem>>
      %dma_start3A = arith.constant 0 : i32
      %dma_start3A_10 = arith.constant 0 : i32
      %dma_start3A_11 = tpu.memref_slice %arg6[%arg0, %dma_start3A, %dma_start3A_10] : memref<2x10240x64xf32, #tpu.memory_space<hbm>> -> memref<1x10240x64xf32, #tpu.memory_space<hbm>>
      %dma_start3A_12 = tpu.memref_squeeze %dma_start3A_11 : memref<1x10240x64xf32, #tpu.memory_space<hbm>> -> memref<10240x64xf32, #tpu.memory_space<hbm>>
      %dma_start3A_13 = arith.constant 0 : i32
      %dma_start3A_14 = tpu.memref_slice %dma_start3A_12[%mul3A_9, %dma_start3A_13] : memref<10240x64xf32, #tpu.memory_space<hbm>> -> memref<640x64xf32, #tpu.memory_space<hbm>>
      %dma_start3A_15 = arith.constant 0 : i32
      %dma_start3A_16 = tpu.memref_slice %arg10[%mul3A_7, %dma_start3A_15] : memref<10240x64xf32, #tpu.memory_space<vmem_shared>> -> memref<640x64xf32, #tpu.memory_space<vmem_shared>>
      tpu.enqueue_dma source(%dma_start3A_16 : memref<640x64xf32, #tpu.memory_space<vmem_shared>>) target(%dma_start3A_14 : memref<640x64xf32, #tpu.memory_space<hbm>>) target_semaphore(%run_scoped3A : memref<!tpu.dma_semaphore, #tpu.memory_space<semaphore_mem>>)
      %dma_wait3A = arith.constant 0 : i32
      %dma_wait3A_17 = arith.constant 0 : i32
      %dma_wait3A_18 = tpu.memref_slice %arg6[%arg0, %dma_wait3A, %dma_wait3A_17] : memref<2x10240x64xf32, #tpu.memory_space<hbm>> -> memref<1x10240x64xf32, #tpu.memory_space<hbm>>
      %dma_wait3A_19 = tpu.memref_squeeze %dma_wait3A_18 : memref<1x10240x64xf32, #tpu.memory_space<hbm>> -> memref<10240x64xf32, #tpu.memory_space<hbm>>
      %dma_wait3A_20 = arith.constant 0 : i32
      %dma_wait3A_21 = tpu.memref_slice %dma_wait3A_19[%mul3A_9, %dma_wait3A_20] : memref<10240x64xf32, #tpu.memory_space<hbm>> -> memref<640x64xf32, #tpu.memory_space<hbm>>
      %dma_wait3A_22 = arith.constant 0 : i32
      %dma_wait3A_23 = tpu.memref_slice %arg10[%mul3A_7, %dma_wait3A_22] : memref<10240x64xf32, #tpu.memory_space<vmem_shared>> -> memref<640x64xf32, #tpu.memory_space<vmem_shared>>
      tpu.wait_dma2 semaphore(%run_scoped3A : memref<!tpu.dma_semaphore, #tpu.memory_space<semaphore_mem>>) src(%dma_wait3A_23 : memref<640x64xf32, #tpu.memory_space<vmem_shared>>) dst(%dma_wait3A_21 : memref<640x64xf32, #tpu.memory_space<hbm>>)
      tpu.yield
    }) : () -> ()
    return
  }
}

#map = affine_map<(d0, d1) -> (0, 0, 0)>
#map1 = affine_map<(d0, d1) -> (0, 0)>
module attributes {stable_mosaic.version = 14 : i64} {
  func.func @k(%arg0: i32, %arg1: i32, %arg2: memref<2x10240x16xf32, #tpu.memory_space<hbm>>, %arg3: memref<16x160x128xi32, #tpu.memory_space<hbm>>, %arg4: memref<16x160x128xi32, #tpu.memory_space<hbm>>, %arg5: memref<640x16xf32, #tpu.memory_space<hbm>>, %arg6: memref<2x10240x16xf32, #tpu.memory_space<hbm>>, %arg7: memref<160x128xi32, #tpu.memory_space<vmem>>, %arg8: memref<160x128xi32, #tpu.memory_space<vmem>>, %arg9: memref<4x128x16xf32, #tpu.memory_space<vmem>>, %arg10: memref<10240x16xf32, #tpu.memory_space<vmem_shared>>, %arg11: memref<4x!tpu.dma_semaphore, #tpu.memory_space<semaphore_mem>>, %arg12: memref<4x!tpu.dma_semaphore, #tpu.memory_space<semaphore_mem>>) attributes {dimension_semantics = [#tpu.dimension_semantics<core_parallel>, #tpu.dimension_semantics<subcore_parallel>], iteration_bounds = array<i64: 2, 16>, scalar_prefetch = 0 : i64, scratch_operands = 6 : i64, tpu.core_type = #tpu.core_type<sc_vector_subcore>, window_params = [{transform_indices = #map}, {transform_indices = #map}, {transform_indices = #map}, {transform_indices = #map1}, {transform_indices = #map}]} {
    "tpu.region"() ({
      %run_scoped3A = tpu.sem_alloc : memref<!tpu.dma_semaphore, #tpu.memory_space<semaphore_mem>>
      %dma_start3A_161 = arith.constant 0 : i32
      %dma_start3A_162 = arith.constant 0 : i32
      %dma_start3A_163 = tpu.memref_slice %arg3[%arg1, %dma_start3A_161, %dma_start3A_162] : memref<16x160x128xi32, #tpu.memory_space<hbm>> -> memref<1x160x128xi32, #tpu.memory_space<hbm>>
      %dma_start3A_164 = tpu.memref_squeeze %dma_start3A_163 : memref<1x160x128xi32, #tpu.memory_space<hbm>> -> memref<160x128xi32, #tpu.memory_space<hbm>>
      %dma_start3A_165 = arith.constant 0 : i32
      %dma_start3A_166 = arith.constant 0 : i32
      %dma_start3A_167 = tpu.memref_slice %arg3[%arg1, %dma_start3A_165, %dma_start3A_166] : memref<16x160x128xi32, #tpu.memory_space<hbm>> -> memref<1x160x128xi32, #tpu.memory_space<hbm>>
      %dma_start3A_168 = tpu.memref_squeeze %dma_start3A_167 : memref<1x160x128xi32, #tpu.memory_space<hbm>> -> memref<160x128xi32, #tpu.memory_space<hbm>>
      tpu.enqueue_dma source(%dma_start3A_168 : memref<160x128xi32, #tpu.memory_space<hbm>>) target(%arg7 : memref<160x128xi32, #tpu.memory_space<vmem>>) target_semaphore(%run_scoped3A : memref<!tpu.dma_semaphore, #tpu.memory_space<semaphore_mem>>)
      %dma_wait3A_169 = arith.constant 0 : i32
      %dma_wait3A_170 = arith.constant 0 : i32
      %dma_wait3A_171 = tpu.memref_slice %arg3[%arg1, %dma_wait3A_169, %dma_wait3A_170] : memref<16x160x128xi32, #tpu.memory_space<hbm>> -> memref<1x160x128xi32, #tpu.memory_space<hbm>>
      %dma_wait3A_172 = tpu.memref_squeeze %dma_wait3A_171 : memref<1x160x128xi32, #tpu.memory_space<hbm>> -> memref<160x128xi32, #tpu.memory_space<hbm>>
      %dma_wait3A_173 = arith.constant 0 : i32
      %dma_wait3A_174 = arith.constant 0 : i32
      %dma_wait3A_175 = tpu.memref_slice %arg3[%arg1, %dma_wait3A_173, %dma_wait3A_174] : memref<16x160x128xi32, #tpu.memory_space<hbm>> -> memref<1x160x128xi32, #tpu.memory_space<hbm>>
      %dma_wait3A_176 = tpu.memref_squeeze %dma_wait3A_175 : memref<1x160x128xi32, #tpu.memory_space<hbm>> -> memref<160x128xi32, #tpu.memory_space<hbm>>
      tpu.wait_dma2 semaphore(%run_scoped3A : memref<!tpu.dma_semaphore, #tpu.memory_space<semaphore_mem>>) src(%dma_wait3A_176 : memref<160x128xi32, #tpu.memory_space<hbm>>) dst(%arg7 : memref<160x128xi32, #tpu.memory_space<vmem>>)
      tpu.yield
    }) : () -> ()
    "tpu.region"() ({
      %run_scoped3A = tpu.sem_alloc : memref<!tpu.dma_semaphore, #tpu.memory_space<semaphore_mem>>
      %dma_start3A_161 = arith.constant 0 : i32
      %dma_start3A_162 = arith.constant 0 : i32
      %dma_start3A_163 = tpu.memref_slice %arg4[%arg1, %dma_start3A_161, %dma_start3A_162] : memref<16x160x128xi32, #tpu.memory_space<hbm>> -> memref<1x160x128xi32, #tpu.memory_space<hbm>>
      %dma_start3A_164 = tpu.memref_squeeze %dma_start3A_163 : memref<1x160x128xi32, #tpu.memory_space<hbm>> -> memref<160x128xi32, #tpu.memory_space<hbm>>
      %dma_start3A_165 = arith.constant 0 : i32
      %dma_start3A_166 = arith.constant 0 : i32
      %dma_start3A_167 = tpu.memref_slice %arg4[%arg1, %dma_start3A_165, %dma_start3A_166] : memref<16x160x128xi32, #tpu.memory_space<hbm>> -> memref<1x160x128xi32, #tpu.memory_space<hbm>>
      %dma_start3A_168 = tpu.memref_squeeze %dma_start3A_167 : memref<1x160x128xi32, #tpu.memory_space<hbm>> -> memref<160x128xi32, #tpu.memory_space<hbm>>
      tpu.enqueue_dma source(%dma_start3A_168 : memref<160x128xi32, #tpu.memory_space<hbm>>) target(%arg8 : memref<160x128xi32, #tpu.memory_space<vmem>>) target_semaphore(%run_scoped3A : memref<!tpu.dma_semaphore, #tpu.memory_space<semaphore_mem>>)
      %dma_wait3A_169 = arith.constant 0 : i32
      %dma_wait3A_170 = arith.constant 0 : i32
      %dma_wait3A_171 = tpu.memref_slice %arg4[%arg1, %dma_wait3A_169, %dma_wait3A_170] : memref<16x160x128xi32, #tpu.memory_space<hbm>> -> memref<1x160x128xi32, #tpu.memory_space<hbm>>
      %dma_wait3A_172 = tpu.memref_squeeze %dma_wait3A_171 : memref<1x160x128xi32, #tpu.memory_space<hbm>> -> memref<160x128xi32, #tpu.memory_space<hbm>>
      %dma_wait3A_173 = arith.constant 0 : i32
      %dma_wait3A_174 = arith.constant 0 : i32
      %dma_wait3A_175 = tpu.memref_slice %arg4[%arg1, %dma_wait3A_173, %dma_wait3A_174] : memref<16x160x128xi32, #tpu.memory_space<hbm>> -> memref<1x160x128xi32, #tpu.memory_space<hbm>>
      %dma_wait3A_176 = tpu.memref_squeeze %dma_wait3A_175 : memref<1x160x128xi32, #tpu.memory_space<hbm>> -> memref<160x128xi32, #tpu.memory_space<hbm>>
      tpu.wait_dma2 semaphore(%run_scoped3A : memref<!tpu.dma_semaphore, #tpu.memory_space<semaphore_mem>>) src(%dma_wait3A_176 : memref<160x128xi32, #tpu.memory_space<hbm>>) dst(%arg8 : memref<160x128xi32, #tpu.memory_space<vmem>>)
      tpu.yield
    }) : () -> ()
    %mul3A = arith.constant 640 : i32
    %mul3A_0 = arith.muli %arg1, %mul3A : i32
    "tpu.region"() ({
      %run_scoped3A = tpu.sem_alloc : memref<!tpu.dma_semaphore, #tpu.memory_space<semaphore_mem>>
      %dma_start3A_161 = arith.constant 0 : i32
      %dma_start3A_162 = tpu.memref_slice %arg10[%mul3A_0, %dma_start3A_161] : memref<10240x16xf32, #tpu.memory_space<vmem_shared>> -> memref<640x16xf32, #tpu.memory_space<vmem_shared>>
      tpu.enqueue_dma source(%arg5 : memref<640x16xf32, #tpu.memory_space<hbm>>) target(%dma_start3A_162 : memref<640x16xf32, #tpu.memory_space<vmem_shared>>) target_semaphore(%run_scoped3A : memref<!tpu.dma_semaphore, #tpu.memory_space<semaphore_mem>>)
      %dma_wait3A_163 = arith.constant 0 : i32
      %dma_wait3A_164 = tpu.memref_slice %arg10[%mul3A_0, %dma_wait3A_163] : memref<10240x16xf32, #tpu.memory_space<vmem_shared>> -> memref<640x16xf32, #tpu.memory_space<vmem_shared>>
      tpu.wait_dma2 semaphore(%run_scoped3A : memref<!tpu.dma_semaphore, #tpu.memory_space<semaphore_mem>>) src(%arg5 : memref<640x16xf32, #tpu.memory_space<hbm>>) dst(%dma_wait3A_164 : memref<640x16xf32, #tpu.memory_space<vmem_shared>>)
      tpu.yield
    }) : () -> ()
    %barrier3A = arith.constant 0 : index
    tpu.barrier barrier_id(%barrier3A)
    %mul3A_1 = arith.constant 80 : i32
    %mul3A_2 = arith.muli %arg0, %mul3A_1 : i32
    %add3A = arith.constant 0 : i32
    %add3A_3 = arith.addi %mul3A_2, %add3A : i32
    %dma_start3A = arith.constant 0 : i32
    %dma_start3A_4 = arith.constant 0 : i32
    %dma_start3A_5 = arith.constant 0 : i32
    %dma_start3A_6 = arith.constant 0 : i32
    %dma_start3A_7 = tpu.memref_slice %arg9[%dma_start3A, %dma_start3A_5, %dma_start3A_6] : memref<4x128x16xf32, #tpu.memory_space<vmem>> -> memref<1x128x16xf32, #tpu.memory_space<vmem>>
    %dma_start3A_8 = tpu.memref_squeeze %dma_start3A_7 : memref<1x128x16xf32, #tpu.memory_space<vmem>> -> memref<128x16xf32, #tpu.memory_space<vmem>>
    %dma_start3A_9 = arith.constant 0 : i32
    %dma_start3A_10 = tpu.memref_slice %arg7[%add3A_3, %dma_start3A_9] : memref<160x128xi32, #tpu.memory_space<vmem>> -> memref<1x128xi32, #tpu.memory_space<vmem>>
    %dma_start3A_11 = tpu.memref_squeeze %dma_start3A_10 : memref<1x128xi32, #tpu.memory_space<vmem>> -> memref<128xi32, #tpu.memory_space<vmem>>
    %dma_start3A_12 = arith.constant 0 : i32
    %dma_start3A_13 = arith.constant 0 : i32
    %dma_start3A_14 = tpu.memref_slice %arg2[%arg0, %dma_start3A_12, %dma_start3A_13] : memref<2x10240x16xf32, #tpu.memory_space<hbm>> -> memref<1x10240x16xf32, #tpu.memory_space<hbm>>
    %dma_start3A_15 = tpu.memref_squeeze %dma_start3A_14 : memref<1x10240x16xf32, #tpu.memory_space<hbm>> -> memref<10240x16xf32, #tpu.memory_space<hbm>>
    %dma_start3A_16 = arith.constant 0 : i32
    %dma_start3A_17 = arith.constant 0 : i32
    %dma_start3A_18 = tpu.memref_slice %dma_start3A_15[%dma_start3A_16, %dma_start3A_17] : memref<10240x16xf32, #tpu.memory_space<hbm>> -> memref<10240x16xf32, #tpu.memory_space<hbm>>
    %dma_start3A_19 = tpu.memref_slice %arg11[%dma_start3A_4] : memref<4x!tpu.dma_semaphore, #tpu.memory_space<semaphore_mem>> -> memref<1x!tpu.dma_semaphore, #tpu.memory_space<semaphore_mem>>
    %dma_start3A_20 = tpu.memref_squeeze %dma_start3A_19 : memref<1x!tpu.dma_semaphore, #tpu.memory_space<semaphore_mem>> -> memref<!tpu.dma_semaphore, #tpu.memory_space<semaphore_mem>>
    tpu.enqueue_indirect_dma source(%dma_start3A_18 : memref<10240x16xf32, #tpu.memory_space<hbm>>) target(%dma_start3A_8 : memref<128x16xf32, #tpu.memory_space<vmem>>) offsets(%dma_start3A_11 : memref<128xi32, #tpu.memory_space<vmem>>) semaphore(%dma_start3A_20 : memref<!tpu.dma_semaphore, #tpu.memory_space<semaphore_mem>>)
    %add3A_21 = arith.constant 1 : i32
    %add3A_22 = arith.addi %mul3A_2, %add3A_21 : i32
    %dma_start3A_23 = arith.constant 1 : i32
    %dma_start3A_24 = arith.constant 1 : i32
    %dma_start3A_25 = arith.constant 0 : i32
    %dma_start3A_26 = arith.constant 0 : i32
    %dma_start3A_27 = tpu.memref_slice %arg9[%dma_start3A_23, %dma_start3A_25, %dma_start3A_26] : memref<4x128x16xf32, #tpu.memory_space<vmem>> -> memref<1x128x16xf32, #tpu.memory_space<vmem>>
    %dma_start3A_28 = tpu.memref_squeeze %dma_start3A_27 : memref<1x128x16xf32, #tpu.memory_space<vmem>> -> memref<128x16xf32, #tpu.memory_space<vmem>>
    %dma_start3A_29 = arith.constant 0 : i32
    %dma_start3A_30 = tpu.memref_slice %arg7[%add3A_22, %dma_start3A_29] : memref<160x128xi32, #tpu.memory_space<vmem>> -> memref<1x128xi32, #tpu.memory_space<vmem>>
    %dma_start3A_31 = tpu.memref_squeeze %dma_start3A_30 : memref<1x128xi32, #tpu.memory_space<vmem>> -> memref<128xi32, #tpu.memory_space<vmem>>
    %dma_start3A_32 = arith.constant 0 : i32
    %dma_start3A_33 = arith.constant 0 : i32
    %dma_start3A_34 = tpu.memref_slice %arg2[%arg0, %dma_start3A_32, %dma_start3A_33] : memref<2x10240x16xf32, #tpu.memory_space<hbm>> -> memref<1x10240x16xf32, #tpu.memory_space<hbm>>
    %dma_start3A_35 = tpu.memref_squeeze %dma_start3A_34 : memref<1x10240x16xf32, #tpu.memory_space<hbm>> -> memref<10240x16xf32, #tpu.memory_space<hbm>>
    %dma_start3A_36 = arith.constant 0 : i32
    %dma_start3A_37 = arith.constant 0 : i32
    %dma_start3A_38 = tpu.memref_slice %dma_start3A_35[%dma_start3A_36, %dma_start3A_37] : memref<10240x16xf32, #tpu.memory_space<hbm>> -> memref<10240x16xf32, #tpu.memory_space<hbm>>
    %dma_start3A_39 = tpu.memref_slice %arg11[%dma_start3A_24] : memref<4x!tpu.dma_semaphore, #tpu.memory_space<semaphore_mem>> -> memref<1x!tpu.dma_semaphore, #tpu.memory_space<semaphore_mem>>
    %dma_start3A_40 = tpu.memref_squeeze %dma_start3A_39 : memref<1x!tpu.dma_semaphore, #tpu.memory_space<semaphore_mem>> -> memref<!tpu.dma_semaphore, #tpu.memory_space<semaphore_mem>>
    tpu.enqueue_indirect_dma source(%dma_start3A_38 : memref<10240x16xf32, #tpu.memory_space<hbm>>) target(%dma_start3A_28 : memref<128x16xf32, #tpu.memory_space<vmem>>) offsets(%dma_start3A_31 : memref<128xi32, #tpu.memory_space<vmem>>) semaphore(%dma_start3A_40 : memref<!tpu.dma_semaphore, #tpu.memory_space<semaphore_mem>>)
    %add3A_41 = arith.constant 2 : i32
    %add3A_42 = arith.addi %mul3A_2, %add3A_41 : i32
    %dma_start3A_43 = arith.constant 2 : i32
    %dma_start3A_44 = arith.constant 2 : i32
    %dma_start3A_45 = arith.constant 0 : i32
    %dma_start3A_46 = arith.constant 0 : i32
    %dma_start3A_47 = tpu.memref_slice %arg9[%dma_start3A_43, %dma_start3A_45, %dma_start3A_46] : memref<4x128x16xf32, #tpu.memory_space<vmem>> -> memref<1x128x16xf32, #tpu.memory_space<vmem>>
    %dma_start3A_48 = tpu.memref_squeeze %dma_start3A_47 : memref<1x128x16xf32, #tpu.memory_space<vmem>> -> memref<128x16xf32, #tpu.memory_space<vmem>>
    %dma_start3A_49 = arith.constant 0 : i32
    %dma_start3A_50 = tpu.memref_slice %arg7[%add3A_42, %dma_start3A_49] : memref<160x128xi32, #tpu.memory_space<vmem>> -> memref<1x128xi32, #tpu.memory_space<vmem>>
    %dma_start3A_51 = tpu.memref_squeeze %dma_start3A_50 : memref<1x128xi32, #tpu.memory_space<vmem>> -> memref<128xi32, #tpu.memory_space<vmem>>
    %dma_start3A_52 = arith.constant 0 : i32
    %dma_start3A_53 = arith.constant 0 : i32
    %dma_start3A_54 = tpu.memref_slice %arg2[%arg0, %dma_start3A_52, %dma_start3A_53] : memref<2x10240x16xf32, #tpu.memory_space<hbm>> -> memref<1x10240x16xf32, #tpu.memory_space<hbm>>
    %dma_start3A_55 = tpu.memref_squeeze %dma_start3A_54 : memref<1x10240x16xf32, #tpu.memory_space<hbm>> -> memref<10240x16xf32, #tpu.memory_space<hbm>>
    %dma_start3A_56 = arith.constant 0 : i32
    %dma_start3A_57 = arith.constant 0 : i32
    %dma_start3A_58 = tpu.memref_slice %dma_start3A_55[%dma_start3A_56, %dma_start3A_57] : memref<10240x16xf32, #tpu.memory_space<hbm>> -> memref<10240x16xf32, #tpu.memory_space<hbm>>
    %dma_start3A_59 = tpu.memref_slice %arg11[%dma_start3A_44] : memref<4x!tpu.dma_semaphore, #tpu.memory_space<semaphore_mem>> -> memref<1x!tpu.dma_semaphore, #tpu.memory_space<semaphore_mem>>
    %dma_start3A_60 = tpu.memref_squeeze %dma_start3A_59 : memref<1x!tpu.dma_semaphore, #tpu.memory_space<semaphore_mem>> -> memref<!tpu.dma_semaphore, #tpu.memory_space<semaphore_mem>>
    tpu.enqueue_indirect_dma source(%dma_start3A_58 : memref<10240x16xf32, #tpu.memory_space<hbm>>) target(%dma_start3A_48 : memref<128x16xf32, #tpu.memory_space<vmem>>) offsets(%dma_start3A_51 : memref<128xi32, #tpu.memory_space<vmem>>) semaphore(%dma_start3A_60 : memref<!tpu.dma_semaphore, #tpu.memory_space<semaphore_mem>>)
    %add3A_61 = arith.constant 3 : i32
    %add3A_62 = arith.addi %mul3A_2, %add3A_61 : i32
    %dma_start3A_63 = arith.constant 3 : i32
    %dma_start3A_64 = arith.constant 3 : i32
    %dma_start3A_65 = arith.constant 0 : i32
    %dma_start3A_66 = arith.constant 0 : i32
    %dma_start3A_67 = tpu.memref_slice %arg9[%dma_start3A_63, %dma_start3A_65, %dma_start3A_66] : memref<4x128x16xf32, #tpu.memory_space<vmem>> -> memref<1x128x16xf32, #tpu.memory_space<vmem>>
    %dma_start3A_68 = tpu.memref_squeeze %dma_start3A_67 : memref<1x128x16xf32, #tpu.memory_space<vmem>> -> memref<128x16xf32, #tpu.memory_space<vmem>>
    %dma_start3A_69 = arith.constant 0 : i32
    %dma_start3A_70 = tpu.memref_slice %arg7[%add3A_62, %dma_start3A_69] : memref<160x128xi32, #tpu.memory_space<vmem>> -> memref<1x128xi32, #tpu.memory_space<vmem>>
    %dma_start3A_71 = tpu.memref_squeeze %dma_start3A_70 : memref<1x128xi32, #tpu.memory_space<vmem>> -> memref<128xi32, #tpu.memory_space<vmem>>
    %dma_start3A_72 = arith.constant 0 : i32
    %dma_start3A_73 = arith.constant 0 : i32
    %dma_start3A_74 = tpu.memref_slice %arg2[%arg0, %dma_start3A_72, %dma_start3A_73] : memref<2x10240x16xf32, #tpu.memory_space<hbm>> -> memref<1x10240x16xf32, #tpu.memory_space<hbm>>
    %dma_start3A_75 = tpu.memref_squeeze %dma_start3A_74 : memref<1x10240x16xf32, #tpu.memory_space<hbm>> -> memref<10240x16xf32, #tpu.memory_space<hbm>>
    %dma_start3A_76 = arith.constant 0 : i32
    %dma_start3A_77 = arith.constant 0 : i32
    %dma_start3A_78 = tpu.memref_slice %dma_start3A_75[%dma_start3A_76, %dma_start3A_77] : memref<10240x16xf32, #tpu.memory_space<hbm>> -> memref<10240x16xf32, #tpu.memory_space<hbm>>
    %dma_start3A_79 = tpu.memref_slice %arg11[%dma_start3A_64] : memref<4x!tpu.dma_semaphore, #tpu.memory_space<semaphore_mem>> -> memref<1x!tpu.dma_semaphore, #tpu.memory_space<semaphore_mem>>
    %dma_start3A_80 = tpu.memref_squeeze %dma_start3A_79 : memref<1x!tpu.dma_semaphore, #tpu.memory_space<semaphore_mem>> -> memref<!tpu.dma_semaphore, #tpu.memory_space<semaphore_mem>>
    tpu.enqueue_indirect_dma source(%dma_start3A_78 : memref<10240x16xf32, #tpu.memory_space<hbm>>) target(%dma_start3A_68 : memref<128x16xf32, #tpu.memory_space<vmem>>) offsets(%dma_start3A_71 : memref<128xi32, #tpu.memory_space<vmem>>) semaphore(%dma_start3A_80 : memref<!tpu.dma_semaphore, #tpu.memory_space<semaphore_mem>>)
    %dma_wait3A = arith.constant 0 : i32
    %dma_wait3A_81 = arith.constant 0 : i32
    %dma_wait3A_82 = arith.constant 0 : i32
    %dma_wait3A_83 = arith.constant 0 : i32
    %dma_wait3A_84 = tpu.memref_slice %arg9[%dma_wait3A, %dma_wait3A_82, %dma_wait3A_83] : memref<4x128x16xf32, #tpu.memory_space<vmem>> -> memref<1x128x16xf32, #tpu.memory_space<vmem>>
    %dma_wait3A_85 = tpu.memref_squeeze %dma_wait3A_84 : memref<1x128x16xf32, #tpu.memory_space<vmem>> -> memref<128x16xf32, #tpu.memory_space<vmem>>
    %dma_wait3A_86 = arith.constant 0 : i32
    %dma_wait3A_87 = tpu.memref_slice %arg7[%add3A_3, %dma_wait3A_86] : memref<160x128xi32, #tpu.memory_space<vmem>> -> memref<1x128xi32, #tpu.memory_space<vmem>>
    %dma_wait3A_88 = tpu.memref_squeeze %dma_wait3A_87 : memref<1x128xi32, #tpu.memory_space<vmem>> -> memref<128xi32, #tpu.memory_space<vmem>>
    %dma_wait3A_89 = arith.constant 0 : i32
    %dma_wait3A_90 = arith.constant 0 : i32
    %dma_wait3A_91 = tpu.memref_slice %arg2[%arg0, %dma_wait3A_89, %dma_wait3A_90] : memref<2x10240x16xf32, #tpu.memory_space<hbm>> -> memref<1x10240x16xf32, #tpu.memory_space<hbm>>
    %dma_wait3A_92 = tpu.memref_squeeze %dma_wait3A_91 : memref<1x10240x16xf32, #tpu.memory_space<hbm>> -> memref<10240x16xf32, #tpu.memory_space<hbm>>
    %dma_wait3A_93 = arith.constant 0 : i32
    %dma_wait3A_94 = arith.constant 0 : i32
    %dma_wait3A_95 = tpu.memref_slice %dma_wait3A_92[%dma_wait3A_93, %dma_wait3A_94] : memref<10240x16xf32, #tpu.memory_space<hbm>> -> memref<10240x16xf32, #tpu.memory_space<hbm>>
    %dma_wait3A_96 = tpu.memref_slice %arg11[%dma_wait3A_81] : memref<4x!tpu.dma_semaphore, #tpu.memory_space<semaphore_mem>> -> memref<1x!tpu.dma_semaphore, #tpu.memory_space<semaphore_mem>>
    %dma_wait3A_97 = tpu.memref_squeeze %dma_wait3A_96 : memref<1x!tpu.dma_semaphore, #tpu.memory_space<semaphore_mem>> -> memref<!tpu.dma_semaphore, #tpu.memory_space<semaphore_mem>>
    tpu.wait_indirect_dma semaphore(%dma_wait3A_97 : memref<!tpu.dma_semaphore, #tpu.memory_space<semaphore_mem>>) src(%dma_wait3A_95 : memref<10240x16xf32, #tpu.memory_space<hbm>>) dst(%dma_wait3A_85 : memref<128x16xf32, #tpu.memory_space<vmem>>)
    %dma_wait3A_98 = arith.constant 1 : i32
    %dma_wait3A_99 = arith.constant 1 : i32
    %dma_wait3A_100 = arith.constant 0 : i32
    %dma_wait3A_101 = arith.constant 0 : i32
    %dma_wait3A_102 = tpu.memref_slice %arg9[%dma_wait3A_98, %dma_wait3A_100, %dma_wait3A_101] : memref<4x128x16xf32, #tpu.memory_space<vmem>> -> memref<1x128x16xf32, #tpu.memory_space<vmem>>
    %dma_wait3A_103 = tpu.memref_squeeze %dma_wait3A_102 : memref<1x128x16xf32, #tpu.memory_space<vmem>> -> memref<128x16xf32, #tpu.memory_space<vmem>>
    %dma_wait3A_104 = arith.constant 0 : i32
    %dma_wait3A_105 = tpu.memref_slice %arg7[%add3A_22, %dma_wait3A_104] : memref<160x128xi32, #tpu.memory_space<vmem>> -> memref<1x128xi32, #tpu.memory_space<vmem>>
    %dma_wait3A_106 = tpu.memref_squeeze %dma_wait3A_105 : memref<1x128xi32, #tpu.memory_space<vmem>> -> memref<128xi32, #tpu.memory_space<vmem>>
    %dma_wait3A_107 = arith.constant 0 : i32
    %dma_wait3A_108 = arith.constant 0 : i32
    %dma_wait3A_109 = tpu.memref_slice %arg2[%arg0, %dma_wait3A_107, %dma_wait3A_108] : memref<2x10240x16xf32, #tpu.memory_space<hbm>> -> memref<1x10240x16xf32, #tpu.memory_space<hbm>>
    %dma_wait3A_110 = tpu.memref_squeeze %dma_wait3A_109 : memref<1x10240x16xf32, #tpu.memory_space<hbm>> -> memref<10240x16xf32, #tpu.memory_space<hbm>>
    %dma_wait3A_111 = arith.constant 0 : i32
    %dma_wait3A_112 = arith.constant 0 : i32
    %dma_wait3A_113 = tpu.memref_slice %dma_wait3A_110[%dma_wait3A_111, %dma_wait3A_112] : memref<10240x16xf32, #tpu.memory_space<hbm>> -> memref<10240x16xf32, #tpu.memory_space<hbm>>
    %dma_wait3A_114 = tpu.memref_slice %arg11[%dma_wait3A_99] : memref<4x!tpu.dma_semaphore, #tpu.memory_space<semaphore_mem>> -> memref<1x!tpu.dma_semaphore, #tpu.memory_space<semaphore_mem>>
    %dma_wait3A_115 = tpu.memref_squeeze %dma_wait3A_114 : memref<1x!tpu.dma_semaphore, #tpu.memory_space<semaphore_mem>> -> memref<!tpu.dma_semaphore, #tpu.memory_space<semaphore_mem>>
    tpu.wait_indirect_dma semaphore(%dma_wait3A_115 : memref<!tpu.dma_semaphore, #tpu.memory_space<semaphore_mem>>) src(%dma_wait3A_113 : memref<10240x16xf32, #tpu.memory_space<hbm>>) dst(%dma_wait3A_103 : memref<128x16xf32, #tpu.memory_space<vmem>>)
    %dma_wait3A_116 = arith.constant 2 : i32
    %dma_wait3A_117 = arith.constant 2 : i32
    %dma_wait3A_118 = arith.constant 0 : i32
    %dma_wait3A_119 = arith.constant 0 : i32
    %dma_wait3A_120 = tpu.memref_slice %arg9[%dma_wait3A_116, %dma_wait3A_118, %dma_wait3A_119] : memref<4x128x16xf32, #tpu.memory_space<vmem>> -> memref<1x128x16xf32, #tpu.memory_space<vmem>>
    %dma_wait3A_121 = tpu.memref_squeeze %dma_wait3A_120 : memref<1x128x16xf32, #tpu.memory_space<vmem>> -> memref<128x16xf32, #tpu.memory_space<vmem>>
    %dma_wait3A_122 = arith.constant 0 : i32
    %dma_wait3A_123 = tpu.memref_slice %arg7[%add3A_42, %dma_wait3A_122] : memref<160x128xi32, #tpu.memory_space<vmem>> -> memref<1x128xi32, #tpu.memory_space<vmem>>
    %dma_wait3A_124 = tpu.memref_squeeze %dma_wait3A_123 : memref<1x128xi32, #tpu.memory_space<vmem>> -> memref<128xi32, #tpu.memory_space<vmem>>
    %dma_wait3A_125 = arith.constant 0 : i32
    %dma_wait3A_126 = arith.constant 0 : i32
    %dma_wait3A_127 = tpu.memref_slice %arg2[%arg0, %dma_wait3A_125, %dma_wait3A_126] : memref<2x10240x16xf32, #tpu.memory_space<hbm>> -> memref<1x10240x16xf32, #tpu.memory_space<hbm>>
    %dma_wait3A_128 = tpu.memref_squeeze %dma_wait3A_127 : memref<1x10240x16xf32, #tpu.memory_space<hbm>> -> memref<10240x16xf32, #tpu.memory_space<hbm>>
    %dma_wait3A_129 = arith.constant 0 : i32
    %dma_wait3A_130 = arith.constant 0 : i32
    %dma_wait3A_131 = tpu.memref_slice %dma_wait3A_128[%dma_wait3A_129, %dma_wait3A_130] : memref<10240x16xf32, #tpu.memory_space<hbm>> -> memref<10240x16xf32, #tpu.memory_space<hbm>>
    %dma_wait3A_132 = tpu.memref_slice %arg11[%dma_wait3A_117] : memref<4x!tpu.dma_semaphore, #tpu.memory_space<semaphore_mem>> -> memref<1x!tpu.dma_semaphore, #tpu.memory_space<semaphore_mem>>
    %dma_wait3A_133 = tpu.memref_squeeze %dma_wait3A_132 : memref<1x!tpu.dma_semaphore, #tpu.memory_space<semaphore_mem>> -> memref<!tpu.dma_semaphore, #tpu.memory_space<semaphore_mem>>
    tpu.wait_indirect_dma semaphore(%dma_wait3A_133 : memref<!tpu.dma_semaphore, #tpu.memory_space<semaphore_mem>>) src(%dma_wait3A_131 : memref<10240x16xf32, #tpu.memory_space<hbm>>) dst(%dma_wait3A_121 : memref<128x16xf32, #tpu.memory_space<vmem>>)
    %dma_wait3A_134 = arith.constant 3 : i32
    %dma_wait3A_135 = arith.constant 3 : i32
    %dma_wait3A_136 = arith.constant 0 : i32
    %dma_wait3A_137 = arith.constant 0 : i32
    %dma_wait3A_138 = tpu.memref_slice %arg9[%dma_wait3A_134, %dma_wait3A_136, %dma_wait3A_137] : memref<4x128x16xf32, #tpu.memory_space<vmem>> -> memref<1x128x16xf32, #tpu.memory_space<vmem>>
    %dma_wait3A_139 = tpu.memref_squeeze %dma_wait3A_138 : memref<1x128x16xf32, #tpu.memory_space<vmem>> -> memref<128x16xf32, #tpu.memory_space<vmem>>
    %dma_wait3A_140 = arith.constant 0 : i32
    %dma_wait3A_141 = tpu.memref_slice %arg7[%add3A_62, %dma_wait3A_140] : memref<160x128xi32, #tpu.memory_space<vmem>> -> memref<1x128xi32, #tpu.memory_space<vmem>>
    %dma_wait3A_142 = tpu.memref_squeeze %dma_wait3A_141 : memref<1x128xi32, #tpu.memory_space<vmem>> -> memref<128xi32, #tpu.memory_space<vmem>>
    %dma_wait3A_143 = arith.constant 0 : i32
    %dma_wait3A_144 = arith.constant 0 : i32
    %dma_wait3A_145 = tpu.memref_slice %arg2[%arg0, %dma_wait3A_143, %dma_wait3A_144] : memref<2x10240x16xf32, #tpu.memory_space<hbm>> -> memref<1x10240x16xf32, #tpu.memory_space<hbm>>
    %dma_wait3A_146 = tpu.memref_squeeze %dma_wait3A_145 : memref<1x10240x16xf32, #tpu.memory_space<hbm>> -> memref<10240x16xf32, #tpu.memory_space<hbm>>
    %dma_wait3A_147 = arith.constant 0 : i32
    %dma_wait3A_148 = arith.constant 0 : i32
    %dma_wait3A_149 = tpu.memref_slice %dma_wait3A_146[%dma_wait3A_147, %dma_wait3A_148] : memref<10240x16xf32, #tpu.memory_space<hbm>> -> memref<10240x16xf32, #tpu.memory_space<hbm>>
    %dma_wait3A_150 = tpu.memref_slice %arg11[%dma_wait3A_135] : memref<4x!tpu.dma_semaphore, #tpu.memory_space<semaphore_mem>> -> memref<1x!tpu.dma_semaphore, #tpu.memory_space<semaphore_mem>>
    %dma_wait3A_151 = tpu.memref_squeeze %dma_wait3A_150 : memref<1x!tpu.dma_semaphore, #tpu.memory_space<semaphore_mem>> -> memref<!tpu.dma_semaphore, #tpu.memory_space<semaphore_mem>>
    tpu.wait_indirect_dma semaphore(%dma_wait3A_151 : memref<!tpu.dma_semaphore, #tpu.memory_space<semaphore_mem>>) src(%dma_wait3A_149 : memref<10240x16xf32, #tpu.memory_space<hbm>>) dst(%dma_wait3A_139 : memref<128x16xf32, #tpu.memory_space<vmem>>)
    %scan3A = arith.constant 0 : i32
    %scan3A_152 = arith.constant 20 : i32
    %scan3A_153 = arith.addi %scan3A, %scan3A_152 : i32
    %scan3A_154 = arith.constant 1 : i32
    scf.for %scan3A_161 = %scan3A to %scan3A_153 step %scan3A_154  : i32 {
      %mul3A_162 = arith.constant 4 : i32
      %mul3A_163 = arith.muli %scan3A_161, %mul3A_162 : i32
      %add3A_164 = arith.constant 0 : i32
      %add3A_165 = arith.addi %add3A_164, %mul3A_163 : i32
      %add3A_166 = arith.addi %mul3A_2, %add3A_165 : i32
      %add3A_167 = arith.constant 0 : i32
      %add3A_168 = arith.addi %add3A_166, %add3A_167 : i32
      %dma_start3A_169 = arith.constant 0 : i32
      %dma_start3A_170 = arith.constant 0 : i32
      %dma_start3A_171 = arith.constant 0 : i32
      %dma_start3A_172 = arith.constant 0 : i32
      %dma_start3A_173 = tpu.memref_slice %arg9[%dma_start3A_169, %dma_start3A_171, %dma_start3A_172] : memref<4x128x16xf32, #tpu.memory_space<vmem>> -> memref<1x128x16xf32, #tpu.memory_space<vmem>>
      %dma_start3A_174 = tpu.memref_squeeze %dma_start3A_173 : memref<1x128x16xf32, #tpu.memory_space<vmem>> -> memref<128x16xf32, #tpu.memory_space<vmem>>
      %dma_start3A_175 = arith.constant 0 : i32
      %dma_start3A_176 = tpu.memref_slice %arg8[%add3A_168, %dma_start3A_175] : memref<160x128xi32, #tpu.memory_space<vmem>> -> memref<1x128xi32, #tpu.memory_space<vmem>>
      %dma_start3A_177 = tpu.memref_squeeze %dma_start3A_176 : memref<1x128xi32, #tpu.memory_space<vmem>> -> memref<128xi32, #tpu.memory_space<vmem>>
      %dma_start3A_178 = arith.constant 0 : i32
      %dma_start3A_179 = arith.constant 0 : i32
      %dma_start3A_180 = tpu.memref_slice %arg10[%dma_start3A_178, %dma_start3A_179] : memref<10240x16xf32, #tpu.memory_space<vmem_shared>> -> memref<10240x16xf32, #tpu.memory_space<vmem_shared>>
      %dma_start3A_181 = tpu.memref_slice %arg12[%dma_start3A_170] : memref<4x!tpu.dma_semaphore, #tpu.memory_space<semaphore_mem>> -> memref<1x!tpu.dma_semaphore, #tpu.memory_space<semaphore_mem>>
      %dma_start3A_182 = tpu.memref_squeeze %dma_start3A_181 : memref<1x!tpu.dma_semaphore, #tpu.memory_space<semaphore_mem>> -> memref<!tpu.dma_semaphore, #tpu.memory_space<semaphore_mem>>
      tpu.enqueue_indirect_dma source(%dma_start3A_174 : memref<128x16xf32, #tpu.memory_space<vmem>>) target(%dma_start3A_180 : memref<10240x16xf32, #tpu.memory_space<vmem_shared>>) offsets(%dma_start3A_177 : memref<128xi32, #tpu.memory_space<vmem>>) semaphore(%dma_start3A_182 : memref<!tpu.dma_semaphore, #tpu.memory_space<semaphore_mem>>) {add = true}
      %add3A_183 = arith.addi %mul3A_2, %add3A_165 : i32
      %add3A_184 = arith.constant 1 : i32
      %add3A_185 = arith.addi %add3A_183, %add3A_184 : i32
      %dma_start3A_186 = arith.constant 1 : i32
      %dma_start3A_187 = arith.constant 1 : i32
      %dma_start3A_188 = arith.constant 0 : i32
      %dma_start3A_189 = arith.constant 0 : i32
      %dma_start3A_190 = tpu.memref_slice %arg9[%dma_start3A_186, %dma_start3A_188, %dma_start3A_189] : memref<4x128x16xf32, #tpu.memory_space<vmem>> -> memref<1x128x16xf32, #tpu.memory_space<vmem>>
      %dma_start3A_191 = tpu.memref_squeeze %dma_start3A_190 : memref<1x128x16xf32, #tpu.memory_space<vmem>> -> memref<128x16xf32, #tpu.memory_space<vmem>>
      %dma_start3A_192 = arith.constant 0 : i32
      %dma_start3A_193 = tpu.memref_slice %arg8[%add3A_185, %dma_start3A_192] : memref<160x128xi32, #tpu.memory_space<vmem>> -> memref<1x128xi32, #tpu.memory_space<vmem>>
      %dma_start3A_194 = tpu.memref_squeeze %dma_start3A_193 : memref<1x128xi32, #tpu.memory_space<vmem>> -> memref<128xi32, #tpu.memory_space<vmem>>
      %dma_start3A_195 = arith.constant 0 : i32
      %dma_start3A_196 = arith.constant 0 : i32
      %dma_start3A_197 = tpu.memref_slice %arg10[%dma_start3A_195, %dma_start3A_196] : memref<10240x16xf32, #tpu.memory_space<vmem_shared>> -> memref<10240x16xf32, #tpu.memory_space<vmem_shared>>
      %dma_start3A_198 = tpu.memref_slice %arg12[%dma_start3A_187] : memref<4x!tpu.dma_semaphore, #tpu.memory_space<semaphore_mem>> -> memref<1x!tpu.dma_semaphore, #tpu.memory_space<semaphore_mem>>
      %dma_start3A_199 = tpu.memref_squeeze %dma_start3A_198 : memref<1x!tpu.dma_semaphore, #tpu.memory_space<semaphore_mem>> -> memref<!tpu.dma_semaphore, #tpu.memory_space<semaphore_mem>>
      tpu.enqueue_indirect_dma source(%dma_start3A_191 : memref<128x16xf32, #tpu.memory_space<vmem>>) target(%dma_start3A_197 : memref<10240x16xf32, #tpu.memory_space<vmem_shared>>) offsets(%dma_start3A_194 : memref<128xi32, #tpu.memory_space<vmem>>) semaphore(%dma_start3A_199 : memref<!tpu.dma_semaphore, #tpu.memory_space<semaphore_mem>>) {add = true}
      %add3A_200 = arith.addi %mul3A_2, %add3A_165 : i32
      %add3A_201 = arith.constant 2 : i32
      %add3A_202 = arith.addi %add3A_200, %add3A_201 : i32
      %dma_start3A_203 = arith.constant 2 : i32
      %dma_start3A_204 = arith.constant 2 : i32
      %dma_start3A_205 = arith.constant 0 : i32
      %dma_start3A_206 = arith.constant 0 : i32
      %dma_start3A_207 = tpu.memref_slice %arg9[%dma_start3A_203, %dma_start3A_205, %dma_start3A_206] : memref<4x128x16xf32, #tpu.memory_space<vmem>> -> memref<1x128x16xf32, #tpu.memory_space<vmem>>
      %dma_start3A_208 = tpu.memref_squeeze %dma_start3A_207 : memref<1x128x16xf32, #tpu.memory_space<vmem>> -> memref<128x16xf32, #tpu.memory_space<vmem>>
      %dma_start3A_209 = arith.constant 0 : i32
      %dma_start3A_210 = tpu.memref_slice %arg8[%add3A_202, %dma_start3A_209] : memref<160x128xi32, #tpu.memory_space<vmem>> -> memref<1x128xi32, #tpu.memory_space<vmem>>
      %dma_start3A_211 = tpu.memref_squeeze %dma_start3A_210 : memref<1x128xi32, #tpu.memory_space<vmem>> -> memref<128xi32, #tpu.memory_space<vmem>>
      %dma_start3A_212 = arith.constant 0 : i32
      %dma_start3A_213 = arith.constant 0 : i32
      %dma_start3A_214 = tpu.memref_slice %arg10[%dma_start3A_212, %dma_start3A_213] : memref<10240x16xf32, #tpu.memory_space<vmem_shared>> -> memref<10240x16xf32, #tpu.memory_space<vmem_shared>>
      %dma_start3A_215 = tpu.memref_slice %arg12[%dma_start3A_204] : memref<4x!tpu.dma_semaphore, #tpu.memory_space<semaphore_mem>> -> memref<1x!tpu.dma_semaphore, #tpu.memory_space<semaphore_mem>>
      %dma_start3A_216 = tpu.memref_squeeze %dma_start3A_215 : memref<1x!tpu.dma_semaphore, #tpu.memory_space<semaphore_mem>> -> memref<!tpu.dma_semaphore, #tpu.memory_space<semaphore_mem>>
      tpu.enqueue_indirect_dma source(%dma_start3A_208 : memref<128x16xf32, #tpu.memory_space<vmem>>) target(%dma_start3A_214 : memref<10240x16xf32, #tpu.memory_space<vmem_shared>>) offsets(%dma_start3A_211 : memref<128xi32, #tpu.memory_space<vmem>>) semaphore(%dma_start3A_216 : memref<!tpu.dma_semaphore, #tpu.memory_space<semaphore_mem>>) {add = true}
      %add3A_217 = arith.addi %mul3A_2, %add3A_165 : i32
      %add3A_218 = arith.constant 3 : i32
      %add3A_219 = arith.addi %add3A_217, %add3A_218 : i32
      %dma_start3A_220 = arith.constant 3 : i32
      %dma_start3A_221 = arith.constant 3 : i32
      %dma_start3A_222 = arith.constant 0 : i32
      %dma_start3A_223 = arith.constant 0 : i32
      %dma_start3A_224 = tpu.memref_slice %arg9[%dma_start3A_220, %dma_start3A_222, %dma_start3A_223] : memref<4x128x16xf32, #tpu.memory_space<vmem>> -> memref<1x128x16xf32, #tpu.memory_space<vmem>>
      %dma_start3A_225 = tpu.memref_squeeze %dma_start3A_224 : memref<1x128x16xf32, #tpu.memory_space<vmem>> -> memref<128x16xf32, #tpu.memory_space<vmem>>
      %dma_start3A_226 = arith.constant 0 : i32
      %dma_start3A_227 = tpu.memref_slice %arg8[%add3A_219, %dma_start3A_226] : memref<160x128xi32, #tpu.memory_space<vmem>> -> memref<1x128xi32, #tpu.memory_space<vmem>>
      %dma_start3A_228 = tpu.memref_squeeze %dma_start3A_227 : memref<1x128xi32, #tpu.memory_space<vmem>> -> memref<128xi32, #tpu.memory_space<vmem>>
      %dma_start3A_229 = arith.constant 0 : i32
      %dma_start3A_230 = arith.constant 0 : i32
      %dma_start3A_231 = tpu.memref_slice %arg10[%dma_start3A_229, %dma_start3A_230] : memref<10240x16xf32, #tpu.memory_space<vmem_shared>> -> memref<10240x16xf32, #tpu.memory_space<vmem_shared>>
      %dma_start3A_232 = tpu.memref_slice %arg12[%dma_start3A_221] : memref<4x!tpu.dma_semaphore, #tpu.memory_space<semaphore_mem>> -> memref<1x!tpu.dma_semaphore, #tpu.memory_space<semaphore_mem>>
      %dma_start3A_233 = tpu.memref_squeeze %dma_start3A_232 : memref<1x!tpu.dma_semaphore, #tpu.memory_space<semaphore_mem>> -> memref<!tpu.dma_semaphore, #tpu.memory_space<semaphore_mem>>
      tpu.enqueue_indirect_dma source(%dma_start3A_225 : memref<128x16xf32, #tpu.memory_space<vmem>>) target(%dma_start3A_231 : memref<10240x16xf32, #tpu.memory_space<vmem_shared>>) offsets(%dma_start3A_228 : memref<128xi32, #tpu.memory_space<vmem>>) semaphore(%dma_start3A_233 : memref<!tpu.dma_semaphore, #tpu.memory_space<semaphore_mem>>) {add = true}
      %dma_wait3A_234 = arith.constant 0 : i32
      %dma_wait3A_235 = arith.constant 0 : i32
      %dma_wait3A_236 = arith.constant 0 : i32
      %dma_wait3A_237 = arith.constant 0 : i32
      %dma_wait3A_238 = tpu.memref_slice %arg9[%dma_wait3A_234, %dma_wait3A_236, %dma_wait3A_237] : memref<4x128x16xf32, #tpu.memory_space<vmem>> -> memref<1x128x16xf32, #tpu.memory_space<vmem>>
      %dma_wait3A_239 = tpu.memref_squeeze %dma_wait3A_238 : memref<1x128x16xf32, #tpu.memory_space<vmem>> -> memref<128x16xf32, #tpu.memory_space<vmem>>
      %dma_wait3A_240 = arith.constant 0 : i32
      %dma_wait3A_241 = tpu.memref_slice %arg8[%add3A_168, %dma_wait3A_240] : memref<160x128xi32, #tpu.memory_space<vmem>> -> memref<1x128xi32, #tpu.memory_space<vmem>>
      %dma_wait3A_242 = tpu.memref_squeeze %dma_wait3A_241 : memref<1x128xi32, #tpu.memory_space<vmem>> -> memref<128xi32, #tpu.memory_space<vmem>>
      %dma_wait3A_243 = arith.constant 0 : i32
      %dma_wait3A_244 = arith.constant 0 : i32
      %dma_wait3A_245 = tpu.memref_slice %arg10[%dma_wait3A_243, %dma_wait3A_244] : memref<10240x16xf32, #tpu.memory_space<vmem_shared>> -> memref<10240x16xf32, #tpu.memory_space<vmem_shared>>
      %dma_wait3A_246 = tpu.memref_slice %arg12[%dma_wait3A_235] : memref<4x!tpu.dma_semaphore, #tpu.memory_space<semaphore_mem>> -> memref<1x!tpu.dma_semaphore, #tpu.memory_space<semaphore_mem>>
      %dma_wait3A_247 = tpu.memref_squeeze %dma_wait3A_246 : memref<1x!tpu.dma_semaphore, #tpu.memory_space<semaphore_mem>> -> memref<!tpu.dma_semaphore, #tpu.memory_space<semaphore_mem>>
      tpu.wait_indirect_dma semaphore(%dma_wait3A_247 : memref<!tpu.dma_semaphore, #tpu.memory_space<semaphore_mem>>) src(%dma_wait3A_239 : memref<128x16xf32, #tpu.memory_space<vmem>>) dst(%dma_wait3A_245 : memref<10240x16xf32, #tpu.memory_space<vmem_shared>>)
      %dma_wait3A_248 = arith.constant 1 : i32
      %dma_wait3A_249 = arith.constant 1 : i32
      %dma_wait3A_250 = arith.constant 0 : i32
      %dma_wait3A_251 = arith.constant 0 : i32
      %dma_wait3A_252 = tpu.memref_slice %arg9[%dma_wait3A_248, %dma_wait3A_250, %dma_wait3A_251] : memref<4x128x16xf32, #tpu.memory_space<vmem>> -> memref<1x128x16xf32, #tpu.memory_space<vmem>>
      %dma_wait3A_253 = tpu.memref_squeeze %dma_wait3A_252 : memref<1x128x16xf32, #tpu.memory_space<vmem>> -> memref<128x16xf32, #tpu.memory_space<vmem>>
      %dma_wait3A_254 = arith.constant 0 : i32
      %dma_wait3A_255 = tpu.memref_slice %arg8[%add3A_185, %dma_wait3A_254] : memref<160x128xi32, #tpu.memory_space<vmem>> -> memref<1x128xi32, #tpu.memory_space<vmem>>
      %dma_wait3A_256 = tpu.memref_squeeze %dma_wait3A_255 : memref<1x128xi32, #tpu.memory_space<vmem>> -> memref<128xi32, #tpu.memory_space<vmem>>
      %dma_wait3A_257 = arith.constant 0 : i32
      %dma_wait3A_258 = arith.constant 0 : i32
      %dma_wait3A_259 = tpu.memref_slice %arg10[%dma_wait3A_257, %dma_wait3A_258] : memref<10240x16xf32, #tpu.memory_space<vmem_shared>> -> memref<10240x16xf32, #tpu.memory_space<vmem_shared>>
      %dma_wait3A_260 = tpu.memref_slice %arg12[%dma_wait3A_249] : memref<4x!tpu.dma_semaphore, #tpu.memory_space<semaphore_mem>> -> memref<1x!tpu.dma_semaphore, #tpu.memory_space<semaphore_mem>>
      %dma_wait3A_261 = tpu.memref_squeeze %dma_wait3A_260 : memref<1x!tpu.dma_semaphore, #tpu.memory_space<semaphore_mem>> -> memref<!tpu.dma_semaphore, #tpu.memory_space<semaphore_mem>>
      tpu.wait_indirect_dma semaphore(%dma_wait3A_261 : memref<!tpu.dma_semaphore, #tpu.memory_space<semaphore_mem>>) src(%dma_wait3A_253 : memref<128x16xf32, #tpu.memory_space<vmem>>) dst(%dma_wait3A_259 : memref<10240x16xf32, #tpu.memory_space<vmem_shared>>)
      %dma_wait3A_262 = arith.constant 2 : i32
      %dma_wait3A_263 = arith.constant 2 : i32
      %dma_wait3A_264 = arith.constant 0 : i32
      %dma_wait3A_265 = arith.constant 0 : i32
      %dma_wait3A_266 = tpu.memref_slice %arg9[%dma_wait3A_262, %dma_wait3A_264, %dma_wait3A_265] : memref<4x128x16xf32, #tpu.memory_space<vmem>> -> memref<1x128x16xf32, #tpu.memory_space<vmem>>
      %dma_wait3A_267 = tpu.memref_squeeze %dma_wait3A_266 : memref<1x128x16xf32, #tpu.memory_space<vmem>> -> memref<128x16xf32, #tpu.memory_space<vmem>>
      %dma_wait3A_268 = arith.constant 0 : i32
      %dma_wait3A_269 = tpu.memref_slice %arg8[%add3A_202, %dma_wait3A_268] : memref<160x128xi32, #tpu.memory_space<vmem>> -> memref<1x128xi32, #tpu.memory_space<vmem>>
      %dma_wait3A_270 = tpu.memref_squeeze %dma_wait3A_269 : memref<1x128xi32, #tpu.memory_space<vmem>> -> memref<128xi32, #tpu.memory_space<vmem>>
      %dma_wait3A_271 = arith.constant 0 : i32
      %dma_wait3A_272 = arith.constant 0 : i32
      %dma_wait3A_273 = tpu.memref_slice %arg10[%dma_wait3A_271, %dma_wait3A_272] : memref<10240x16xf32, #tpu.memory_space<vmem_shared>> -> memref<10240x16xf32, #tpu.memory_space<vmem_shared>>
      %dma_wait3A_274 = tpu.memref_slice %arg12[%dma_wait3A_263] : memref<4x!tpu.dma_semaphore, #tpu.memory_space<semaphore_mem>> -> memref<1x!tpu.dma_semaphore, #tpu.memory_space<semaphore_mem>>
      %dma_wait3A_275 = tpu.memref_squeeze %dma_wait3A_274 : memref<1x!tpu.dma_semaphore, #tpu.memory_space<semaphore_mem>> -> memref<!tpu.dma_semaphore, #tpu.memory_space<semaphore_mem>>
      tpu.wait_indirect_dma semaphore(%dma_wait3A_275 : memref<!tpu.dma_semaphore, #tpu.memory_space<semaphore_mem>>) src(%dma_wait3A_267 : memref<128x16xf32, #tpu.memory_space<vmem>>) dst(%dma_wait3A_273 : memref<10240x16xf32, #tpu.memory_space<vmem_shared>>)
      %dma_wait3A_276 = arith.constant 3 : i32
      %dma_wait3A_277 = arith.constant 3 : i32
      %dma_wait3A_278 = arith.constant 0 : i32
      %dma_wait3A_279 = arith.constant 0 : i32
      %dma_wait3A_280 = tpu.memref_slice %arg9[%dma_wait3A_276, %dma_wait3A_278, %dma_wait3A_279] : memref<4x128x16xf32, #tpu.memory_space<vmem>> -> memref<1x128x16xf32, #tpu.memory_space<vmem>>
      %dma_wait3A_281 = tpu.memref_squeeze %dma_wait3A_280 : memref<1x128x16xf32, #tpu.memory_space<vmem>> -> memref<128x16xf32, #tpu.memory_space<vmem>>
      %dma_wait3A_282 = arith.constant 0 : i32
      %dma_wait3A_283 = tpu.memref_slice %arg8[%add3A_219, %dma_wait3A_282] : memref<160x128xi32, #tpu.memory_space<vmem>> -> memref<1x128xi32, #tpu.memory_space<vmem>>
      %dma_wait3A_284 = tpu.memref_squeeze %dma_wait3A_283 : memref<1x128xi32, #tpu.memory_space<vmem>> -> memref<128xi32, #tpu.memory_space<vmem>>
      %dma_wait3A_285 = arith.constant 0 : i32
      %dma_wait3A_286 = arith.constant 0 : i32
      %dma_wait3A_287 = tpu.memref_slice %arg10[%dma_wait3A_285, %dma_wait3A_286] : memref<10240x16xf32, #tpu.memory_space<vmem_shared>> -> memref<10240x16xf32, #tpu.memory_space<vmem_shared>>
      %dma_wait3A_288 = tpu.memref_slice %arg12[%dma_wait3A_277] : memref<4x!tpu.dma_semaphore, #tpu.memory_space<semaphore_mem>> -> memref<1x!tpu.dma_semaphore, #tpu.memory_space<semaphore_mem>>
      %dma_wait3A_289 = tpu.memref_squeeze %dma_wait3A_288 : memref<1x!tpu.dma_semaphore, #tpu.memory_space<semaphore_mem>> -> memref<!tpu.dma_semaphore, #tpu.memory_space<semaphore_mem>>
      tpu.wait_indirect_dma semaphore(%dma_wait3A_289 : memref<!tpu.dma_semaphore, #tpu.memory_space<semaphore_mem>>) src(%dma_wait3A_281 : memref<128x16xf32, #tpu.memory_space<vmem>>) dst(%dma_wait3A_287 : memref<10240x16xf32, #tpu.memory_space<vmem_shared>>)
    }
    %scan3A_155 = arith.constant 20 : i32
    %barrier3A_156 = arith.constant 0 : index
    tpu.barrier barrier_id(%barrier3A_156)
    %mul3A_157 = arith.constant 640 : i32
    %mul3A_158 = arith.muli %arg1, %mul3A_157 : i32
    %mul3A_159 = arith.constant 640 : i32
    %mul3A_160 = arith.muli %arg1, %mul3A_159 : i32
    "tpu.region"() ({
      %run_scoped3A = tpu.sem_alloc : memref<!tpu.dma_semaphore, #tpu.memory_space<semaphore_mem>>
      %dma_start3A_161 = arith.constant 0 : i32
      %dma_start3A_162 = arith.constant 0 : i32
      %dma_start3A_163 = tpu.memref_slice %arg6[%arg0, %dma_start3A_161, %dma_start3A_162] : memref<2x10240x16xf32, #tpu.memory_space<hbm>> -> memref<1x10240x16xf32, #tpu.memory_space<hbm>>
      %dma_start3A_164 = tpu.memref_squeeze %dma_start3A_163 : memref<1x10240x16xf32, #tpu.memory_space<hbm>> -> memref<10240x16xf32, #tpu.memory_space<hbm>>
      %dma_start3A_165 = arith.constant 0 : i32
      %dma_start3A_166 = tpu.memref_slice %dma_start3A_164[%mul3A_160, %dma_start3A_165] : memref<10240x16xf32, #tpu.memory_space<hbm>> -> memref<640x16xf32, #tpu.memory_space<hbm>>
      %dma_start3A_167 = arith.constant 0 : i32
      %dma_start3A_168 = tpu.memref_slice %arg10[%mul3A_158, %dma_start3A_167] : memref<10240x16xf32, #tpu.memory_space<vmem_shared>> -> memref<640x16xf32, #tpu.memory_space<vmem_shared>>
      tpu.enqueue_dma source(%dma_start3A_168 : memref<640x16xf32, #tpu.memory_space<vmem_shared>>) target(%dma_start3A_166 : memref<640x16xf32, #tpu.memory_space<hbm>>) target_semaphore(%run_scoped3A : memref<!tpu.dma_semaphore, #tpu.memory_space<semaphore_mem>>)
      %dma_wait3A_169 = arith.constant 0 : i32
      %dma_wait3A_170 = arith.constant 0 : i32
      %dma_wait3A_171 = tpu.memref_slice %arg6[%arg0, %dma_wait3A_169, %dma_wait3A_170] : memref<2x10240x16xf32, #tpu.memory_space<hbm>> -> memref<1x10240x16xf32, #tpu.memory_space<hbm>>
      %dma_wait3A_172 = tpu.memref_squeeze %dma_wait3A_171 : memref<1x10240x16xf32, #tpu.memory_space<hbm>> -> memref<10240x16xf32, #tpu.memory_space<hbm>>
      %dma_wait3A_173 = arith.constant 0 : i32
      %dma_wait3A_174 = tpu.memref_slice %dma_wait3A_172[%mul3A_160, %dma_wait3A_173] : memref<10240x16xf32, #tpu.memory_space<hbm>> -> memref<640x16xf32, #tpu.memory_space<hbm>>
      %dma_wait3A_175 = arith.constant 0 : i32
      %dma_wait3A_176 = tpu.memref_slice %arg10[%mul3A_158, %dma_wait3A_175] : memref<10240x16xf32, #tpu.memory_space<vmem_shared>> -> memref<640x16xf32, #tpu.memory_space<vmem_shared>>
      tpu.wait_dma2 semaphore(%run_scoped3A : memref<!tpu.dma_semaphore, #tpu.memory_space<semaphore_mem>>) src(%dma_wait3A_176 : memref<640x16xf32, #tpu.memory_space<vmem_shared>>) dst(%dma_wait3A_174 : memref<640x16xf32, #tpu.memory_space<hbm>>)
      tpu.yield
    }) : () -> ()
    return
  }
}

#map = affine_map<(d0, d1) -> (0, 0, 0)>
#map1 = affine_map<(d0, d1) -> (0, 0)>
module attributes {stable_mosaic.version = 14 : i64} {
  func.func @k(%arg0: i32, %arg1: i32, %arg2: memref<2x10240x64xf32, #tpu.memory_space<hbm>>, %arg3: memref<16x160x128xi32, #tpu.memory_space<hbm>>, %arg4: memref<16x160x128xi32, #tpu.memory_space<hbm>>, %arg5: memref<640x64xf32, #tpu.memory_space<hbm>>, %arg6: memref<2x10240x64xf32, #tpu.memory_space<hbm>>, %arg7: memref<160x128xi32, #tpu.memory_space<vmem>>, %arg8: memref<160x128xi32, #tpu.memory_space<vmem>>, %arg9: memref<4x128x64xf32, #tpu.memory_space<vmem>>, %arg10: memref<10240x64xf32, #tpu.memory_space<vmem_shared>>, %arg11: memref<4x!tpu.dma_semaphore, #tpu.memory_space<semaphore_mem>>, %arg12: memref<4x!tpu.dma_semaphore, #tpu.memory_space<semaphore_mem>>) attributes {dimension_semantics = [#tpu.dimension_semantics<core_parallel>, #tpu.dimension_semantics<subcore_parallel>], iteration_bounds = array<i64: 2, 16>, scalar_prefetch = 0 : i64, scratch_operands = 6 : i64, tpu.core_type = #tpu.core_type<sc_vector_subcore>, window_params = [{transform_indices = #map}, {transform_indices = #map}, {transform_indices = #map}, {transform_indices = #map1}, {transform_indices = #map}]} {
    "tpu.region"() ({
      %run_scoped3A = tpu.sem_alloc : memref<!tpu.dma_semaphore, #tpu.memory_space<semaphore_mem>>
      %dma_start3A = arith.constant 0 : i32
      %dma_start3A_10 = arith.constant 0 : i32
      %dma_start3A_11 = tpu.memref_slice %arg3[%arg1, %dma_start3A, %dma_start3A_10] : memref<16x160x128xi32, #tpu.memory_space<hbm>> -> memref<1x160x128xi32, #tpu.memory_space<hbm>>
      %dma_start3A_12 = tpu.memref_squeeze %dma_start3A_11 : memref<1x160x128xi32, #tpu.memory_space<hbm>> -> memref<160x128xi32, #tpu.memory_space<hbm>>
      %dma_start3A_13 = arith.constant 0 : i32
      %dma_start3A_14 = arith.constant 0 : i32
      %dma_start3A_15 = tpu.memref_slice %arg3[%arg1, %dma_start3A_13, %dma_start3A_14] : memref<16x160x128xi32, #tpu.memory_space<hbm>> -> memref<1x160x128xi32, #tpu.memory_space<hbm>>
      %dma_start3A_16 = tpu.memref_squeeze %dma_start3A_15 : memref<1x160x128xi32, #tpu.memory_space<hbm>> -> memref<160x128xi32, #tpu.memory_space<hbm>>
      tpu.enqueue_dma source(%dma_start3A_16 : memref<160x128xi32, #tpu.memory_space<hbm>>) target(%arg7 : memref<160x128xi32, #tpu.memory_space<vmem>>) target_semaphore(%run_scoped3A : memref<!tpu.dma_semaphore, #tpu.memory_space<semaphore_mem>>)
      %dma_wait3A = arith.constant 0 : i32
      %dma_wait3A_17 = arith.constant 0 : i32
      %dma_wait3A_18 = tpu.memref_slice %arg3[%arg1, %dma_wait3A, %dma_wait3A_17] : memref<16x160x128xi32, #tpu.memory_space<hbm>> -> memref<1x160x128xi32, #tpu.memory_space<hbm>>
      %dma_wait3A_19 = tpu.memref_squeeze %dma_wait3A_18 : memref<1x160x128xi32, #tpu.memory_space<hbm>> -> memref<160x128xi32, #tpu.memory_space<hbm>>
      %dma_wait3A_20 = arith.constant 0 : i32
      %dma_wait3A_21 = arith.constant 0 : i32
      %dma_wait3A_22 = tpu.memref_slice %arg3[%arg1, %dma_wait3A_20, %dma_wait3A_21] : memref<16x160x128xi32, #tpu.memory_space<hbm>> -> memref<1x160x128xi32, #tpu.memory_space<hbm>>
      %dma_wait3A_23 = tpu.memref_squeeze %dma_wait3A_22 : memref<1x160x128xi32, #tpu.memory_space<hbm>> -> memref<160x128xi32, #tpu.memory_space<hbm>>
      tpu.wait_dma2 semaphore(%run_scoped3A : memref<!tpu.dma_semaphore, #tpu.memory_space<semaphore_mem>>) src(%dma_wait3A_23 : memref<160x128xi32, #tpu.memory_space<hbm>>) dst(%arg7 : memref<160x128xi32, #tpu.memory_space<vmem>>)
      tpu.yield
    }) : () -> ()
    "tpu.region"() ({
      %run_scoped3A = tpu.sem_alloc : memref<!tpu.dma_semaphore, #tpu.memory_space<semaphore_mem>>
      %dma_start3A = arith.constant 0 : i32
      %dma_start3A_10 = arith.constant 0 : i32
      %dma_start3A_11 = tpu.memref_slice %arg4[%arg1, %dma_start3A, %dma_start3A_10] : memref<16x160x128xi32, #tpu.memory_space<hbm>> -> memref<1x160x128xi32, #tpu.memory_space<hbm>>
      %dma_start3A_12 = tpu.memref_squeeze %dma_start3A_11 : memref<1x160x128xi32, #tpu.memory_space<hbm>> -> memref<160x128xi32, #tpu.memory_space<hbm>>
      %dma_start3A_13 = arith.constant 0 : i32
      %dma_start3A_14 = arith.constant 0 : i32
      %dma_start3A_15 = tpu.memref_slice %arg4[%arg1, %dma_start3A_13, %dma_start3A_14] : memref<16x160x128xi32, #tpu.memory_space<hbm>> -> memref<1x160x128xi32, #tpu.memory_space<hbm>>
      %dma_start3A_16 = tpu.memref_squeeze %dma_start3A_15 : memref<1x160x128xi32, #tpu.memory_space<hbm>> -> memref<160x128xi32, #tpu.memory_space<hbm>>
      tpu.enqueue_dma source(%dma_start3A_16 : memref<160x128xi32, #tpu.memory_space<hbm>>) target(%arg8 : memref<160x128xi32, #tpu.memory_space<vmem>>) target_semaphore(%run_scoped3A : memref<!tpu.dma_semaphore, #tpu.memory_space<semaphore_mem>>)
      %dma_wait3A = arith.constant 0 : i32
      %dma_wait3A_17 = arith.constant 0 : i32
      %dma_wait3A_18 = tpu.memref_slice %arg4[%arg1, %dma_wait3A, %dma_wait3A_17] : memref<16x160x128xi32, #tpu.memory_space<hbm>> -> memref<1x160x128xi32, #tpu.memory_space<hbm>>
      %dma_wait3A_19 = tpu.memref_squeeze %dma_wait3A_18 : memref<1x160x128xi32, #tpu.memory_space<hbm>> -> memref<160x128xi32, #tpu.memory_space<hbm>>
      %dma_wait3A_20 = arith.constant 0 : i32
      %dma_wait3A_21 = arith.constant 0 : i32
      %dma_wait3A_22 = tpu.memref_slice %arg4[%arg1, %dma_wait3A_20, %dma_wait3A_21] : memref<16x160x128xi32, #tpu.memory_space<hbm>> -> memref<1x160x128xi32, #tpu.memory_space<hbm>>
      %dma_wait3A_23 = tpu.memref_squeeze %dma_wait3A_22 : memref<1x160x128xi32, #tpu.memory_space<hbm>> -> memref<160x128xi32, #tpu.memory_space<hbm>>
      tpu.wait_dma2 semaphore(%run_scoped3A : memref<!tpu.dma_semaphore, #tpu.memory_space<semaphore_mem>>) src(%dma_wait3A_23 : memref<160x128xi32, #tpu.memory_space<hbm>>) dst(%arg8 : memref<160x128xi32, #tpu.memory_space<vmem>>)
      tpu.yield
    }) : () -> ()
    %mul3A = arith.constant 640 : i32
    %mul3A_0 = arith.muli %arg1, %mul3A : i32
    "tpu.region"() ({
      %run_scoped3A = tpu.sem_alloc : memref<!tpu.dma_semaphore, #tpu.memory_space<semaphore_mem>>
      %dma_start3A = arith.constant 0 : i32
      %dma_start3A_10 = tpu.memref_slice %arg10[%mul3A_0, %dma_start3A] : memref<10240x64xf32, #tpu.memory_space<vmem_shared>> -> memref<640x64xf32, #tpu.memory_space<vmem_shared>>
      tpu.enqueue_dma source(%arg5 : memref<640x64xf32, #tpu.memory_space<hbm>>) target(%dma_start3A_10 : memref<640x64xf32, #tpu.memory_space<vmem_shared>>) target_semaphore(%run_scoped3A : memref<!tpu.dma_semaphore, #tpu.memory_space<semaphore_mem>>)
      %dma_wait3A = arith.constant 0 : i32
      %dma_wait3A_11 = tpu.memref_slice %arg10[%mul3A_0, %dma_wait3A] : memref<10240x64xf32, #tpu.memory_space<vmem_shared>> -> memref<640x64xf32, #tpu.memory_space<vmem_shared>>
      tpu.wait_dma2 semaphore(%run_scoped3A : memref<!tpu.dma_semaphore, #tpu.memory_space<semaphore_mem>>) src(%arg5 : memref<640x64xf32, #tpu.memory_space<hbm>>) dst(%dma_wait3A_11 : memref<640x64xf32, #tpu.memory_space<vmem_shared>>)
      tpu.yield
    }) : () -> ()
    %barrier3A = arith.constant 0 : index
    tpu.barrier barrier_id(%barrier3A)
    %scan3A = arith.constant 0 : i32
    %scan3A_1 = arith.constant 40 : i32
    %scan3A_2 = arith.addi %scan3A, %scan3A_1 : i32
    %scan3A_3 = arith.constant 1 : i32
    scf.for %scan3A_10 = %scan3A to %scan3A_2 step %scan3A_3  : i32 {
      %mul3A_11 = arith.constant 4 : i32
      %mul3A_12 = arith.muli %scan3A_10, %mul3A_11 : i32
      %add3A = arith.constant 0 : i32
      %add3A_13 = arith.addi %add3A, %mul3A_12 : i32
      %add3A_14 = arith.constant 0 : i32
      %add3A_15 = arith.addi %add3A_14, %add3A_13 : i32
      %add3A_16 = arith.constant 0 : i32
      %add3A_17 = arith.addi %add3A_15, %add3A_16 : i32
      %dma_start3A = arith.constant 0 : i32
      %dma_start3A_18 = arith.constant 0 : i32
      %dma_start3A_19 = arith.constant 0 : i32
      %dma_start3A_20 = arith.constant 0 : i32
      %dma_start3A_21 = tpu.memref_slice %arg9[%dma_start3A, %dma_start3A_19, %dma_start3A_20] : memref<4x128x64xf32, #tpu.memory_space<vmem>> -> memref<1x128x64xf32, #tpu.memory_space<vmem>>
      %dma_start3A_22 = tpu.memref_squeeze %dma_start3A_21 : memref<1x128x64xf32, #tpu.memory_space<vmem>> -> memref<128x64xf32, #tpu.memory_space<vmem>>
      %dma_start3A_23 = arith.constant 0 : i32
      %dma_start3A_24 = tpu.memref_slice %arg7[%add3A_17, %dma_start3A_23] : memref<160x128xi32, #tpu.memory_space<vmem>> -> memref<1x128xi32, #tpu.memory_space<vmem>>
      %dma_start3A_25 = tpu.memref_squeeze %dma_start3A_24 : memref<1x128xi32, #tpu.memory_space<vmem>> -> memref<128xi32, #tpu.memory_space<vmem>>
      %dma_start3A_26 = arith.constant 0 : i32
      %dma_start3A_27 = arith.constant 0 : i32
      %dma_start3A_28 = tpu.memref_slice %arg2[%arg0, %dma_start3A_26, %dma_start3A_27] : memref<2x10240x64xf32, #tpu.memory_space<hbm>> -> memref<1x10240x64xf32, #tpu.memory_space<hbm>>
      %dma_start3A_29 = tpu.memref_squeeze %dma_start3A_28 : memref<1x10240x64xf32, #tpu.memory_space<hbm>> -> memref<10240x64xf32, #tpu.memory_space<hbm>>
      %dma_start3A_30 = arith.constant 0 : i32
      %dma_start3A_31 = arith.constant 0 : i32
      %dma_start3A_32 = tpu.memref_slice %dma_start3A_29[%dma_start3A_30, %dma_start3A_31] : memref<10240x64xf32, #tpu.memory_space<hbm>> -> memref<10240x64xf32, #tpu.memory_space<hbm>>
      %dma_start3A_33 = tpu.memref_slice %arg11[%dma_start3A_18] : memref<4x!tpu.dma_semaphore, #tpu.memory_space<semaphore_mem>> -> memref<1x!tpu.dma_semaphore, #tpu.memory_space<semaphore_mem>>
      %dma_start3A_34 = tpu.memref_squeeze %dma_start3A_33 : memref<1x!tpu.dma_semaphore, #tpu.memory_space<semaphore_mem>> -> memref<!tpu.dma_semaphore, #tpu.memory_space<semaphore_mem>>
      tpu.enqueue_indirect_dma source(%dma_start3A_32 : memref<10240x64xf32, #tpu.memory_space<hbm>>) target(%dma_start3A_22 : memref<128x64xf32, #tpu.memory_space<vmem>>) offsets(%dma_start3A_25 : memref<128xi32, #tpu.memory_space<vmem>>) semaphore(%dma_start3A_34 : memref<!tpu.dma_semaphore, #tpu.memory_space<semaphore_mem>>)
      %add3A_35 = arith.constant 0 : i32
      %add3A_36 = arith.addi %add3A_35, %add3A_13 : i32
      %add3A_37 = arith.constant 1 : i32
      %add3A_38 = arith.addi %add3A_36, %add3A_37 : i32
      %dma_start3A_39 = arith.constant 1 : i32
      %dma_start3A_40 = arith.constant 1 : i32
      %dma_start3A_41 = arith.constant 0 : i32
      %dma_start3A_42 = arith.constant 0 : i32
      %dma_start3A_43 = tpu.memref_slice %arg9[%dma_start3A_39, %dma_start3A_41, %dma_start3A_42] : memref<4x128x64xf32, #tpu.memory_space<vmem>> -> memref<1x128x64xf32, #tpu.memory_space<vmem>>
      %dma_start3A_44 = tpu.memref_squeeze %dma_start3A_43 : memref<1x128x64xf32, #tpu.memory_space<vmem>> -> memref<128x64xf32, #tpu.memory_space<vmem>>
      %dma_start3A_45 = arith.constant 0 : i32
      %dma_start3A_46 = tpu.memref_slice %arg7[%add3A_38, %dma_start3A_45] : memref<160x128xi32, #tpu.memory_space<vmem>> -> memref<1x128xi32, #tpu.memory_space<vmem>>
      %dma_start3A_47 = tpu.memref_squeeze %dma_start3A_46 : memref<1x128xi32, #tpu.memory_space<vmem>> -> memref<128xi32, #tpu.memory_space<vmem>>
      %dma_start3A_48 = arith.constant 0 : i32
      %dma_start3A_49 = arith.constant 0 : i32
      %dma_start3A_50 = tpu.memref_slice %arg2[%arg0, %dma_start3A_48, %dma_start3A_49] : memref<2x10240x64xf32, #tpu.memory_space<hbm>> -> memref<1x10240x64xf32, #tpu.memory_space<hbm>>
      %dma_start3A_51 = tpu.memref_squeeze %dma_start3A_50 : memref<1x10240x64xf32, #tpu.memory_space<hbm>> -> memref<10240x64xf32, #tpu.memory_space<hbm>>
      %dma_start3A_52 = arith.constant 0 : i32
      %dma_start3A_53 = arith.constant 0 : i32
      %dma_start3A_54 = tpu.memref_slice %dma_start3A_51[%dma_start3A_52, %dma_start3A_53] : memref<10240x64xf32, #tpu.memory_space<hbm>> -> memref<10240x64xf32, #tpu.memory_space<hbm>>
      %dma_start3A_55 = tpu.memref_slice %arg11[%dma_start3A_40] : memref<4x!tpu.dma_semaphore, #tpu.memory_space<semaphore_mem>> -> memref<1x!tpu.dma_semaphore, #tpu.memory_space<semaphore_mem>>
      %dma_start3A_56 = tpu.memref_squeeze %dma_start3A_55 : memref<1x!tpu.dma_semaphore, #tpu.memory_space<semaphore_mem>> -> memref<!tpu.dma_semaphore, #tpu.memory_space<semaphore_mem>>
      tpu.enqueue_indirect_dma source(%dma_start3A_54 : memref<10240x64xf32, #tpu.memory_space<hbm>>) target(%dma_start3A_44 : memref<128x64xf32, #tpu.memory_space<vmem>>) offsets(%dma_start3A_47 : memref<128xi32, #tpu.memory_space<vmem>>) semaphore(%dma_start3A_56 : memref<!tpu.dma_semaphore, #tpu.memory_space<semaphore_mem>>)
      %add3A_57 = arith.constant 0 : i32
      %add3A_58 = arith.addi %add3A_57, %add3A_13 : i32
      %add3A_59 = arith.constant 2 : i32
      %add3A_60 = arith.addi %add3A_58, %add3A_59 : i32
      %dma_start3A_61 = arith.constant 2 : i32
      %dma_start3A_62 = arith.constant 2 : i32
      %dma_start3A_63 = arith.constant 0 : i32
      %dma_start3A_64 = arith.constant 0 : i32
      %dma_start3A_65 = tpu.memref_slice %arg9[%dma_start3A_61, %dma_start3A_63, %dma_start3A_64] : memref<4x128x64xf32, #tpu.memory_space<vmem>> -> memref<1x128x64xf32, #tpu.memory_space<vmem>>
      %dma_start3A_66 = tpu.memref_squeeze %dma_start3A_65 : memref<1x128x64xf32, #tpu.memory_space<vmem>> -> memref<128x64xf32, #tpu.memory_space<vmem>>
      %dma_start3A_67 = arith.constant 0 : i32
      %dma_start3A_68 = tpu.memref_slice %arg7[%add3A_60, %dma_start3A_67] : memref<160x128xi32, #tpu.memory_space<vmem>> -> memref<1x128xi32, #tpu.memory_space<vmem>>
      %dma_start3A_69 = tpu.memref_squeeze %dma_start3A_68 : memref<1x128xi32, #tpu.memory_space<vmem>> -> memref<128xi32, #tpu.memory_space<vmem>>
      %dma_start3A_70 = arith.constant 0 : i32
      %dma_start3A_71 = arith.constant 0 : i32
      %dma_start3A_72 = tpu.memref_slice %arg2[%arg0, %dma_start3A_70, %dma_start3A_71] : memref<2x10240x64xf32, #tpu.memory_space<hbm>> -> memref<1x10240x64xf32, #tpu.memory_space<hbm>>
      %dma_start3A_73 = tpu.memref_squeeze %dma_start3A_72 : memref<1x10240x64xf32, #tpu.memory_space<hbm>> -> memref<10240x64xf32, #tpu.memory_space<hbm>>
      %dma_start3A_74 = arith.constant 0 : i32
      %dma_start3A_75 = arith.constant 0 : i32
      %dma_start3A_76 = tpu.memref_slice %dma_start3A_73[%dma_start3A_74, %dma_start3A_75] : memref<10240x64xf32, #tpu.memory_space<hbm>> -> memref<10240x64xf32, #tpu.memory_space<hbm>>
      %dma_start3A_77 = tpu.memref_slice %arg11[%dma_start3A_62] : memref<4x!tpu.dma_semaphore, #tpu.memory_space<semaphore_mem>> -> memref<1x!tpu.dma_semaphore, #tpu.memory_space<semaphore_mem>>
      %dma_start3A_78 = tpu.memref_squeeze %dma_start3A_77 : memref<1x!tpu.dma_semaphore, #tpu.memory_space<semaphore_mem>> -> memref<!tpu.dma_semaphore, #tpu.memory_space<semaphore_mem>>
      tpu.enqueue_indirect_dma source(%dma_start3A_76 : memref<10240x64xf32, #tpu.memory_space<hbm>>) target(%dma_start3A_66 : memref<128x64xf32, #tpu.memory_space<vmem>>) offsets(%dma_start3A_69 : memref<128xi32, #tpu.memory_space<vmem>>) semaphore(%dma_start3A_78 : memref<!tpu.dma_semaphore, #tpu.memory_space<semaphore_mem>>)
      %add3A_79 = arith.constant 0 : i32
      %add3A_80 = arith.addi %add3A_79, %add3A_13 : i32
      %add3A_81 = arith.constant 3 : i32
      %add3A_82 = arith.addi %add3A_80, %add3A_81 : i32
      %dma_start3A_83 = arith.constant 3 : i32
      %dma_start3A_84 = arith.constant 3 : i32
      %dma_start3A_85 = arith.constant 0 : i32
      %dma_start3A_86 = arith.constant 0 : i32
      %dma_start3A_87 = tpu.memref_slice %arg9[%dma_start3A_83, %dma_start3A_85, %dma_start3A_86] : memref<4x128x64xf32, #tpu.memory_space<vmem>> -> memref<1x128x64xf32, #tpu.memory_space<vmem>>
      %dma_start3A_88 = tpu.memref_squeeze %dma_start3A_87 : memref<1x128x64xf32, #tpu.memory_space<vmem>> -> memref<128x64xf32, #tpu.memory_space<vmem>>
      %dma_start3A_89 = arith.constant 0 : i32
      %dma_start3A_90 = tpu.memref_slice %arg7[%add3A_82, %dma_start3A_89] : memref<160x128xi32, #tpu.memory_space<vmem>> -> memref<1x128xi32, #tpu.memory_space<vmem>>
      %dma_start3A_91 = tpu.memref_squeeze %dma_start3A_90 : memref<1x128xi32, #tpu.memory_space<vmem>> -> memref<128xi32, #tpu.memory_space<vmem>>
      %dma_start3A_92 = arith.constant 0 : i32
      %dma_start3A_93 = arith.constant 0 : i32
      %dma_start3A_94 = tpu.memref_slice %arg2[%arg0, %dma_start3A_92, %dma_start3A_93] : memref<2x10240x64xf32, #tpu.memory_space<hbm>> -> memref<1x10240x64xf32, #tpu.memory_space<hbm>>
      %dma_start3A_95 = tpu.memref_squeeze %dma_start3A_94 : memref<1x10240x64xf32, #tpu.memory_space<hbm>> -> memref<10240x64xf32, #tpu.memory_space<hbm>>
      %dma_start3A_96 = arith.constant 0 : i32
      %dma_start3A_97 = arith.constant 0 : i32
      %dma_start3A_98 = tpu.memref_slice %dma_start3A_95[%dma_start3A_96, %dma_start3A_97] : memref<10240x64xf32, #tpu.memory_space<hbm>> -> memref<10240x64xf32, #tpu.memory_space<hbm>>
      %dma_start3A_99 = tpu.memref_slice %arg11[%dma_start3A_84] : memref<4x!tpu.dma_semaphore, #tpu.memory_space<semaphore_mem>> -> memref<1x!tpu.dma_semaphore, #tpu.memory_space<semaphore_mem>>
      %dma_start3A_100 = tpu.memref_squeeze %dma_start3A_99 : memref<1x!tpu.dma_semaphore, #tpu.memory_space<semaphore_mem>> -> memref<!tpu.dma_semaphore, #tpu.memory_space<semaphore_mem>>
      tpu.enqueue_indirect_dma source(%dma_start3A_98 : memref<10240x64xf32, #tpu.memory_space<hbm>>) target(%dma_start3A_88 : memref<128x64xf32, #tpu.memory_space<vmem>>) offsets(%dma_start3A_91 : memref<128xi32, #tpu.memory_space<vmem>>) semaphore(%dma_start3A_100 : memref<!tpu.dma_semaphore, #tpu.memory_space<semaphore_mem>>)
      %dma_wait3A = arith.constant 0 : i32
      %dma_wait3A_101 = arith.constant 0 : i32
      %dma_wait3A_102 = arith.constant 0 : i32
      %dma_wait3A_103 = arith.constant 0 : i32
      %dma_wait3A_104 = tpu.memref_slice %arg9[%dma_wait3A, %dma_wait3A_102, %dma_wait3A_103] : memref<4x128x64xf32, #tpu.memory_space<vmem>> -> memref<1x128x64xf32, #tpu.memory_space<vmem>>
      %dma_wait3A_105 = tpu.memref_squeeze %dma_wait3A_104 : memref<1x128x64xf32, #tpu.memory_space<vmem>> -> memref<128x64xf32, #tpu.memory_space<vmem>>
      %dma_wait3A_106 = arith.constant 0 : i32
      %dma_wait3A_107 = tpu.memref_slice %arg7[%add3A_17, %dma_wait3A_106] : memref<160x128xi32, #tpu.memory_space<vmem>> -> memref<1x128xi32, #tpu.memory_space<vmem>>
      %dma_wait3A_108 = tpu.memref_squeeze %dma_wait3A_107 : memref<1x128xi32, #tpu.memory_space<vmem>> -> memref<128xi32, #tpu.memory_space<vmem>>
      %dma_wait3A_109 = arith.constant 0 : i32
      %dma_wait3A_110 = arith.constant 0 : i32
      %dma_wait3A_111 = tpu.memref_slice %arg2[%arg0, %dma_wait3A_109, %dma_wait3A_110] : memref<2x10240x64xf32, #tpu.memory_space<hbm>> -> memref<1x10240x64xf32, #tpu.memory_space<hbm>>
      %dma_wait3A_112 = tpu.memref_squeeze %dma_wait3A_111 : memref<1x10240x64xf32, #tpu.memory_space<hbm>> -> memref<10240x64xf32, #tpu.memory_space<hbm>>
      %dma_wait3A_113 = arith.constant 0 : i32
      %dma_wait3A_114 = arith.constant 0 : i32
      %dma_wait3A_115 = tpu.memref_slice %dma_wait3A_112[%dma_wait3A_113, %dma_wait3A_114] : memref<10240x64xf32, #tpu.memory_space<hbm>> -> memref<10240x64xf32, #tpu.memory_space<hbm>>
      %dma_wait3A_116 = tpu.memref_slice %arg11[%dma_wait3A_101] : memref<4x!tpu.dma_semaphore, #tpu.memory_space<semaphore_mem>> -> memref<1x!tpu.dma_semaphore, #tpu.memory_space<semaphore_mem>>
      %dma_wait3A_117 = tpu.memref_squeeze %dma_wait3A_116 : memref<1x!tpu.dma_semaphore, #tpu.memory_space<semaphore_mem>> -> memref<!tpu.dma_semaphore, #tpu.memory_space<semaphore_mem>>
      tpu.wait_indirect_dma semaphore(%dma_wait3A_117 : memref<!tpu.dma_semaphore, #tpu.memory_space<semaphore_mem>>) src(%dma_wait3A_115 : memref<10240x64xf32, #tpu.memory_space<hbm>>) dst(%dma_wait3A_105 : memref<128x64xf32, #tpu.memory_space<vmem>>)
      %add3A_118 = arith.constant 0 : i32
      %add3A_119 = arith.addi %add3A_118, %add3A_13 : i32
      %add3A_120 = arith.constant 0 : i32
      %add3A_121 = arith.addi %add3A_119, %add3A_120 : i32
      %dma_start3A_122 = arith.constant 0 : i32
      %dma_start3A_123 = arith.constant 0 : i32
      %dma_start3A_124 = arith.constant 0 : i32
      %dma_start3A_125 = arith.constant 0 : i32
      %dma_start3A_126 = tpu.memref_slice %arg9[%dma_start3A_122, %dma_start3A_124, %dma_start3A_125] : memref<4x128x64xf32, #tpu.memory_space<vmem>> -> memref<1x128x64xf32, #tpu.memory_space<vmem>>
      %dma_start3A_127 = tpu.memref_squeeze %dma_start3A_126 : memref<1x128x64xf32, #tpu.memory_space<vmem>> -> memref<128x64xf32, #tpu.memory_space<vmem>>
      %dma_start3A_128 = arith.constant 0 : i32
      %dma_start3A_129 = tpu.memref_slice %arg8[%add3A_121, %dma_start3A_128] : memref<160x128xi32, #tpu.memory_space<vmem>> -> memref<1x128xi32, #tpu.memory_space<vmem>>
      %dma_start3A_130 = tpu.memref_squeeze %dma_start3A_129 : memref<1x128xi32, #tpu.memory_space<vmem>> -> memref<128xi32, #tpu.memory_space<vmem>>
      %dma_start3A_131 = arith.constant 0 : i32
      %dma_start3A_132 = arith.constant 0 : i32
      %dma_start3A_133 = tpu.memref_slice %arg10[%dma_start3A_131, %dma_start3A_132] : memref<10240x64xf32, #tpu.memory_space<vmem_shared>> -> memref<10240x64xf32, #tpu.memory_space<vmem_shared>>
      %dma_start3A_134 = tpu.memref_slice %arg12[%dma_start3A_123] : memref<4x!tpu.dma_semaphore, #tpu.memory_space<semaphore_mem>> -> memref<1x!tpu.dma_semaphore, #tpu.memory_space<semaphore_mem>>
      %dma_start3A_135 = tpu.memref_squeeze %dma_start3A_134 : memref<1x!tpu.dma_semaphore, #tpu.memory_space<semaphore_mem>> -> memref<!tpu.dma_semaphore, #tpu.memory_space<semaphore_mem>>
      tpu.enqueue_indirect_dma source(%dma_start3A_127 : memref<128x64xf32, #tpu.memory_space<vmem>>) target(%dma_start3A_133 : memref<10240x64xf32, #tpu.memory_space<vmem_shared>>) offsets(%dma_start3A_130 : memref<128xi32, #tpu.memory_space<vmem>>) semaphore(%dma_start3A_135 : memref<!tpu.dma_semaphore, #tpu.memory_space<semaphore_mem>>) {add = true}
      %dma_wait3A_136 = arith.constant 1 : i32
      %dma_wait3A_137 = arith.constant 1 : i32
      %dma_wait3A_138 = arith.constant 0 : i32
      %dma_wait3A_139 = arith.constant 0 : i32
      %dma_wait3A_140 = tpu.memref_slice %arg9[%dma_wait3A_136, %dma_wait3A_138, %dma_wait3A_139] : memref<4x128x64xf32, #tpu.memory_space<vmem>> -> memref<1x128x64xf32, #tpu.memory_space<vmem>>
      %dma_wait3A_141 = tpu.memref_squeeze %dma_wait3A_140 : memref<1x128x64xf32, #tpu.memory_space<vmem>> -> memref<128x64xf32, #tpu.memory_space<vmem>>
      %dma_wait3A_142 = arith.constant 0 : i32
      %dma_wait3A_143 = tpu.memref_slice %arg7[%add3A_38, %dma_wait3A_142] : memref<160x128xi32, #tpu.memory_space<vmem>> -> memref<1x128xi32, #tpu.memory_space<vmem>>
      %dma_wait3A_144 = tpu.memref_squeeze %dma_wait3A_143 : memref<1x128xi32, #tpu.memory_space<vmem>> -> memref<128xi32, #tpu.memory_space<vmem>>
      %dma_wait3A_145 = arith.constant 0 : i32
      %dma_wait3A_146 = arith.constant 0 : i32
      %dma_wait3A_147 = tpu.memref_slice %arg2[%arg0, %dma_wait3A_145, %dma_wait3A_146] : memref<2x10240x64xf32, #tpu.memory_space<hbm>> -> memref<1x10240x64xf32, #tpu.memory_space<hbm>>
      %dma_wait3A_148 = tpu.memref_squeeze %dma_wait3A_147 : memref<1x10240x64xf32, #tpu.memory_space<hbm>> -> memref<10240x64xf32, #tpu.memory_space<hbm>>
      %dma_wait3A_149 = arith.constant 0 : i32
      %dma_wait3A_150 = arith.constant 0 : i32
      %dma_wait3A_151 = tpu.memref_slice %dma_wait3A_148[%dma_wait3A_149, %dma_wait3A_150] : memref<10240x64xf32, #tpu.memory_space<hbm>> -> memref<10240x64xf32, #tpu.memory_space<hbm>>
      %dma_wait3A_152 = tpu.memref_slice %arg11[%dma_wait3A_137] : memref<4x!tpu.dma_semaphore, #tpu.memory_space<semaphore_mem>> -> memref<1x!tpu.dma_semaphore, #tpu.memory_space<semaphore_mem>>
      %dma_wait3A_153 = tpu.memref_squeeze %dma_wait3A_152 : memref<1x!tpu.dma_semaphore, #tpu.memory_space<semaphore_mem>> -> memref<!tpu.dma_semaphore, #tpu.memory_space<semaphore_mem>>
      tpu.wait_indirect_dma semaphore(%dma_wait3A_153 : memref<!tpu.dma_semaphore, #tpu.memory_space<semaphore_mem>>) src(%dma_wait3A_151 : memref<10240x64xf32, #tpu.memory_space<hbm>>) dst(%dma_wait3A_141 : memref<128x64xf32, #tpu.memory_space<vmem>>)
      %add3A_154 = arith.constant 0 : i32
      %add3A_155 = arith.addi %add3A_154, %add3A_13 : i32
      %add3A_156 = arith.constant 1 : i32
      %add3A_157 = arith.addi %add3A_155, %add3A_156 : i32
      %dma_start3A_158 = arith.constant 1 : i32
      %dma_start3A_159 = arith.constant 1 : i32
      %dma_start3A_160 = arith.constant 0 : i32
      %dma_start3A_161 = arith.constant 0 : i32
      %dma_start3A_162 = tpu.memref_slice %arg9[%dma_start3A_158, %dma_start3A_160, %dma_start3A_161] : memref<4x128x64xf32, #tpu.memory_space<vmem>> -> memref<1x128x64xf32, #tpu.memory_space<vmem>>
      %dma_start3A_163 = tpu.memref_squeeze %dma_start3A_162 : memref<1x128x64xf32, #tpu.memory_space<vmem>> -> memref<128x64xf32, #tpu.memory_space<vmem>>
      %dma_start3A_164 = arith.constant 0 : i32
      %dma_start3A_165 = tpu.memref_slice %arg8[%add3A_157, %dma_start3A_164] : memref<160x128xi32, #tpu.memory_space<vmem>> -> memref<1x128xi32, #tpu.memory_space<vmem>>
      %dma_start3A_166 = tpu.memref_squeeze %dma_start3A_165 : memref<1x128xi32, #tpu.memory_space<vmem>> -> memref<128xi32, #tpu.memory_space<vmem>>
      %dma_start3A_167 = arith.constant 0 : i32
      %dma_start3A_168 = arith.constant 0 : i32
      %dma_start3A_169 = tpu.memref_slice %arg10[%dma_start3A_167, %dma_start3A_168] : memref<10240x64xf32, #tpu.memory_space<vmem_shared>> -> memref<10240x64xf32, #tpu.memory_space<vmem_shared>>
      %dma_start3A_170 = tpu.memref_slice %arg12[%dma_start3A_159] : memref<4x!tpu.dma_semaphore, #tpu.memory_space<semaphore_mem>> -> memref<1x!tpu.dma_semaphore, #tpu.memory_space<semaphore_mem>>
      %dma_start3A_171 = tpu.memref_squeeze %dma_start3A_170 : memref<1x!tpu.dma_semaphore, #tpu.memory_space<semaphore_mem>> -> memref<!tpu.dma_semaphore, #tpu.memory_space<semaphore_mem>>
      tpu.enqueue_indirect_dma source(%dma_start3A_163 : memref<128x64xf32, #tpu.memory_space<vmem>>) target(%dma_start3A_169 : memref<10240x64xf32, #tpu.memory_space<vmem_shared>>) offsets(%dma_start3A_166 : memref<128xi32, #tpu.memory_space<vmem>>) semaphore(%dma_start3A_171 : memref<!tpu.dma_semaphore, #tpu.memory_space<semaphore_mem>>) {add = true}
      %dma_wait3A_172 = arith.constant 2 : i32
      %dma_wait3A_173 = arith.constant 2 : i32
      %dma_wait3A_174 = arith.constant 0 : i32
      %dma_wait3A_175 = arith.constant 0 : i32
      %dma_wait3A_176 = tpu.memref_slice %arg9[%dma_wait3A_172, %dma_wait3A_174, %dma_wait3A_175] : memref<4x128x64xf32, #tpu.memory_space<vmem>> -> memref<1x128x64xf32, #tpu.memory_space<vmem>>
      %dma_wait3A_177 = tpu.memref_squeeze %dma_wait3A_176 : memref<1x128x64xf32, #tpu.memory_space<vmem>> -> memref<128x64xf32, #tpu.memory_space<vmem>>
      %dma_wait3A_178 = arith.constant 0 : i32
      %dma_wait3A_179 = tpu.memref_slice %arg7[%add3A_60, %dma_wait3A_178] : memref<160x128xi32, #tpu.memory_space<vmem>> -> memref<1x128xi32, #tpu.memory_space<vmem>>
      %dma_wait3A_180 = tpu.memref_squeeze %dma_wait3A_179 : memref<1x128xi32, #tpu.memory_space<vmem>> -> memref<128xi32, #tpu.memory_space<vmem>>
      %dma_wait3A_181 = arith.constant 0 : i32
      %dma_wait3A_182 = arith.constant 0 : i32
      %dma_wait3A_183 = tpu.memref_slice %arg2[%arg0, %dma_wait3A_181, %dma_wait3A_182] : memref<2x10240x64xf32, #tpu.memory_space<hbm>> -> memref<1x10240x64xf32, #tpu.memory_space<hbm>>
      %dma_wait3A_184 = tpu.memref_squeeze %dma_wait3A_183 : memref<1x10240x64xf32, #tpu.memory_space<hbm>> -> memref<10240x64xf32, #tpu.memory_space<hbm>>
      %dma_wait3A_185 = arith.constant 0 : i32
      %dma_wait3A_186 = arith.constant 0 : i32
      %dma_wait3A_187 = tpu.memref_slice %dma_wait3A_184[%dma_wait3A_185, %dma_wait3A_186] : memref<10240x64xf32, #tpu.memory_space<hbm>> -> memref<10240x64xf32, #tpu.memory_space<hbm>>
      %dma_wait3A_188 = tpu.memref_slice %arg11[%dma_wait3A_173] : memref<4x!tpu.dma_semaphore, #tpu.memory_space<semaphore_mem>> -> memref<1x!tpu.dma_semaphore, #tpu.memory_space<semaphore_mem>>
      %dma_wait3A_189 = tpu.memref_squeeze %dma_wait3A_188 : memref<1x!tpu.dma_semaphore, #tpu.memory_space<semaphore_mem>> -> memref<!tpu.dma_semaphore, #tpu.memory_space<semaphore_mem>>
      tpu.wait_indirect_dma semaphore(%dma_wait3A_189 : memref<!tpu.dma_semaphore, #tpu.memory_space<semaphore_mem>>) src(%dma_wait3A_187 : memref<10240x64xf32, #tpu.memory_space<hbm>>) dst(%dma_wait3A_177 : memref<128x64xf32, #tpu.memory_space<vmem>>)
      %add3A_190 = arith.constant 0 : i32
      %add3A_191 = arith.addi %add3A_190, %add3A_13 : i32
      %add3A_192 = arith.constant 2 : i32
      %add3A_193 = arith.addi %add3A_191, %add3A_192 : i32
      %dma_start3A_194 = arith.constant 2 : i32
      %dma_start3A_195 = arith.constant 2 : i32
      %dma_start3A_196 = arith.constant 0 : i32
      %dma_start3A_197 = arith.constant 0 : i32
      %dma_start3A_198 = tpu.memref_slice %arg9[%dma_start3A_194, %dma_start3A_196, %dma_start3A_197] : memref<4x128x64xf32, #tpu.memory_space<vmem>> -> memref<1x128x64xf32, #tpu.memory_space<vmem>>
      %dma_start3A_199 = tpu.memref_squeeze %dma_start3A_198 : memref<1x128x64xf32, #tpu.memory_space<vmem>> -> memref<128x64xf32, #tpu.memory_space<vmem>>
      %dma_start3A_200 = arith.constant 0 : i32
      %dma_start3A_201 = tpu.memref_slice %arg8[%add3A_193, %dma_start3A_200] : memref<160x128xi32, #tpu.memory_space<vmem>> -> memref<1x128xi32, #tpu.memory_space<vmem>>
      %dma_start3A_202 = tpu.memref_squeeze %dma_start3A_201 : memref<1x128xi32, #tpu.memory_space<vmem>> -> memref<128xi32, #tpu.memory_space<vmem>>
      %dma_start3A_203 = arith.constant 0 : i32
      %dma_start3A_204 = arith.constant 0 : i32
      %dma_start3A_205 = tpu.memref_slice %arg10[%dma_start3A_203, %dma_start3A_204] : memref<10240x64xf32, #tpu.memory_space<vmem_shared>> -> memref<10240x64xf32, #tpu.memory_space<vmem_shared>>
      %dma_start3A_206 = tpu.memref_slice %arg12[%dma_start3A_195] : memref<4x!tpu.dma_semaphore, #tpu.memory_space<semaphore_mem>> -> memref<1x!tpu.dma_semaphore, #tpu.memory_space<semaphore_mem>>
      %dma_start3A_207 = tpu.memref_squeeze %dma_start3A_206 : memref<1x!tpu.dma_semaphore, #tpu.memory_space<semaphore_mem>> -> memref<!tpu.dma_semaphore, #tpu.memory_space<semaphore_mem>>
      tpu.enqueue_indirect_dma source(%dma_start3A_199 : memref<128x64xf32, #tpu.memory_space<vmem>>) target(%dma_start3A_205 : memref<10240x64xf32, #tpu.memory_space<vmem_shared>>) offsets(%dma_start3A_202 : memref<128xi32, #tpu.memory_space<vmem>>) semaphore(%dma_start3A_207 : memref<!tpu.dma_semaphore, #tpu.memory_space<semaphore_mem>>) {add = true}
      %dma_wait3A_208 = arith.constant 3 : i32
      %dma_wait3A_209 = arith.constant 3 : i32
      %dma_wait3A_210 = arith.constant 0 : i32
      %dma_wait3A_211 = arith.constant 0 : i32
      %dma_wait3A_212 = tpu.memref_slice %arg9[%dma_wait3A_208, %dma_wait3A_210, %dma_wait3A_211] : memref<4x128x64xf32, #tpu.memory_space<vmem>> -> memref<1x128x64xf32, #tpu.memory_space<vmem>>
      %dma_wait3A_213 = tpu.memref_squeeze %dma_wait3A_212 : memref<1x128x64xf32, #tpu.memory_space<vmem>> -> memref<128x64xf32, #tpu.memory_space<vmem>>
      %dma_wait3A_214 = arith.constant 0 : i32
      %dma_wait3A_215 = tpu.memref_slice %arg7[%add3A_82, %dma_wait3A_214] : memref<160x128xi32, #tpu.memory_space<vmem>> -> memref<1x128xi32, #tpu.memory_space<vmem>>
      %dma_wait3A_216 = tpu.memref_squeeze %dma_wait3A_215 : memref<1x128xi32, #tpu.memory_space<vmem>> -> memref<128xi32, #tpu.memory_space<vmem>>
      %dma_wait3A_217 = arith.constant 0 : i32
      %dma_wait3A_218 = arith.constant 0 : i32
      %dma_wait3A_219 = tpu.memref_slice %arg2[%arg0, %dma_wait3A_217, %dma_wait3A_218] : memref<2x10240x64xf32, #tpu.memory_space<hbm>> -> memref<1x10240x64xf32, #tpu.memory_space<hbm>>
      %dma_wait3A_220 = tpu.memref_squeeze %dma_wait3A_219 : memref<1x10240x64xf32, #tpu.memory_space<hbm>> -> memref<10240x64xf32, #tpu.memory_space<hbm>>
      %dma_wait3A_221 = arith.constant 0 : i32
      %dma_wait3A_222 = arith.constant 0 : i32
      %dma_wait3A_223 = tpu.memref_slice %dma_wait3A_220[%dma_wait3A_221, %dma_wait3A_222] : memref<10240x64xf32, #tpu.memory_space<hbm>> -> memref<10240x64xf32, #tpu.memory_space<hbm>>
      %dma_wait3A_224 = tpu.memref_slice %arg11[%dma_wait3A_209] : memref<4x!tpu.dma_semaphore, #tpu.memory_space<semaphore_mem>> -> memref<1x!tpu.dma_semaphore, #tpu.memory_space<semaphore_mem>>
      %dma_wait3A_225 = tpu.memref_squeeze %dma_wait3A_224 : memref<1x!tpu.dma_semaphore, #tpu.memory_space<semaphore_mem>> -> memref<!tpu.dma_semaphore, #tpu.memory_space<semaphore_mem>>
      tpu.wait_indirect_dma semaphore(%dma_wait3A_225 : memref<!tpu.dma_semaphore, #tpu.memory_space<semaphore_mem>>) src(%dma_wait3A_223 : memref<10240x64xf32, #tpu.memory_space<hbm>>) dst(%dma_wait3A_213 : memref<128x64xf32, #tpu.memory_space<vmem>>)
      %add3A_226 = arith.constant 0 : i32
      %add3A_227 = arith.addi %add3A_226, %add3A_13 : i32
      %add3A_228 = arith.constant 3 : i32
      %add3A_229 = arith.addi %add3A_227, %add3A_228 : i32
      %dma_start3A_230 = arith.constant 3 : i32
      %dma_start3A_231 = arith.constant 3 : i32
      %dma_start3A_232 = arith.constant 0 : i32
      %dma_start3A_233 = arith.constant 0 : i32
      %dma_start3A_234 = tpu.memref_slice %arg9[%dma_start3A_230, %dma_start3A_232, %dma_start3A_233] : memref<4x128x64xf32, #tpu.memory_space<vmem>> -> memref<1x128x64xf32, #tpu.memory_space<vmem>>
      %dma_start3A_235 = tpu.memref_squeeze %dma_start3A_234 : memref<1x128x64xf32, #tpu.memory_space<vmem>> -> memref<128x64xf32, #tpu.memory_space<vmem>>
      %dma_start3A_236 = arith.constant 0 : i32
      %dma_start3A_237 = tpu.memref_slice %arg8[%add3A_229, %dma_start3A_236] : memref<160x128xi32, #tpu.memory_space<vmem>> -> memref<1x128xi32, #tpu.memory_space<vmem>>
      %dma_start3A_238 = tpu.memref_squeeze %dma_start3A_237 : memref<1x128xi32, #tpu.memory_space<vmem>> -> memref<128xi32, #tpu.memory_space<vmem>>
      %dma_start3A_239 = arith.constant 0 : i32
      %dma_start3A_240 = arith.constant 0 : i32
      %dma_start3A_241 = tpu.memref_slice %arg10[%dma_start3A_239, %dma_start3A_240] : memref<10240x64xf32, #tpu.memory_space<vmem_shared>> -> memref<10240x64xf32, #tpu.memory_space<vmem_shared>>
      %dma_start3A_242 = tpu.memref_slice %arg12[%dma_start3A_231] : memref<4x!tpu.dma_semaphore, #tpu.memory_space<semaphore_mem>> -> memref<1x!tpu.dma_semaphore, #tpu.memory_space<semaphore_mem>>
      %dma_start3A_243 = tpu.memref_squeeze %dma_start3A_242 : memref<1x!tpu.dma_semaphore, #tpu.memory_space<semaphore_mem>> -> memref<!tpu.dma_semaphore, #tpu.memory_space<semaphore_mem>>
      tpu.enqueue_indirect_dma source(%dma_start3A_235 : memref<128x64xf32, #tpu.memory_space<vmem>>) target(%dma_start3A_241 : memref<10240x64xf32, #tpu.memory_space<vmem_shared>>) offsets(%dma_start3A_238 : memref<128xi32, #tpu.memory_space<vmem>>) semaphore(%dma_start3A_243 : memref<!tpu.dma_semaphore, #tpu.memory_space<semaphore_mem>>) {add = true}
      %dma_wait3A_244 = arith.constant 0 : i32
      %dma_wait3A_245 = arith.constant 0 : i32
      %dma_wait3A_246 = arith.constant 0 : i32
      %dma_wait3A_247 = arith.constant 0 : i32
      %dma_wait3A_248 = tpu.memref_slice %arg9[%dma_wait3A_244, %dma_wait3A_246, %dma_wait3A_247] : memref<4x128x64xf32, #tpu.memory_space<vmem>> -> memref<1x128x64xf32, #tpu.memory_space<vmem>>
      %dma_wait3A_249 = tpu.memref_squeeze %dma_wait3A_248 : memref<1x128x64xf32, #tpu.memory_space<vmem>> -> memref<128x64xf32, #tpu.memory_space<vmem>>
      %dma_wait3A_250 = arith.constant 0 : i32
      %dma_wait3A_251 = tpu.memref_slice %arg8[%add3A_121, %dma_wait3A_250] : memref<160x128xi32, #tpu.memory_space<vmem>> -> memref<1x128xi32, #tpu.memory_space<vmem>>
      %dma_wait3A_252 = tpu.memref_squeeze %dma_wait3A_251 : memref<1x128xi32, #tpu.memory_space<vmem>> -> memref<128xi32, #tpu.memory_space<vmem>>
      %dma_wait3A_253 = arith.constant 0 : i32
      %dma_wait3A_254 = arith.constant 0 : i32
      %dma_wait3A_255 = tpu.memref_slice %arg10[%dma_wait3A_253, %dma_wait3A_254] : memref<10240x64xf32, #tpu.memory_space<vmem_shared>> -> memref<10240x64xf32, #tpu.memory_space<vmem_shared>>
      %dma_wait3A_256 = tpu.memref_slice %arg12[%dma_wait3A_245] : memref<4x!tpu.dma_semaphore, #tpu.memory_space<semaphore_mem>> -> memref<1x!tpu.dma_semaphore, #tpu.memory_space<semaphore_mem>>
      %dma_wait3A_257 = tpu.memref_squeeze %dma_wait3A_256 : memref<1x!tpu.dma_semaphore, #tpu.memory_space<semaphore_mem>> -> memref<!tpu.dma_semaphore, #tpu.memory_space<semaphore_mem>>
      tpu.wait_indirect_dma semaphore(%dma_wait3A_257 : memref<!tpu.dma_semaphore, #tpu.memory_space<semaphore_mem>>) src(%dma_wait3A_249 : memref<128x64xf32, #tpu.memory_space<vmem>>) dst(%dma_wait3A_255 : memref<10240x64xf32, #tpu.memory_space<vmem_shared>>)
      %dma_wait3A_258 = arith.constant 1 : i32
      %dma_wait3A_259 = arith.constant 1 : i32
      %dma_wait3A_260 = arith.constant 0 : i32
      %dma_wait3A_261 = arith.constant 0 : i32
      %dma_wait3A_262 = tpu.memref_slice %arg9[%dma_wait3A_258, %dma_wait3A_260, %dma_wait3A_261] : memref<4x128x64xf32, #tpu.memory_space<vmem>> -> memref<1x128x64xf32, #tpu.memory_space<vmem>>
      %dma_wait3A_263 = tpu.memref_squeeze %dma_wait3A_262 : memref<1x128x64xf32, #tpu.memory_space<vmem>> -> memref<128x64xf32, #tpu.memory_space<vmem>>
      %dma_wait3A_264 = arith.constant 0 : i32
      %dma_wait3A_265 = tpu.memref_slice %arg8[%add3A_157, %dma_wait3A_264] : memref<160x128xi32, #tpu.memory_space<vmem>> -> memref<1x128xi32, #tpu.memory_space<vmem>>
      %dma_wait3A_266 = tpu.memref_squeeze %dma_wait3A_265 : memref<1x128xi32, #tpu.memory_space<vmem>> -> memref<128xi32, #tpu.memory_space<vmem>>
      %dma_wait3A_267 = arith.constant 0 : i32
      %dma_wait3A_268 = arith.constant 0 : i32
      %dma_wait3A_269 = tpu.memref_slice %arg10[%dma_wait3A_267, %dma_wait3A_268] : memref<10240x64xf32, #tpu.memory_space<vmem_shared>> -> memref<10240x64xf32, #tpu.memory_space<vmem_shared>>
      %dma_wait3A_270 = tpu.memref_slice %arg12[%dma_wait3A_259] : memref<4x!tpu.dma_semaphore, #tpu.memory_space<semaphore_mem>> -> memref<1x!tpu.dma_semaphore, #tpu.memory_space<semaphore_mem>>
      %dma_wait3A_271 = tpu.memref_squeeze %dma_wait3A_270 : memref<1x!tpu.dma_semaphore, #tpu.memory_space<semaphore_mem>> -> memref<!tpu.dma_semaphore, #tpu.memory_space<semaphore_mem>>
      tpu.wait_indirect_dma semaphore(%dma_wait3A_271 : memref<!tpu.dma_semaphore, #tpu.memory_space<semaphore_mem>>) src(%dma_wait3A_263 : memref<128x64xf32, #tpu.memory_space<vmem>>) dst(%dma_wait3A_269 : memref<10240x64xf32, #tpu.memory_space<vmem_shared>>)
      %dma_wait3A_272 = arith.constant 2 : i32
      %dma_wait3A_273 = arith.constant 2 : i32
      %dma_wait3A_274 = arith.constant 0 : i32
      %dma_wait3A_275 = arith.constant 0 : i32
      %dma_wait3A_276 = tpu.memref_slice %arg9[%dma_wait3A_272, %dma_wait3A_274, %dma_wait3A_275] : memref<4x128x64xf32, #tpu.memory_space<vmem>> -> memref<1x128x64xf32, #tpu.memory_space<vmem>>
      %dma_wait3A_277 = tpu.memref_squeeze %dma_wait3A_276 : memref<1x128x64xf32, #tpu.memory_space<vmem>> -> memref<128x64xf32, #tpu.memory_space<vmem>>
      %dma_wait3A_278 = arith.constant 0 : i32
      %dma_wait3A_279 = tpu.memref_slice %arg8[%add3A_193, %dma_wait3A_278] : memref<160x128xi32, #tpu.memory_space<vmem>> -> memref<1x128xi32, #tpu.memory_space<vmem>>
      %dma_wait3A_280 = tpu.memref_squeeze %dma_wait3A_279 : memref<1x128xi32, #tpu.memory_space<vmem>> -> memref<128xi32, #tpu.memory_space<vmem>>
      %dma_wait3A_281 = arith.constant 0 : i32
      %dma_wait3A_282 = arith.constant 0 : i32
      %dma_wait3A_283 = tpu.memref_slice %arg10[%dma_wait3A_281, %dma_wait3A_282] : memref<10240x64xf32, #tpu.memory_space<vmem_shared>> -> memref<10240x64xf32, #tpu.memory_space<vmem_shared>>
      %dma_wait3A_284 = tpu.memref_slice %arg12[%dma_wait3A_273] : memref<4x!tpu.dma_semaphore, #tpu.memory_space<semaphore_mem>> -> memref<1x!tpu.dma_semaphore, #tpu.memory_space<semaphore_mem>>
      %dma_wait3A_285 = tpu.memref_squeeze %dma_wait3A_284 : memref<1x!tpu.dma_semaphore, #tpu.memory_space<semaphore_mem>> -> memref<!tpu.dma_semaphore, #tpu.memory_space<semaphore_mem>>
      tpu.wait_indirect_dma semaphore(%dma_wait3A_285 : memref<!tpu.dma_semaphore, #tpu.memory_space<semaphore_mem>>) src(%dma_wait3A_277 : memref<128x64xf32, #tpu.memory_space<vmem>>) dst(%dma_wait3A_283 : memref<10240x64xf32, #tpu.memory_space<vmem_shared>>)
      %dma_wait3A_286 = arith.constant 3 : i32
      %dma_wait3A_287 = arith.constant 3 : i32
      %dma_wait3A_288 = arith.constant 0 : i32
      %dma_wait3A_289 = arith.constant 0 : i32
      %dma_wait3A_290 = tpu.memref_slice %arg9[%dma_wait3A_286, %dma_wait3A_288, %dma_wait3A_289] : memref<4x128x64xf32, #tpu.memory_space<vmem>> -> memref<1x128x64xf32, #tpu.memory_space<vmem>>
      %dma_wait3A_291 = tpu.memref_squeeze %dma_wait3A_290 : memref<1x128x64xf32, #tpu.memory_space<vmem>> -> memref<128x64xf32, #tpu.memory_space<vmem>>
      %dma_wait3A_292 = arith.constant 0 : i32
      %dma_wait3A_293 = tpu.memref_slice %arg8[%add3A_229, %dma_wait3A_292] : memref<160x128xi32, #tpu.memory_space<vmem>> -> memref<1x128xi32, #tpu.memory_space<vmem>>
      %dma_wait3A_294 = tpu.memref_squeeze %dma_wait3A_293 : memref<1x128xi32, #tpu.memory_space<vmem>> -> memref<128xi32, #tpu.memory_space<vmem>>
      %dma_wait3A_295 = arith.constant 0 : i32
      %dma_wait3A_296 = arith.constant 0 : i32
      %dma_wait3A_297 = tpu.memref_slice %arg10[%dma_wait3A_295, %dma_wait3A_296] : memref<10240x64xf32, #tpu.memory_space<vmem_shared>> -> memref<10240x64xf32, #tpu.memory_space<vmem_shared>>
      %dma_wait3A_298 = tpu.memref_slice %arg12[%dma_wait3A_287] : memref<4x!tpu.dma_semaphore, #tpu.memory_space<semaphore_mem>> -> memref<1x!tpu.dma_semaphore, #tpu.memory_space<semaphore_mem>>
      %dma_wait3A_299 = tpu.memref_squeeze %dma_wait3A_298 : memref<1x!tpu.dma_semaphore, #tpu.memory_space<semaphore_mem>> -> memref<!tpu.dma_semaphore, #tpu.memory_space<semaphore_mem>>
      tpu.wait_indirect_dma semaphore(%dma_wait3A_299 : memref<!tpu.dma_semaphore, #tpu.memory_space<semaphore_mem>>) src(%dma_wait3A_291 : memref<128x64xf32, #tpu.memory_space<vmem>>) dst(%dma_wait3A_297 : memref<10240x64xf32, #tpu.memory_space<vmem_shared>>)
    }
    %scan3A_4 = arith.constant 40 : i32
    %barrier3A_5 = arith.constant 0 : index
    tpu.barrier barrier_id(%barrier3A_5)
    %mul3A_6 = arith.constant 640 : i32
    %mul3A_7 = arith.muli %arg1, %mul3A_6 : i32
    %mul3A_8 = arith.constant 640 : i32
    %mul3A_9 = arith.muli %arg1, %mul3A_8 : i32
    "tpu.region"() ({
      %run_scoped3A = tpu.sem_alloc : memref<!tpu.dma_semaphore, #tpu.memory_space<semaphore_mem>>
      %dma_start3A = arith.constant 0 : i32
      %dma_start3A_10 = arith.constant 0 : i32
      %dma_start3A_11 = tpu.memref_slice %arg6[%arg0, %dma_start3A, %dma_start3A_10] : memref<2x10240x64xf32, #tpu.memory_space<hbm>> -> memref<1x10240x64xf32, #tpu.memory_space<hbm>>
      %dma_start3A_12 = tpu.memref_squeeze %dma_start3A_11 : memref<1x10240x64xf32, #tpu.memory_space<hbm>> -> memref<10240x64xf32, #tpu.memory_space<hbm>>
      %dma_start3A_13 = arith.constant 0 : i32
      %dma_start3A_14 = tpu.memref_slice %dma_start3A_12[%mul3A_9, %dma_start3A_13] : memref<10240x64xf32, #tpu.memory_space<hbm>> -> memref<640x64xf32, #tpu.memory_space<hbm>>
      %dma_start3A_15 = arith.constant 0 : i32
      %dma_start3A_16 = tpu.memref_slice %arg10[%mul3A_7, %dma_start3A_15] : memref<10240x64xf32, #tpu.memory_space<vmem_shared>> -> memref<640x64xf32, #tpu.memory_space<vmem_shared>>
      tpu.enqueue_dma source(%dma_start3A_16 : memref<640x64xf32, #tpu.memory_space<vmem_shared>>) target(%dma_start3A_14 : memref<640x64xf32, #tpu.memory_space<hbm>>) target_semaphore(%run_scoped3A : memref<!tpu.dma_semaphore, #tpu.memory_space<semaphore_mem>>)
      %dma_wait3A = arith.constant 0 : i32
      %dma_wait3A_17 = arith.constant 0 : i32
      %dma_wait3A_18 = tpu.memref_slice %arg6[%arg0, %dma_wait3A, %dma_wait3A_17] : memref<2x10240x64xf32, #tpu.memory_space<hbm>> -> memref<1x10240x64xf32, #tpu.memory_space<hbm>>
      %dma_wait3A_19 = tpu.memref_squeeze %dma_wait3A_18 : memref<1x10240x64xf32, #tpu.memory_space<hbm>> -> memref<10240x64xf32, #tpu.memory_space<hbm>>
      %dma_wait3A_20 = arith.constant 0 : i32
      %dma_wait3A_21 = tpu.memref_slice %dma_wait3A_19[%mul3A_9, %dma_wait3A_20] : memref<10240x64xf32, #tpu.memory_space<hbm>> -> memref<640x64xf32, #tpu.memory_space<hbm>>
      %dma_wait3A_22 = arith.constant 0 : i32
      %dma_wait3A_23 = tpu.memref_slice %arg10[%mul3A_7, %dma_wait3A_22] : memref<10240x64xf32, #tpu.memory_space<vmem_shared>> -> memref<640x64xf32, #tpu.memory_space<vmem_shared>>
      tpu.wait_dma2 semaphore(%run_scoped3A : memref<!tpu.dma_semaphore, #tpu.memory_space<semaphore_mem>>) src(%dma_wait3A_23 : memref<640x64xf32, #tpu.memory_space<vmem_shared>>) dst(%dma_wait3A_21 : memref<640x64xf32, #tpu.memory_space<hbm>>)
      tpu.yield
    }) : () -> ()
    return
  }
}

module attributes {stable_mosaic.version = 14 : i64} {
  func.func @body(%arg0: i32, %arg1: memref<512x128xf32, #tpu.memory_space<vmem>>, %arg2: memref<128x128xf32, #tpu.memory_space<vmem>>, %arg3: memref<2x512x16xf32, #tpu.memory_space<vmem>>, %arg4: memref<2x512x64xf32, #tpu.memory_space<vmem>>) attributes {dimension_semantics = [#tpu.dimension_semantics<arbitrary>], iteration_bounds = array<i64: 20>, scalar_prefetch = 0 : i64, scratch_operands = 0 : i64, tpu.core_type = #tpu.core_type<tc>, window_params = [{transform_indices = @transform_0, window_bounds = array<i64: 512, 128>}, {pipeline_mode = #tpu.pipeline_mode<synchronous>, transform_indices = @transform_1, window_bounds = array<i64: 128, 128>}, {transform_indices = @transform_2, window_bounds = array<i64: 2, 512, 16>}, {transform_indices = @transform_3, window_bounds = array<i64: 2, 512, 64>}]} {
    %get3A = arith.constant 0 : index
    %get3A_0 = arith.constant 0 : index
    %get3A_1 = vector.load %arg1[%get3A, %get3A_0] : memref<512x128xf32, #tpu.memory_space<vmem>>, vector<512x128xf32>
    %get3A_2 = arith.constant 0 : index
    %get3A_3 = arith.constant 0 : index
    %get3A_4 = vector.load %arg2[%get3A_2, %get3A_3] : memref<128x128xf32, #tpu.memory_space<vmem>>, vector<128x128xf32>
    %dot_general3A = arith.constant dense<0.000000e+00> : vector<512x128xf32>
    %dot_general3A_5 = tpu.matmul %get3A_1, %get3A_4, %dot_general3A {dimension_numbers = #tpu.dot_dimension_numbers<[1], [0], [0], [1], [0, 0, 1, 1], [], []>, transpose_lhs_hint = false} : vector<512x128xf32>, vector<128x128xf32>, vector<512x128xf32> -> vector<512x128xf32>
    %get3A_6 = arith.constant 0 : index
    %get3A_7 = arith.constant 0 : index
    %get3A_8 = arith.constant 0 : index
    %get3A_9 = vector.load %arg3[%get3A_6, %get3A_7, %get3A_8] : memref<2x512x16xf32, #tpu.memory_space<vmem>>, vector<2x512x16xf32>
    %slice3A = vector.extract_strided_slice %get3A_9 {offsets = [0, 0, 0], sizes = [1, 512, 1], strides = [1, 1, 1]} : vector<2x512x16xf32> to vector<1x512x1xf32>
    %squeeze3A = vector.shape_cast %slice3A : vector<1x512x1xf32> to vector<512x1xf32>
    %slice3A_10 = vector.extract_strided_slice %get3A_9 {offsets = [1, 0, 0], sizes = [1, 512, 1], strides = [1, 1, 1]} : vector<2x512x16xf32> to vector<1x512x1xf32>
    %squeeze3A_11 = vector.shape_cast %slice3A_10 : vector<1x512x1xf32> to vector<512x1xf32>
    %add3A = arith.addf %squeeze3A, %squeeze3A_11 : vector<512x1xf32>
    %add3A_12 = arith.constant 1.000000e+00 : f32
    %add3A_13 = vector.broadcast %add3A_12 : f32 to vector<512x1xf32>
    %add3A_14 = arith.addf %add3A, %add3A_13 : vector<512x1xf32>
    %rsqrt3A = math.rsqrt %add3A_14 : vector<512x1xf32>
    %mul3A = vector.broadcast %rsqrt3A : vector<512x1xf32> to vector<512x128xf32>
    %mul3A_15 = arith.mulf %dot_general3A_5, %mul3A : vector<512x128xf32>
    %slice3A_16 = vector.extract_strided_slice %mul3A_15 {offsets = [0, 0], sizes = [512, 64], strides = [1, 1]} : vector<512x128xf32> to vector<512x64xf32>
    %swap3A = arith.constant 0 : index
    %swap3A_17 = arith.constant 0 : index
    %swap3A_18 = arith.constant 0 : index
    %swap3A_19 = vector.load %arg4[%swap3A, %swap3A_17, %swap3A_18] : memref<2x512x64xf32, #tpu.memory_space<vmem>>, vector<1x512x64xf32>
    %swap3A_20 = vector.shape_cast %swap3A_19 : vector<1x512x64xf32> to vector<512x64xf32>
    %swap3A_21 = vector.shape_cast %slice3A_16 : vector<512x64xf32> to vector<1x512x64xf32>
    tpu.vector_store %arg4[%swap3A, %swap3A_17, %swap3A_18], %swap3A_21 {strides = array<i32>} : memref<2x512x64xf32, #tpu.memory_space<vmem>>, vector<1x512x64xf32>,
    %slice3A_22 = vector.extract_strided_slice %mul3A_15 {offsets = [0, 64], sizes = [512, 64], strides = [1, 1]} : vector<512x128xf32> to vector<512x64xf32>
    %swap3A_23 = arith.constant 1 : index
    %swap3A_24 = arith.constant 0 : index
    %swap3A_25 = arith.constant 0 : index
    %swap3A_26 = vector.load %arg4[%swap3A_23, %swap3A_24, %swap3A_25] : memref<2x512x64xf32, #tpu.memory_space<vmem>>, vector<1x512x64xf32>
    %swap3A_27 = vector.shape_cast %swap3A_26 : vector<1x512x64xf32> to vector<512x64xf32>
    %swap3A_28 = vector.shape_cast %slice3A_22 : vector<512x64xf32> to vector<1x512x64xf32>
    tpu.vector_store %arg4[%swap3A_23, %swap3A_24, %swap3A_25], %swap3A_28 {strides = array<i32>} : memref<2x512x64xf32, #tpu.memory_space<vmem>>, vector<1x512x64xf32>,
    return
  }
  func.func @transform_0(%arg0: i32) -> (i32, i32) {
    %c0_i32 = arith.constant 0 : i32
    %c0_i32_0 = arith.constant 0 : i32
    return %arg0, %c0_i32 : i32, i32
  }
  func.func @transform_1(%arg0: i32) -> (i32, i32) {
    %c0_i32 = arith.constant 0 : i32
    %c0_i32_0 = arith.constant 0 : i32
    %c0_i32_1 = arith.constant 0 : i32
    return %c0_i32, %c0_i32_0 : i32, i32
  }
  func.func @transform_2(%arg0: i32) -> (i32, i32, i32) {
    %c0_i32 = arith.constant 0 : i32
    %c0_i32_0 = arith.constant 0 : i32
    %c0_i32_1 = arith.constant 0 : i32
    return %c0_i32, %arg0, %c0_i32_0 : i32, i32, i32
  }
  func.func @transform_3(%arg0: i32) -> (i32, i32, i32) {
    %c0_i32 = arith.constant 0 : i32
    %c0_i32_0 = arith.constant 0 : i32
    %c0_i32_1 = arith.constant 0 : i32
    return %c0_i32, %arg0, %c0_i32_0 : i32, i32, i32
  }
}

module attributes {stable_mosaic.version = 14 : i64} {
  func.func @body(%arg0: i32, %arg1: memref<2x512x64xf32, #tpu.memory_space<vmem>>, %arg2: memref<2x512x64xf32, #tpu.memory_space<vmem>>, %arg3: memref<2x512x16xf32, #tpu.memory_space<vmem>>, %arg4: memref<1x128xf32, #tpu.memory_space<vmem>>, %arg5: memref<128x128xf32, #tpu.memory_space<vmem>>, %arg6: memref<2x512x64xf32, #tpu.memory_space<vmem>>) attributes {dimension_semantics = [#tpu.dimension_semantics<arbitrary>], iteration_bounds = array<i64: 20>, scalar_prefetch = 0 : i64, scratch_operands = 0 : i64, tpu.core_type = #tpu.core_type<tc>, window_params = [{transform_indices = @transform_0, window_bounds = array<i64: 2, 512, 64>}, {transform_indices = @transform_1, window_bounds = array<i64: 2, 512, 64>}, {transform_indices = @transform_2, window_bounds = array<i64: 2, 512, 16>}, {pipeline_mode = #tpu.pipeline_mode<synchronous>, transform_indices = @transform_3, window_bounds = array<i64: 1, 128>}, {pipeline_mode = #tpu.pipeline_mode<synchronous>, transform_indices = @transform_4, window_bounds = array<i64: 128, 128>}, {transform_indices = @transform_5, window_bounds = array<i64: 2, 512, 64>}]} {
    %get3A = arith.constant 0 : index
    %get3A_0 = arith.constant 0 : index
    %get3A_1 = arith.constant 0 : index
    %get3A_2 = vector.load %arg3[%get3A, %get3A_0, %get3A_1] : memref<2x512x16xf32, #tpu.memory_space<vmem>>, vector<2x512x16xf32>
    %slice3A = vector.extract_strided_slice %get3A_2 {offsets = [0, 0, 0], sizes = [1, 512, 1], strides = [1, 1, 1]} : vector<2x512x16xf32> to vector<1x512x1xf32>
    %squeeze3A = vector.shape_cast %slice3A : vector<1x512x1xf32> to vector<512x1xf32>
    %slice3A_3 = vector.extract_strided_slice %get3A_2 {offsets = [1, 0, 0], sizes = [1, 512, 1], strides = [1, 1, 1]} : vector<2x512x16xf32> to vector<1x512x1xf32>
    %squeeze3A_4 = vector.shape_cast %slice3A_3 : vector<1x512x1xf32> to vector<512x1xf32>
    %add3A = arith.addf %squeeze3A, %squeeze3A_4 : vector<512x1xf32>
    %add3A_5 = arith.constant 1.000000e+00 : f32
    %add3A_6 = vector.broadcast %add3A_5 : f32 to vector<512x1xf32>
    %add3A_7 = arith.addf %add3A, %add3A_6 : vector<512x1xf32>
    %rsqrt3A = math.rsqrt %add3A_7 : vector<512x1xf32>
    %get3A_8 = arith.constant 0 : index
    %get3A_9 = arith.constant 0 : index
    %get3A_10 = arith.constant 0 : index
    %get3A_11 = vector.load %arg1[%get3A_8, %get3A_9, %get3A_10] : memref<2x512x64xf32, #tpu.memory_space<vmem>>, vector<1x512x64xf32>
    %get3A_12 = vector.shape_cast %get3A_11 : vector<1x512x64xf32> to vector<512x64xf32>
    %get3A_13 = arith.constant 0 : index
    %get3A_14 = arith.constant 0 : index
    %get3A_15 = arith.constant 0 : index
    %get3A_16 = vector.load %arg2[%get3A_13, %get3A_14, %get3A_15] : memref<2x512x64xf32, #tpu.memory_space<vmem>>, vector<1x512x64xf32>
    %get3A_17 = vector.shape_cast %get3A_16 : vector<1x512x64xf32> to vector<512x64xf32>
    %add3A_18 = arith.addf %get3A_12, %get3A_17 : vector<512x64xf32>
    %get3A_19 = arith.constant 1 : index
    %get3A_20 = arith.constant 0 : index
    %get3A_21 = arith.constant 0 : index
    %get3A_22 = vector.load %arg1[%get3A_19, %get3A_20, %get3A_21] : memref<2x512x64xf32, #tpu.memory_space<vmem>>, vector<1x512x64xf32>
    %get3A_23 = vector.shape_cast %get3A_22 : vector<1x512x64xf32> to vector<512x64xf32>
    %get3A_24 = arith.constant 1 : index
    %get3A_25 = arith.constant 0 : index
    %get3A_26 = arith.constant 0 : index
    %get3A_27 = vector.load %arg2[%get3A_24, %get3A_25, %get3A_26] : memref<2x512x64xf32, #tpu.memory_space<vmem>>, vector<1x512x64xf32>
    %get3A_28 = vector.shape_cast %get3A_27 : vector<1x512x64xf32> to vector<512x64xf32>
    %add3A_29 = arith.addf %get3A_23, %get3A_28 : vector<512x64xf32>
    %concatenate3A = tpu.concatenate %add3A_18, %add3A_29 in 1 : vector<512x64xf32>, vector<512x64xf32> -> vector<512x128xf32>
    %mul3A = vector.broadcast %rsqrt3A : vector<512x1xf32> to vector<512x128xf32>
    %mul3A_30 = arith.mulf %concatenate3A, %mul3A : vector<512x128xf32>
    %get3A_31 = arith.constant 0 : index
    %get3A_32 = arith.constant 0 : index
    %get3A_33 = vector.load %arg4[%get3A_31, %get3A_32] : memref<1x128xf32, #tpu.memory_space<vmem>>, vector<1x128xf32>
    %add3A_34 = vector.broadcast %get3A_33 : vector<1x128xf32> to vector<512x128xf32>
    %add3A_35 = arith.addf %mul3A_30, %add3A_34 : vector<512x128xf32>
    %max3A = arith.constant 0.000000e+00 : f32
    %max3A_36 = vector.broadcast %max3A : f32 to vector<512x128xf32>
    %max3A_37 = arith.maximumf %add3A_35, %max3A_36 : vector<512x128xf32>
    %get3A_38 = arith.constant 0 : index
    %get3A_39 = arith.constant 0 : index
    %get3A_40 = vector.load %arg5[%get3A_38, %get3A_39] : memref<128x128xf32, #tpu.memory_space<vmem>>, vector<128x128xf32>
    %dot_general3A = arith.constant dense<0.000000e+00> : vector<512x128xf32>
    %dot_general3A_41 = tpu.matmul %max3A_37, %get3A_40, %dot_general3A {dimension_numbers = #tpu.dot_dimension_numbers<[1], [0], [0], [1], [0, 0, 1, 1], [], []>, transpose_lhs_hint = false} : vector<512x128xf32>, vector<128x128xf32>, vector<512x128xf32> -> vector<512x128xf32>
    %mul3A_42 = vector.broadcast %rsqrt3A : vector<512x1xf32> to vector<512x128xf32>
    %mul3A_43 = arith.mulf %dot_general3A_41, %mul3A_42 : vector<512x128xf32>
    %slice3A_44 = vector.extract_strided_slice %mul3A_43 {offsets = [0, 0], sizes = [512, 64], strides = [1, 1]} : vector<512x128xf32> to vector<512x64xf32>
    %swap3A = arith.constant 0 : index
    %swap3A_45 = arith.constant 0 : index
    %swap3A_46 = arith.constant 0 : index
    %swap3A_47 = vector.load %arg6[%swap3A, %swap3A_45, %swap3A_46] : memref<2x512x64xf32, #tpu.memory_space<vmem>>, vector<1x512x64xf32>
    %swap3A_48 = vector.shape_cast %swap3A_47 : vector<1x512x64xf32> to vector<512x64xf32>
    %swap3A_49 = vector.shape_cast %slice3A_44 : vector<512x64xf32> to vector<1x512x64xf32>
    tpu.vector_store %arg6[%swap3A, %swap3A_45, %swap3A_46], %swap3A_49 {strides = array<i32>} : memref<2x512x64xf32, #tpu.memory_space<vmem>>, vector<1x512x64xf32>,
    %slice3A_50 = vector.extract_strided_slice %mul3A_43 {offsets = [0, 64], sizes = [512, 64], strides = [1, 1]} : vector<512x128xf32> to vector<512x64xf32>
    %swap3A_51 = arith.constant 1 : index
    %swap3A_52 = arith.constant 0 : index
    %swap3A_53 = arith.constant 0 : index
    %swap3A_54 = vector.load %arg6[%swap3A_51, %swap3A_52, %swap3A_53] : memref<2x512x64xf32, #tpu.memory_space<vmem>>, vector<1x512x64xf32>
    %swap3A_55 = vector.shape_cast %swap3A_54 : vector<1x512x64xf32> to vector<512x64xf32>
    %swap3A_56 = vector.shape_cast %slice3A_50 : vector<512x64xf32> to vector<1x512x64xf32>
    tpu.vector_store %arg6[%swap3A_51, %swap3A_52, %swap3A_53], %swap3A_56 {strides = array<i32>} : memref<2x512x64xf32, #tpu.memory_space<vmem>>, vector<1x512x64xf32>,
    return
  }
  func.func @transform_0(%arg0: i32) -> (i32, i32, i32) {
    %c0_i32 = arith.constant 0 : i32
    %c0_i32_0 = arith.constant 0 : i32
    %c0_i32_1 = arith.constant 0 : i32
    return %c0_i32, %arg0, %c0_i32_0 : i32, i32, i32
  }
  func.func @transform_1(%arg0: i32) -> (i32, i32, i32) {
    %c0_i32 = arith.constant 0 : i32
    %c0_i32_0 = arith.constant 0 : i32
    %c0_i32_1 = arith.constant 0 : i32
    return %c0_i32, %arg0, %c0_i32_0 : i32, i32, i32
  }
  func.func @transform_2(%arg0: i32) -> (i32, i32, i32) {
    %c0_i32 = arith.constant 0 : i32
    %c0_i32_0 = arith.constant 0 : i32
    %c0_i32_1 = arith.constant 0 : i32
    return %c0_i32, %arg0, %c0_i32_0 : i32, i32, i32
  }
  func.func @transform_3(%arg0: i32) -> (i32, i32) {
    %c0_i32 = arith.constant 0 : i32
    %c0_i32_0 = arith.constant 0 : i32
    %c0_i32_1 = arith.constant 0 : i32
    return %c0_i32, %c0_i32_0 : i32, i32
  }
  func.func @transform_4(%arg0: i32) -> (i32, i32) {
    %c0_i32 = arith.constant 0 : i32
    %c0_i32_0 = arith.constant 0 : i32
    %c0_i32_1 = arith.constant 0 : i32
    return %c0_i32, %c0_i32_0 : i32, i32
  }
  func.func @transform_5(%arg0: i32) -> (i32, i32, i32) {
    %c0_i32 = arith.constant 0 : i32
    %c0_i32_0 = arith.constant 0 : i32
    %c0_i32_1 = arith.constant 0 : i32
    return %c0_i32, %arg0, %c0_i32_0 : i32, i32, i32
  }
}

module attributes {stable_mosaic.version = 14 : i64} {
  func.func @body(%arg0: i32, %arg1: memref<2x512x64xf32, #tpu.memory_space<vmem>>, %arg2: memref<2x512x64xf32, #tpu.memory_space<vmem>>, %arg3: memref<2x512x16xf32, #tpu.memory_space<vmem>>, %arg4: memref<1x128xf32, #tpu.memory_space<vmem>>, %arg5: memref<512x128xf32, #tpu.memory_space<vmem>>) attributes {dimension_semantics = [#tpu.dimension_semantics<arbitrary>], iteration_bounds = array<i64: 20>, scalar_prefetch = 0 : i64, scratch_operands = 0 : i64, tpu.core_type = #tpu.core_type<tc>, window_params = [{transform_indices = @transform_0, window_bounds = array<i64: 2, 512, 64>}, {transform_indices = @transform_1, window_bounds = array<i64: 2, 512, 64>}, {transform_indices = @transform_2, window_bounds = array<i64: 2, 512, 16>}, {pipeline_mode = #tpu.pipeline_mode<synchronous>, transform_indices = @transform_3, window_bounds = array<i64: 1, 128>}, {transform_indices = @transform_4, window_bounds = array<i64: 512, 128>}]} {
    %get3A = arith.constant 0 : index
    %get3A_0 = arith.constant 0 : index
    %get3A_1 = arith.constant 0 : index
    %get3A_2 = vector.load %arg3[%get3A, %get3A_0, %get3A_1] : memref<2x512x16xf32, #tpu.memory_space<vmem>>, vector<2x512x16xf32>
    %slice3A = vector.extract_strided_slice %get3A_2 {offsets = [0, 0, 0], sizes = [1, 512, 1], strides = [1, 1, 1]} : vector<2x512x16xf32> to vector<1x512x1xf32>
    %squeeze3A = vector.shape_cast %slice3A : vector<1x512x1xf32> to vector<512x1xf32>
    %slice3A_3 = vector.extract_strided_slice %get3A_2 {offsets = [1, 0, 0], sizes = [1, 512, 1], strides = [1, 1, 1]} : vector<2x512x16xf32> to vector<1x512x1xf32>
    %squeeze3A_4 = vector.shape_cast %slice3A_3 : vector<1x512x1xf32> to vector<512x1xf32>
    %add3A = arith.addf %squeeze3A, %squeeze3A_4 : vector<512x1xf32>
    %add3A_5 = arith.constant 1.000000e+00 : f32
    %add3A_6 = vector.broadcast %add3A_5 : f32 to vector<512x1xf32>
    %add3A_7 = arith.addf %add3A, %add3A_6 : vector<512x1xf32>
    %rsqrt3A = math.rsqrt %add3A_7 : vector<512x1xf32>
    %get3A_8 = arith.constant 0 : index
    %get3A_9 = arith.constant 0 : index
    %get3A_10 = arith.constant 0 : index
    %get3A_11 = vector.load %arg1[%get3A_8, %get3A_9, %get3A_10] : memref<2x512x64xf32, #tpu.memory_space<vmem>>, vector<1x512x64xf32>
    %get3A_12 = vector.shape_cast %get3A_11 : vector<1x512x64xf32> to vector<512x64xf32>
    %get3A_13 = arith.constant 0 : index
    %get3A_14 = arith.constant 0 : index
    %get3A_15 = arith.constant 0 : index
    %get3A_16 = vector.load %arg2[%get3A_13, %get3A_14, %get3A_15] : memref<2x512x64xf32, #tpu.memory_space<vmem>>, vector<1x512x64xf32>
    %get3A_17 = vector.shape_cast %get3A_16 : vector<1x512x64xf32> to vector<512x64xf32>
    %add3A_18 = arith.addf %get3A_12, %get3A_17 : vector<512x64xf32>
    %get3A_19 = arith.constant 1 : index
    %get3A_20 = arith.constant 0 : index
    %get3A_21 = arith.constant 0 : index
    %get3A_22 = vector.load %arg1[%get3A_19, %get3A_20, %get3A_21] : memref<2x512x64xf32, #tpu.memory_space<vmem>>, vector<1x512x64xf32>
    %get3A_23 = vector.shape_cast %get3A_22 : vector<1x512x64xf32> to vector<512x64xf32>
    %get3A_24 = arith.constant 1 : index
    %get3A_25 = arith.constant 0 : index
    %get3A_26 = arith.constant 0 : index
    %get3A_27 = vector.load %arg2[%get3A_24, %get3A_25, %get3A_26] : memref<2x512x64xf32, #tpu.memory_space<vmem>>, vector<1x512x64xf32>
    %get3A_28 = vector.shape_cast %get3A_27 : vector<1x512x64xf32> to vector<512x64xf32>
    %add3A_29 = arith.addf %get3A_23, %get3A_28 : vector<512x64xf32>
    %concatenate3A = tpu.concatenate %add3A_18, %add3A_29 in 1 : vector<512x64xf32>, vector<512x64xf32> -> vector<512x128xf32>
    %mul3A = vector.broadcast %rsqrt3A : vector<512x1xf32> to vector<512x128xf32>
    %mul3A_30 = arith.mulf %concatenate3A, %mul3A : vector<512x128xf32>
    %get3A_31 = arith.constant 0 : index
    %get3A_32 = arith.constant 0 : index
    %get3A_33 = vector.load %arg4[%get3A_31, %get3A_32] : memref<1x128xf32, #tpu.memory_space<vmem>>, vector<1x128xf32>
    %add3A_34 = vector.broadcast %get3A_33 : vector<1x128xf32> to vector<512x128xf32>
    %add3A_35 = arith.addf %mul3A_30, %add3A_34 : vector<512x128xf32>
    %swap3A = arith.constant 0 : index
    %swap3A_36 = arith.constant 0 : index
    %swap3A_37 = vector.load %arg5[%swap3A, %swap3A_36] : memref<512x128xf32, #tpu.memory_space<vmem>>, vector<512x128xf32>
    tpu.vector_store %arg5[%swap3A, %swap3A_36], %add3A_35 {strides = array<i32>} : memref<512x128xf32, #tpu.memory_space<vmem>>, vector<512x128xf32>,
    return
  }
  func.func @transform_0(%arg0: i32) -> (i32, i32, i32) {
    %c0_i32 = arith.constant 0 : i32
    %c0_i32_0 = arith.constant 0 : i32
    %c0_i32_1 = arith.constant 0 : i32
    return %c0_i32, %arg0, %c0_i32_0 : i32, i32, i32
  }
  func.func @transform_1(%arg0: i32) -> (i32, i32, i32) {
    %c0_i32 = arith.constant 0 : i32
    %c0_i32_0 = arith.constant 0 : i32
    %c0_i32_1 = arith.constant 0 : i32
    return %c0_i32, %arg0, %c0_i32_0 : i32, i32, i32
  }
  func.func @transform_2(%arg0: i32) -> (i32, i32, i32) {
    %c0_i32 = arith.constant 0 : i32
    %c0_i32_0 = arith.constant 0 : i32
    %c0_i32_1 = arith.constant 0 : i32
    return %c0_i32, %arg0, %c0_i32_0 : i32, i32, i32
  }
  func.func @transform_3(%arg0: i32) -> (i32, i32) {
    %c0_i32 = arith.constant 0 : i32
    %c0_i32_0 = arith.constant 0 : i32
    %c0_i32_1 = arith.constant 0 : i32
    return %c0_i32, %c0_i32_0 : i32, i32
  }
  func.func @transform_4(%arg0: i32) -> (i32, i32) {
    %c0_i32 = arith.constant 0 : i32
    %c0_i32_0 = arith.constant 0 : i32
    return %arg0, %c0_i32 : i32, i32
  }
}

</mosaic_0001>

<sc_bundles>
// kernel: kernel.11.cloned.1.call-start
scs
__scs_entry_jumppad:
0x0: {  	(pc) =	sbr.rel $0x88, $3  }
0x1: {  	(tag) =	ssettag $0x0;
	lr =	simm.s32 $0x1  }
0x2: {  	[smem:$0x3F9B] =	sst lr;
	_ =	strace $0xD0000000  }
0x3: {  	_ = 	snop  }
0x4: {  	_ = 	snop  }
0x5: {  	_ = 	snop  }
0x6: {  	_ = 	snop  }
0x7: {  	_ = 	snop  }
__scs_overlays_trampoline_lowered:
0x8: {  	[smem:$0x3FAA] =	sst s0  }
0x9: {  	[smem:$0x3FAB] =	sst s1  }
0xa: {  	[smem:$0x3FAC] =	sst s2  }
0xb: {  	[smem:$0x3FAD] =	sst s3  }
0xc: {  	[smem:$0x3FAE] =	sst s4  }
0xd: {  	[smem:$0x3FAF] =	sst s5  }
0xe: {  	[smem:$0x3FB0] =	sst s6  }
0xf: {  	[smem:$0x3FB1] =	sst s7  }
0x10: {  	[smem:$0x3FB2] =	sst s8  }
0x11: {  	[smem:$0x3FB3] =	sst s9;
	s0 =	simm.s32 @!p0 $0x0  }
0x12: {  	s1 =	sld [smem:$0x3F99];
	s0 =	simm.s32 @p0 $0x1  }
0x13: {  	[smem:$0x3FB4] =	sst s0;
	s0 =	simm.s32 @!p1 $0x0  }
0x14: {  	s2 =	sld [smem:$0x3F98];
	s0 =	simm.s32 @p1 $0x1  }
0x15: {  	[smem:$0x3FB5] =	sst s0;
	s0 =	simm.s32 @!p2 $0x0  }
0x16: {  	s3 =	sld [smem:$0x3FDB];
	s0 =	simm.s32 @p2 $0x1  }
0x17: {  	s4 =	simm.s32 $0x1BF5;
	[smem:$0x3FB7] =	sst s0  }
0x18: {  	s0 =	sld [smem:$0x3F9A];
	_ =	swait.ge [sflag:s4], $0x0  }
0x19: {  	s7 =	sld [smem:$0x3F9B]  }
0x1a: {  	s8 =	sadd.s32 $0xFFFFE003, lr  }
0x1b: {  	s9 =	sadd.s32 $0xFFFFFEF7, lr;
	s5 =	simm.s32 $0xFFFFFFFF;
	p2 =	slt.u32 s8, $0xFFFFF086  }
0x1c: {  	p1 =	slt.u32 s9, $0xF7A;
	s5 =	simm.s32 @!p2 $0x0  }
0x1d: {  	s5 =	simm.s32 @p1 $0x1;
	p0 =	seq.s32 s7, s2  }
0x1e: {  	s7 =	smul.u32 @!p0 $0xF7A, s2;
	p2 =	seq.s32 @!p0 s5, $0x0  }
0x1f: {  	s9 =	smul.u32 $0xF7A, s1;
	s8 =	simm.s32 @!p0 $0x1BF5;
	p2 =	por !p2, p0  }
0x20: {  	[sflag:s8] =	ssyncset.s32 @!p0 $0xFFFFF086;
	s6 =	sadd.s32 @!p0 s3, s7;
	s7 =	simm.s32 @!p0 $0x108  }
0x21: {  	s3 =	sadd.s32 s3, s9;
	s6 =	sadd.s32 @!p0 $0x88, s6;
	s7 =	simm.s32 @p2 $0x1082  }
0x22: {  	[simem:s7], [sflag:s8] =	dma.local @!p0 [hbm:s6], $0xF7A  }
0x23: {  	s9 =	sor.u32 $0xD0000000, s2;
	s6 =	simm.s32 $0x108;
	_ =	swait.ge @!p0 [sflag:s8], $0x0  }
0x24: {  	s3 =	sadd.s32 $0x88, s3;
	s6 =	simm.s32 @!p1 $0x1082;
	[sflag:s4] =	ssyncset.s32 $0xFFFFF086  }
0x25: {  	[simem:s6], [sflag:s4] =	dma.local [hbm:s3], $0xF7A  }
0x26: {  	[smem:$0x3F9B] =	sst s1;
	(tag) =	ssettag s2;
	_ =	strace s9  }
0x27: {  	s1 =	sld [smem:$0x3FAB]  }
0x28: {  	s2 =	sld [smem:$0x3FAC]  }
0x29: {  	s4 =	sld [smem:$0x3FAE]  }
0x2a: {  	p0 =	seq.s32 s5, $0x0;
	s5 =	sld [smem:$0x3FAF]  }
0x2b: {  	s6 =	sld [smem:$0x3FB0]  }
0x2c: {  	s7 =	sld [smem:$0x3FB1]  }
0x2d: {  	s3 =	simm.s32 $0x108;
	s8 =	sld [smem:$0x3FB2]  }
0x2e: {  	s3 =	simm.s32 @!p0 $0x1082;
	s9 =	sld [smem:$0x3FB3]  }
0x2f: {  	lr =	sadd.s32 s0, s3;
	s0 =	sld [smem:$0x3FAA]  }
0x30: {  	s3 =	sld [smem:$0x3FAD]  }
0x31: {  	[smem:$0x3FB6] =	sst s10  }
0x32: {  	s10 =	sld [smem:$0x3FB4];
	_ =	sdelay $0x3  }
0x33: {  	p0 =	seq.s32 s10, $0x1;
	s10 =	sld [smem:$0x3FB6];
	_ =	sdelay $0x3  }
0x34: {  	[smem:$0x3FB6] =	sst s10  }
0x35: {  	s10 =	sld [smem:$0x3FB5];
	_ =	sdelay $0x3  }
0x36: {  	p1 =	seq.s32 s10, $0x1;
	s10 =	sld [smem:$0x3FB6];
	_ =	sdelay $0x3  }
0x37: {  	[smem:$0x3FB6] =	sst s10  }
0x38: {  	s10 =	sld [smem:$0x3FB7]  }
0x39: {  	_ = 	snop;
	(pc) =	sbr.ind lr, $3  }
0x3a: {  	_ = 	snop  }
0x3b: {  	_ = 	snop  }
0x3c: {  	p2 =	seq.s32 s10, $0x1;
	s10 =	sld [smem:$0x3FB6]  }
0x3d: {  	_ =	shalt  }
0x3e: {  	_ =	shalt  }
0x3f: {  	_ =	shalt  }
0x40: {  	_ =	shalt  }
0x41: {  	_ =	shalt  }
0x42: {  	_ =	shalt  }
0x43: {  	_ =	shalt  }
0x44: {  	_ =	shalt  }
0x45: {  	_ =	shalt  }
0x46: {  	_ =	shalt  }
0x47: {  	_ =	shalt  }
0x48: {  	_ =	shalt  }
0x49: {  	_ =	shalt  }
0x4a: {  	_ =	shalt  }
0x4b: {  	_ =	shalt  }
0x4c: {  	_ =	shalt  }
0x4d: {  	_ =	shalt  }
0x4e: {  	_ =	shalt  }
0x4f: {  	_ =	shalt  }
0x50: {  	_ =	shalt  }
0x51: {  	_ =	shalt  }
0x52: {  	_ =	shalt  }
0x53: {  	_ =	shalt  }
0x54: {  	_ =	shalt  }
0x55: {  	_ =	shalt  }
0x56: {  	_ =	shalt  }
0x57: {  	_ =	shalt  }
0x58: {  	_ =	shalt  }
0x59: {  	_ =	shalt  }
0x5a: {  	_ =	shalt  }
0x5b: {  	_ =	shalt  }
0x5c: {  	_ =	shalt  }
0x5d: {  	_ =	shalt  }
0x5e: {  	_ =	shalt  }
0x5f: {  	_ =	shalt  }
0x60: {  	_ =	shalt  }
0x61: {  	_ =	shalt  }
0x62: {  	_ =	shalt  }
0x63: {  	_ =	shalt  }
0x64: {  	_ =	shalt  }
0x65: {  	_ =	shalt  }
0x66: {  	_ =	shalt  }
0x67: {  	_ =	shalt  }
0x68: {  	_ =	shalt  }
0x69: {  	_ =	shalt  }
0x6a: {  	_ =	shalt  }
0x6b: {  	_ =	shalt  }
0x6c: {  	_ =	shalt  }
0x6d: {  	_ =	shalt  }
0x6e: {  	_ =	shalt  }
0x6f: {  	_ =	shalt  }
0x70: {  	_ =	shalt  }
0x71: {  	_ =	shalt  }
0x72: {  	_ =	shalt  }
0x73: {  	_ =	shalt  }
0x74: {  	_ =	shalt  }
0x75: {  	_ =	shalt  }
0x76: {  	_ =	shalt  }
0x77: {  	_ =	shalt  }
0x78: {  	_ =	shalt  }
0x79: {  	_ =	shalt  }
0x7a: {  	_ =	shalt  }
0x7b: {  	_ =	shalt  }
0x7c: {  	_ =	shalt  }
0x7d: {  	_ =	shalt  }
0x7e: {  	_ =	shalt  }
0x7f: {  	_ =	shalt  }
0x80: {  	_ =	shalt  }
0x81: {  	_ =	shalt  }
0x82: {  	_ =	shalt  }
0x83: {  	_ =	shalt  }
0x84: {  	_ =	shalt  }
0x85: {  	_ =	shalt  }
0x86: {  	_ =	shalt  }
0x87: {  	_ =	shalt  }
.Lfunc_end0:
.L_simem_size_0:
called_computation.1_lowered:
.L_overlay_start_0:
0x88: {  	s2 =	sld [smem:$0x3FD9]  }
0x89: {  	s3 =	sld [smem:$0x3FFE];
	_ =	sdelay $0x1  }
0x8a: {  	s1 =	srdreg.scid  }
0x8b: {  	s0 =	sand.u32 $0x1, s1  }
0x8c: {  	s17 =	sshll.u32 s0, $0xA;
	s2 =	sadd.s32 s3, s2  }
0x8d: {  	s2 =	sadd.s32 s2, s17  }
0x8e: {  	[smem:$0x3FC2] =	sst s2  }
0x8f: {  	_ = 	snop  }
0x90: {  	s2 =	sld [smem:$0x3FD0];
	(tm) =	ssettm $0x1  }
0x91: {  	s18 =	sld [smem:$0x3FFB];
	_ =	sdelay $0x3  }
0x92: {  	_ =	strace s18  }
0x93: {  	s3 =	sld [smem:$0x3FFC];
	_ =	sdelay $0x3  }
0x94: {  	_ =	strace s3  }
0x95: {  	s3 =	sld [smem:$0x3FFD];
	_ =	sdelay $0x3  }
0x96: {  	_ =	strace s3  }
0x97: {  	_ =	strace $0x8FFFFFFF  }
0x98: {  	s19 =	sld [smem:$0x3FDB];
	_ =	sdelay $0x1  }
0x99: {  	s4 =	simm.s32 $_scs_section_size  }
0x9a: {  	s5 =	simm.s32 $_size__tile_overlayer_lowered;
	s6 =	simm.s32 $_tile_overlayer_lowered  }
0x9b: {  	s22 =	simm.s32 $0x1BFF;
	s21 =	sshll.u32 s6, $0x1;
	s3 =	sadd.s32 s4, s19  }
0x9c: {  	s7 =	simm.s32 $0x0;
	s20 =	sshll.u32 s5, $0x1;
	s5 =	sadd.s32 s21, s3  }
0x9d: {  	[timem:s7], [sflag:s22] =	dma.local [hbm:s5], s20  }
0x9e: {  	_ =	swait.ge [sflag:s22], s20  }
0x9f: {  	s4 =	ssub.s32 $0x0, s20;
	[sflag:s22] =	ssyncset.done $0x0  }
0xa0: {  	[sflag:s22] =	ssyncadd.s32 s4;
	_ =	sdelay $0x1  }
0xa1: {  	s23 =	simm.s32 $0x1B8B  }
0xa2: {  	_ =	swait.ge [sflag:s23], $0x1  }
0xa3: {  	[sflag:s23] =	ssyncset.done $0x0  }
0xa4: {  	s25 =	simm.s32 $0x1B8E;
	s24 =	sld [smem:$0x3FFE];
	[sflag:s23] =	ssyncadd.s32 $0xFFFFFFFF  }
0xa5: {  	s26 =	simm.s32 $execute0_lowered;
	[smem:$0x3FD2] =	sst s25  }
0xa6: {  	s5 =	sshll.u32 s26, $0x1;
	_ =	strace $0x80000049;
	[dreg:$0x1] =	wrdreg $0xFFFFFFFF  }
0xa7: {  	s28 =	simm.s32 $_size_execute0_lowered;
	s3 =	sadd.s32 s3, s5;
	[dreg:$0x0] =	wrdreg $0x0  }
0xa8: {  	s5 =	sshll.u32 s28, $0x1;
	[dreg:$0x2] =	wrdreg s3  }
0xa9: {  	[dreg:$0x3] =	wrdreg s5  }
0xaa: {  	[dreg:$0x4] =	wrdreg $0xC0  }
0xab: {  	_ =	task [dreg:s7], $0x5FFFF  }
0xac: {  	[dreg:$0x1] =	wrdreg $0xFFFFFFFF  }
0xad: {  	[dreg:$0x0] =	wrdreg $0x60  }
0xae: {  	[dreg:$0x2] =	wrdreg s24  }
0xaf: {  	[dreg:$0x3] =	wrdreg s2  }
0xb0: {  	[dreg:$0x4] =	wrdreg $0x120000  }
0xb1: {  	[dreg:$0x5] =	wrdreg $0x9  }
0xb2: {  	_ =	task.clear_ibuf [dreg:s7], $0x6FFFF;
	_ =	strace $0x90000049  }
0xb3: {  	s29 =	simm.s32 $0x9;
	_ =	strace $0x8000004B  }
0xb4: {  	_ =	swait.ge [sflag:s29], $0x1  }
0xb5: {  	[sflag:s29] =	ssyncadd.s32 $0xFFFFFFFF  }
0xb6: {  	_ =	strace $0x9000004B  }
0xb7: {  	_ =	sfence  }
0xb8: {  	s30 =	sld [smem:$0x0];
	_ =	sdelay $0x2  }
0xb9: {  	s31 =	sshll.u32 s1, $0xD;
	s1 =	sshrl.u32 s1, $0x2  }
0xba: {  	s3 =	sand.u32 $0x4000, s31;
	s1 =	sadd.s32 s1, s30  }
0xbb: {  	s0 =	sor.u32 s3, s0;
	s1 =	sshll.u32 s1, $0x11  }
0xbc: {  	s0 =	sor.u32 s1, s0  }
0xbd: {  	s0 =	sadd.s32 $0x8F2B, s0  }
0xbe: {  	[sflag:s0] =	ssyncadd.remote.s32 $0x1  }
0xbf: {  	_ =	sfence.sel $0xFFFF  }
0xc0: {  	[dreg:$0x0] =	wrdreg $0xFFFFFFFF;
	(pc) =	sbr.abs _section_cstart, $3  }
0xc1: {  	[dreg:$0x1] =	wrdreg $0xFFFFFFFF  }
0xc2: {  	_ =	task.clear_ibuf [dreg:s7], $0x2FFFF;
	_ =	strace $0x9FFFFFFF  }
0xc3: {  	(tm) =	ssettm $0x7FFFFFFF  }
tec
execute0_lowered:
.L_overlay_start_1:
0x0: {  	(tag) =	ssettag $0x1  }
0x1: {  	s5 =	rddreg [dreg:$0x0]  }
0x2: {  	s2 =	rddreg [dreg:$0x1]  }
0x3: {  	s3 =	rddreg [dreg:$0x2]  }
0x4: {  	s1 =	stileid.u32;
	s6 =	srdreg.scid  }
0x5: {  	s4 =	simm.s32 $0x0;
	s13 =	simm.s32 $0x80;
	s14 =	simm.s32 $0xA000  }
0x6: {  	s15 =	simm.s32 $0xC000;
	s16 =	simm.s32 $0xE000;
	s17 =	simm.s32 $0x10000  }
0x7: {  	s18 =	simm.s32 $0x1;
	s19 =	simm.s32 $0x2;
	s20 =	simm.s32 $0x3  }
0x8: {  	s21 =	simm.s32 $0x4;
	s22 =	simm.s32 $0x5;
	s23 =	simm.s32 $0x6  }
0x9: {  	s26 =	simm.s32 $0x8;
	s28 =	simm.s32 $0x0;
	s7 =	smul.u32 $0xA00, s1  }
0xa: {  	s6 =	sand.u32 $0x1, s6;
	[smem:$0x7FF] =	sst s4;
	s10 =	smul.u32 $0xA000, s1  }
0xb: {  	s11 =	sshll.u32 s1, $0x6;
	s8 =	smul.u32 $0x14000, s6;
	s6 =	ssub.s32 $0x2, s6  }
0xc: {  	_ =	strace $0x8000004A;
	s11 =	sor.u32 $0x1C09, s11;
	s9 =	sshrl.u32 s6, $0x1  }
0xd: {  	s7 =	sadd.s32 s7, s5;
	s12 =	sadd.s32 s10, s3;
	s25 =	sshrl.u32 s10, $0x3  }
0xe: {  	s10 =	simm.s32 $0x5000;
	s8 =	sadd.s32 s8, s5;
	s9 =	ssub.s32 s6, s9  }
0xf: {  	s5 =	sadd.s32 $0xB800, s7;
	s6 =	sadd.s32 $0x1800, s7;
	s12 =	sshrl.u32 s12, $0x3  }
0x10: {  	s7 =	sadd.s32 $0xBFE00, s8;
	s24 =	sadd.s32 $0xE7E00, s8;
	s8 =	smax.u32 s9, $0x1  }
0x11: {  	s9 =	simm.s32 $0x9;
	s24 =	sadd.s32 s25, s24;
	s25 =	simm.s32 $0x7  }
.LBB2_1:
0x12: {  	[tilespmem:s4], [sflag:$0x9] =	stream.linear.gather [hbm4b:s5+s4], $0x5000, $0x38;
	[tilespmem:$0x1C000] =	vst v63  }
0x13: {  	_ =	swait.ge [sflag:s9], $0x5000  }
0x14: {  	[sflag:s9] =	ssyncset.done $0x0  }
0x15: {  	[sflag:s9] =	ssyncadd.s32 $0xFFFFB000  }
0x16: {  	[tilespmem:s10], [sflag:$0x9] =	stream.linear.gather [hbm4b:s6+s4], $0x5000, $0x38;
	[tilespmem:$0x1C000] =	vst v63  }
0x17: {  	_ =	swait.ge [sflag:s9], $0x5000  }
0x18: {  	[sflag:s9] =	ssyncset.done $0x0  }
0x19: {  	[sflag:s9] =	ssyncadd.s32 $0xFFFFB000  }
0x1a: {  	[spmem:s12], [sflag:s11] =	dma.local [hbm:s2], $0x1400  }
0x1b: {  	_ =	swait.ge [sflag:s9], $0x1400  }
0x1c: {  	[sflag:s9] =	ssyncset.done $0x0  }
0x1d: {  	[sflag:s9] =	ssyncadd.s32 $0xFFFFEC00  }
0x1e: {  	s29 =	simm.s32 $0x0;
	[bflag:$0x0] =	sbarrier.arrive $0xFFFF  }
0x1f: {  	[tilespmem:s14], [sflag:$0x1] =	stream.indirect.gather [hbm4b:s7+s13], $0x40, s29, s13, $0xb8;
	[tilespmem:$0x1C000] =	vst v63  }
0x20: {  	s29 =	simm.s32 $0x80  }
0x21: {  	[tilespmem:s15], [sflag:$0x2] =	stream.indirect.gather [hbm4b:s7+s13], $0x40, s29, s13, $0xb8;
	[tilespmem:$0x1C000] =	vst v63  }
0x22: {  	s29 =	simm.s32 $0x100  }
0x23: {  	[tilespmem:s16], [sflag:$0x3] =	stream.indirect.gather [hbm4b:s7+s13], $0x40, s29, s13, $0xb8;
	[tilespmem:$0x1C000] =	vst v63  }
0x24: {  	s29 =	simm.s32 $0x180  }
0x25: {  	[tilespmem:s17], [sflag:$0x4] =	stream.indirect.gather [hbm4b:s7+s13], $0x40, s29, s13, $0xb8;
	[tilespmem:$0x1C000] =	vst v63  }
0x26: {  	_ =	swait.ge [sflag:s18], $0x2000  }
0x27: {  	[sflag:s18] =	ssyncset.done $0x0  }
0x28: {  	s29 =	simm.s32 $0x5000;
	[sflag:s18] =	ssyncadd.s32 $0xFFFFE000  }
0x29: {  	[spmem:s3] =	stream.indirect.scatter.add.f32 [tilespmem:s14], [sflag:$0x5], $0x40, s29, s13, $0xb8;
	[tilespmem:$0x1C000] =	vst v63  }
0x2a: {  	_ =	swait.ge [sflag:s19], $0x2000  }
0x2b: {  	[sflag:s19] =	ssyncset.done $0x0  }
0x2c: {  	s29 =	simm.s32 $0x5080;
	[sflag:s19] =	ssyncadd.s32 $0xFFFFE000  }
0x2d: {  	[spmem:s3] =	stream.indirect.scatter.add.f32 [tilespmem:s15], [sflag:$0x6], $0x40, s29, s13, $0xb8;
	[tilespmem:$0x1C000] =	vst v63  }
0x2e: {  	_ =	swait.ge [sflag:s20], $0x2000  }
0x2f: {  	[sflag:s20] =	ssyncset.done $0x0  }
0x30: {  	s29 =	simm.s32 $0x5100;
	[sflag:s20] =	ssyncadd.s32 $0xFFFFE000  }
0x31: {  	[spmem:s3] =	stream.indirect.scatter.add.f32 [tilespmem:s16], [sflag:$0x7], $0x40, s29, s13, $0xb8;
	[tilespmem:$0x1C000] =	vst v63  }
0x32: {  	_ =	swait.ge [sflag:s21], $0x2000  }
0x33: {  	[sflag:s21] =	ssyncset.done $0x0  }
0x34: {  	s29 =	simm.s32 $0x5180;
	[sflag:s21] =	ssyncadd.s32 $0xFFFFE000  }
0x35: {  	[spmem:s3] =	stream.indirect.scatter.add.f32 [tilespmem:s17], [sflag:$0x8], $0x40, s29, s13, $0xb8;
	[tilespmem:$0x1C000] =	vst v63  }
0x36: {  	_ =	swait.ge [sflag:s22], $0x2000  }
0x37: {  	[sflag:s22] =	ssyncset.done $0x0  }
0x38: {  	[sflag:s22] =	ssyncadd.s32 $0xFFFFE000  }
0x39: {  	_ =	swait.ge [sflag:s23], $0x2000  }
0x3a: {  	[sflag:s23] =	ssyncset.done $0x0  }
0x3b: {  	[sflag:s23] =	ssyncadd.s32 $0xFFFFE000  }
0x3c: {  	_ =	swait.ge [sflag:s25], $0x2000  }
0x3d: {  	[sflag:s25] =	ssyncset.done $0x0  }
0x3e: {  	[sflag:s25] =	ssyncadd.s32 $0xFFFFE000  }
0x3f: {  	_ =	swait.ge [sflag:s26], $0x2000  }
0x40: {  	s31 =	simm.s32 $0x1000;
	s29 =	simm.s32 $0x800;
	[sflag:s26] =	ssyncset.done $0x0  }
.LBB2_2:
0x41: {  	s0 =	sshra.s32 s29, $0x2  }
0x42: {  	[sflag:s26] =	ssyncadd.s32 $0xFFFFE000;
	s29 =	smov.u32 s31;
	s30 =	sadd.s32 $0x800, s31  }
0x43: {  	[tilespmem:s14], [sflag:$0x1] =	stream.indirect.gather [hbm4b:s7+s13], $0x40, s0, s13, $0xb8;
	[tilespmem:$0x1C000] =	vst v63  }
0x44: {  	p0 =	sne.s32 s31, $0x13800;
	s31 =	sadd.s32 $0x80, s0  }
0x45: {  	[tilespmem:s15], [sflag:$0x2] =	stream.indirect.gather [hbm4b:s7+s13], $0x40, s31, s13, $0xb8;
	[tilespmem:$0x1C000] =	vst v63  }
0x46: {  	s31 =	sadd.s32 $0x100, s0  }
0x47: {  	[tilespmem:s16], [sflag:$0x3] =	stream.indirect.gather [hbm4b:s7+s13], $0x40, s31, s13, $0xb8;
	[tilespmem:$0x1C000] =	vst v63  }
0x48: {  	s31 =	sadd.s32 $0x180, s0  }
0x49: {  	[tilespmem:s17], [sflag:$0x4] =	stream.indirect.gather [hbm4b:s7+s13], $0x40, s31, s13, $0xb8;
	[tilespmem:$0x1C000] =	vst v63  }
0x4a: {  	_ =	swait.ge [sflag:s18], $0x2000  }
0x4b: {  	[sflag:s18] =	ssyncset.done $0x0  }
0x4c: {  	s31 =	sadd.s32 $0x5000, s0;
	[sflag:s18] =	ssyncadd.s32 $0xFFFFE000  }
0x4d: {  	[spmem:s3] =	stream.indirect.scatter.add.f32 [tilespmem:s14], [sflag:$0x5], $0x40, s31, s13, $0xb8;
	[tilespmem:$0x1C000] =	vst v63  }
0x4e: {  	_ =	swait.ge [sflag:s19], $0x2000  }
0x4f: {  	[sflag:s19] =	ssyncset.done $0x0  }
0x50: {  	s31 =	sadd.s32 $0x5080, s0;
	[sflag:s19] =	ssyncadd.s32 $0xFFFFE000  }
0x51: {  	[spmem:s3] =	stream.indirect.scatter.add.f32 [tilespmem:s15], [sflag:$0x6], $0x40, s31, s13, $0xb8;
	[tilespmem:$0x1C000] =	vst v63  }
0x52: {  	_ =	swait.ge [sflag:s20], $0x2000  }
0x53: {  	[sflag:s20] =	ssyncset.done $0x0  }
0x54: {  	s31 =	sadd.s32 $0x5100, s0;
	[sflag:s20] =	ssyncadd.s32 $0xFFFFE000  }
0x55: {  	[spmem:s3] =	stream.indirect.scatter.add.f32 [tilespmem:s16], [sflag:$0x7], $0x40, s31, s13, $0xb8;
	[tilespmem:$0x1C000] =	vst v63  }
0x56: {  	_ =	swait.ge [sflag:s21], $0x2000  }
0x57: {  	[sflag:s21] =	ssyncset.done $0x0  }
0x58: {  	s0 =	sadd.s32 $0x5180, s0;
	[sflag:s21] =	ssyncadd.s32 $0xFFFFE000  }
0x59: {  	[spmem:s3] =	stream.indirect.scatter.add.f32 [tilespmem:s17], [sflag:$0x8], $0x40, s0, s13, $0xb8;
	[tilespmem:$0x1C000] =	vst v63  }
0x5a: {  	_ =	swait.ge [sflag:s22], $0x2000  }
0x5b: {  	[sflag:s22] =	ssyncset.done $0x0  }
0x5c: {  	[sflag:s22] =	ssyncadd.s32 $0xFFFFE000  }
0x5d: {  	_ =	swait.ge [sflag:s23], $0x2000  }
0x5e: {  	[sflag:s23] =	ssyncset.done $0x0  }
0x5f: {  	[sflag:s23] =	ssyncadd.s32 $0xFFFFE000  }
.Ltmp0:
0x60: {  	_ =	swait.ge [sflag:s25], $0x2000;
	(pc) =	sbr.rel @p0 .LBB2_2-.Ltmp0, $4  }
0x61: {  	[sflag:s25] =	ssyncset.done $0x0  }
0x62: {  	[sflag:s25] =	ssyncadd.s32 $0xFFFFE000  }
0x63: {  	_ =	swait.ge [sflag:s26], $0x2000  }
0x64: {  	s31 =	smov.u32 s30;
	[sflag:s26] =	ssyncset.done $0x0  }
0x65: {  	s0 =	sshra.s32 s29, $0x2;
	[sflag:s26] =	ssyncadd.s32 $0xFFFFE000  }
0x66: {  	[tilespmem:s14], [sflag:$0x1] =	stream.indirect.gather [hbm4b:s7+s13], $0x40, s0, s13, $0xb8;
	[tilespmem:$0x1C000] =	vst v63  }
0x67: {  	s29 =	sadd.s32 $0x80, s0  }
0x68: {  	[tilespmem:s15], [sflag:$0x2] =	stream.indirect.gather [hbm4b:s7+s13], $0x40, s29, s13, $0xb8;
	[tilespmem:$0x1C000] =	vst v63  }
0x69: {  	s31 =	sadd.s32 $0x100, s0  }
0x6a: {  	[tilespmem:s16], [sflag:$0x3] =	stream.indirect.gather [hbm4b:s7+s13], $0x40, s31, s13, $0xb8;
	[tilespmem:$0x1C000] =	vst v63  }
0x6b: {  	s30 =	sadd.s32 $0x180, s0  }
0x6c: {  	[tilespmem:s17], [sflag:$0x4] =	stream.indirect.gather [hbm4b:s7+s13], $0x40, s30, s13, $0xb8;
	[tilespmem:$0x1C000] =	vst v63  }
0x6d: {  	_ =	swait.ge [sflag:s18], $0x2000  }
0x6e: {  	[sflag:s18] =	ssyncset.done $0x0  }
0x6f: {  	s31 =	sadd.s32 $0x5000, s0;
	[sflag:s18] =	ssyncadd.s32 $0xFFFFE000  }
0x70: {  	[spmem:s3] =	stream.indirect.scatter.add.f32 [tilespmem:s14], [sflag:$0x5], $0x40, s31, s13, $0xb8;
	[tilespmem:$0x1C000] =	vst v63  }
0x71: {  	_ =	swait.ge [sflag:s19], $0x2000  }
0x72: {  	[sflag:s19] =	ssyncset.done $0x0  }
0x73: {  	s30 =	sadd.s32 $0x5080, s0;
	[sflag:s19] =	ssyncadd.s32 $0xFFFFE000  }
0x74: {  	[spmem:s3] =	stream.indirect.scatter.add.f32 [tilespmem:s15], [sflag:$0x6], $0x40, s30, s13, $0xb8;
	[tilespmem:$0x1C000] =	vst v63  }
0x75: {  	_ =	swait.ge [sflag:s20], $0x2000  }
0x76: {  	[sflag:s20] =	ssyncset.done $0x0  }
0x77: {  	s31 =	sadd.s32 $0x5100, s0;
	[sflag:s20] =	ssyncadd.s32 $0xFFFFE000  }
0x78: {  	[spmem:s3] =	stream.indirect.scatter.add.f32 [tilespmem:s16], [sflag:$0x7], $0x40, s31, s13, $0xb8;
	[tilespmem:$0x1C000] =	vst v63  }
0x79: {  	_ =	swait.ge [sflag:s21], $0x2000  }
0x7a: {  	[sflag:s21] =	ssyncset.done $0x0  }
0x7b: {  	s0 =	sadd.s32 $0x5180, s0;
	[sflag:s21] =	ssyncadd.s32 $0xFFFFE000  }
0x7c: {  	[spmem:s3] =	stream.indirect.scatter.add.f32 [tilespmem:s17], [sflag:$0x8], $0x40, s0, s13, $0xb8;
	[tilespmem:$0x1C000] =	vst v63  }
0x7d: {  	_ =	swait.ge [sflag:s22], $0x2000  }
0x7e: {  	[sflag:s22] =	ssyncset.done $0x0  }
0x7f: {  	[sflag:s22] =	ssyncadd.s32 $0xFFFFE000  }
0x80: {  	_ =	swait.ge [sflag:s23], $0x2000  }
0x81: {  	[sflag:s23] =	ssyncset.done $0x0  }
0x82: {  	[sflag:s23] =	ssyncadd.s32 $0xFFFFE000  }
0x83: {  	_ =	swait.ge [sflag:s25], $0x2000  }
0x84: {  	[sflag:s25] =	ssyncset.done $0x0  }
0x85: {  	[sflag:s25] =	ssyncadd.s32 $0xFFFFE000  }
0x86: {  	_ =	swait.ge [sflag:s26], $0x2000  }
0x87: {  	s28 =	sadd.s32 $0x1, s28;
	[sflag:s26] =	ssyncset.done $0x0  }
0x88: {  	p0 =	sne.s32 s28, s8;
	[sflag:s26] =	ssyncadd.s32 $0xFFFFE000  }
.Ltmp1:
0x89: {  	[bflag:$0x0] =	sbarrier.arrive $0xFFFF;
	(pc) =	sbr.rel @p0 .LBB2_1-.Ltmp1, $4  }
0x8a: {  	[hbm:s24], [sflag:s11] =	dma.local [spmem:s12], $0x1400  }
0x8b: {  	_ =	swait.ge [sflag:s9], $0x1400  }
0x8c: {  	[sflag:s9] =	ssyncset.done $0x0  }
0x8d: {  	[sflag:s9] =	ssyncadd.s32 $0xFFFFEC00  }
0x8e: {  	_ =	sfence.sel $0x180000  }
0x8f: {  	[bflag:$0x0] =	sbarrier.arrive $0xFFFF  }
0x90: {  	_ =	strace $0x9000004A  }
0x91: {  	[bflag:$0x2] =	sbarrier.arrive $0xFFFF  }
0x92: {  	p0 =	sne.s32 s1, $0x0;
	s0 =	rddreg [dreg:$0x3]  }
0x93: {  	s0 =	sadd.s32 @!p0 $0x100000, s0  }
0x94: {  	[sflag:s0] =	ssyncadd.tile.s32 @!p0 $0x1;
	_ =	shalt  }
.Lfunc_end2:
_tile_overlayer_lowered:
.L_overlay_start_2:
0x95: {  	(tag) =	ssettag $0x2  }
0x96: {  	s0 =	rddreg [dreg:$0x0];
	s2 =	stileid.u32  }
0x97: {  	s1 =	rddreg [dreg:$0x1];
	p0 =	sne.s32 s2, $0x0  }
0x98: {  	s3 =	rddreg [dreg:$0x2];
	[bflag:$0x3] =	sbarrier.arrive $0xFFFF;
	s2 =	simm.s32 @!p0 $0x1C09  }
0x99: {  	[timem:s3], [sflag:s2] =	dma.local @!p0 [hbm:s0], s1  }
0x9a: {  	s0 =	simm.s32 @!p0 $0x9  }
0x9b: {  	_ =	swait.ge @!p0 [sflag:s0], s1  }
0x9c: {  	s1 =	ssub.s32 @!p0 $0x0, s1;
	[sflag:s0] =	ssyncset.done @!p0 $0x0  }
0x9d: {  	[sflag:s0] =	ssyncadd.s32 @!p0 s1  }
0x9e: {  	[bflag:$0x3] =	sbarrier.arrive $0xFFFF  }
0x9f: {  	_ =	shalt  }

// kernel: kernel.14.cloned.1.call-start
scs
__scs_entry_jumppad:
0x0: {  	(pc) =	sbr.rel $0x88, $3  }
0x1: {  	(tag) =	ssettag $0x0;
	lr =	simm.s32 $0x1  }
0x2: {  	[smem:$0x3F9B] =	sst lr;
	_ =	strace $0xD0000000  }
0x3: {  	_ = 	snop  }
0x4: {  	_ = 	snop  }
0x5: {  	_ = 	snop  }
0x6: {  	_ = 	snop  }
0x7: {  	_ = 	snop  }
__scs_overlays_trampoline_lowered:
0x8: {  	[smem:$0x3FAA] =	sst s0  }
0x9: {  	[smem:$0x3FAB] =	sst s1  }
0xa: {  	[smem:$0x3FAC] =	sst s2  }
0xb: {  	[smem:$0x3FAD] =	sst s3  }
0xc: {  	[smem:$0x3FAE] =	sst s4  }
0xd: {  	[smem:$0x3FAF] =	sst s5  }
0xe: {  	[smem:$0x3FB0] =	sst s6  }
0xf: {  	[smem:$0x3FB1] =	sst s7  }
0x10: {  	[smem:$0x3FB2] =	sst s8  }
0x11: {  	[smem:$0x3FB3] =	sst s9;
	s0 =	simm.s32 @!p0 $0x0  }
0x12: {  	s1 =	sld [smem:$0x3F99];
	s0 =	simm.s32 @p0 $0x1  }
0x13: {  	[smem:$0x3FB4] =	sst s0;
	s0 =	simm.s32 @!p1 $0x0  }
0x14: {  	s2 =	sld [smem:$0x3F98];
	s0 =	simm.s32 @p1 $0x1  }
0x15: {  	[smem:$0x3FB5] =	sst s0;
	s0 =	simm.s32 @!p2 $0x0  }
0x16: {  	s3 =	sld [smem:$0x3FDB];
	s0 =	simm.s32 @p2 $0x1  }
0x17: {  	s4 =	simm.s32 $0x1BF5;
	[smem:$0x3FB7] =	sst s0  }
0x18: {  	s0 =	sld [smem:$0x3F9A];
	_ =	swait.ge [sflag:s4], $0x0  }
0x19: {  	s7 =	sld [smem:$0x3F9B]  }
0x1a: {  	s8 =	sadd.s32 $0xFFFFE003, lr  }
0x1b: {  	s9 =	sadd.s32 $0xFFFFFEF7, lr;
	s5 =	simm.s32 $0xFFFFFFFF;
	p2 =	slt.u32 s8, $0xFFFFF086  }
0x1c: {  	p1 =	slt.u32 s9, $0xF7A;
	s5 =	simm.s32 @!p2 $0x0  }
0x1d: {  	s5 =	simm.s32 @p1 $0x1;
	p0 =	seq.s32 s7, s2  }
0x1e: {  	s7 =	smul.u32 @!p0 $0xF7A, s2;
	p2 =	seq.s32 @!p0 s5, $0x0  }
0x1f: {  	s9 =	smul.u32 $0xF7A, s1;
	s8 =	simm.s32 @!p0 $0x1BF5;
	p2 =	por !p2, p0  }
0x20: {  	[sflag:s8] =	ssyncset.s32 @!p0 $0xFFFFF086;
	s6 =	sadd.s32 @!p0 s3, s7;
	s7 =	simm.s32 @!p0 $0x108  }
0x21: {  	s3 =	sadd.s32 s3, s9;
	s6 =	sadd.s32 @!p0 $0x88, s6;
	s7 =	simm.s32 @p2 $0x1082  }
0x22: {  	[simem:s7], [sflag:s8] =	dma.local @!p0 [hbm:s6], $0xF7A  }
0x23: {  	s9 =	sor.u32 $0xD0000000, s2;
	s6 =	simm.s32 $0x108;
	_ =	swait.ge @!p0 [sflag:s8], $0x0  }
0x24: {  	s3 =	sadd.s32 $0x88, s3;
	s6 =	simm.s32 @!p1 $0x1082;
	[sflag:s4] =	ssyncset.s32 $0xFFFFF086  }
0x25: {  	[simem:s6], [sflag:s4] =	dma.local [hbm:s3], $0xF7A  }
0x26: {  	[smem:$0x3F9B] =	sst s1;
	(tag) =	ssettag s2;
	_ =	strace s9  }
0x27: {  	s1 =	sld [smem:$0x3FAB]  }
0x28: {  	s2 =	sld [smem:$0x3FAC]  }
0x29: {  	s4 =	sld [smem:$0x3FAE]  }
0x2a: {  	p0 =	seq.s32 s5, $0x0;
	s5 =	sld [smem:$0x3FAF]  }
0x2b: {  	s6 =	sld [smem:$0x3FB0]  }
0x2c: {  	s7 =	sld [smem:$0x3FB1]  }
0x2d: {  	s3 =	simm.s32 $0x108;
	s8 =	sld [smem:$0x3FB2]  }
0x2e: {  	s3 =	simm.s32 @!p0 $0x1082;
	s9 =	sld [smem:$0x3FB3]  }
0x2f: {  	lr =	sadd.s32 s0, s3;
	s0 =	sld [smem:$0x3FAA]  }
0x30: {  	s3 =	sld [smem:$0x3FAD]  }
0x31: {  	[smem:$0x3FB6] =	sst s10  }
0x32: {  	s10 =	sld [smem:$0x3FB4];
	_ =	sdelay $0x3  }
0x33: {  	p0 =	seq.s32 s10, $0x1;
	s10 =	sld [smem:$0x3FB6];
	_ =	sdelay $0x3  }
0x34: {  	[smem:$0x3FB6] =	sst s10  }
0x35: {  	s10 =	sld [smem:$0x3FB5];
	_ =	sdelay $0x3  }
0x36: {  	p1 =	seq.s32 s10, $0x1;
	s10 =	sld [smem:$0x3FB6];
	_ =	sdelay $0x3  }
0x37: {  	[smem:$0x3FB6] =	sst s10  }
0x38: {  	s10 =	sld [smem:$0x3FB7]  }
0x39: {  	_ = 	snop;
	(pc) =	sbr.ind lr, $3  }
0x3a: {  	_ = 	snop  }
0x3b: {  	_ = 	snop  }
0x3c: {  	p2 =	seq.s32 s10, $0x1;
	s10 =	sld [smem:$0x3FB6]  }
0x3d: {  	_ =	shalt  }
0x3e: {  	_ =	shalt  }
0x3f: {  	_ =	shalt  }
0x40: {  	_ =	shalt  }
0x41: {  	_ =	shalt  }
0x42: {  	_ =	shalt  }
0x43: {  	_ =	shalt  }
0x44: {  	_ =	shalt  }
0x45: {  	_ =	shalt  }
0x46: {  	_ =	shalt  }
0x47: {  	_ =	shalt  }
0x48: {  	_ =	shalt  }
0x49: {  	_ =	shalt  }
0x4a: {  	_ =	shalt  }
0x4b: {  	_ =	shalt  }
0x4c: {  	_ =	shalt  }
0x4d: {  	_ =	shalt  }
0x4e: {  	_ =	shalt  }
0x4f: {  	_ =	shalt  }
0x50: {  	_ =	shalt  }
0x51: {  	_ =	shalt  }
0x52: {  	_ =	shalt  }
0x53: {  	_ =	shalt  }
0x54: {  	_ =	shalt  }
0x55: {  	_ =	shalt  }
0x56: {  	_ =	shalt  }
0x57: {  	_ =	shalt  }
0x58: {  	_ =	shalt  }
0x59: {  	_ =	shalt  }
0x5a: {  	_ =	shalt  }
0x5b: {  	_ =	shalt  }
0x5c: {  	_ =	shalt  }
0x5d: {  	_ =	shalt  }
0x5e: {  	_ =	shalt  }
0x5f: {  	_ =	shalt  }
0x60: {  	_ =	shalt  }
0x61: {  	_ =	shalt  }
0x62: {  	_ =	shalt  }
0x63: {  	_ =	shalt  }
0x64: {  	_ =	shalt  }
0x65: {  	_ =	shalt  }
0x66: {  	_ =	shalt  }
0x67: {  	_ =	shalt  }
0x68: {  	_ =	shalt  }
0x69: {  	_ =	shalt  }
0x6a: {  	_ =	shalt  }
0x6b: {  	_ =	shalt  }
0x6c: {  	_ =	shalt  }
0x6d: {  	_ =	shalt  }
0x6e: {  	_ =	shalt  }
0x6f: {  	_ =	shalt  }
0x70: {  	_ =	shalt  }
0x71: {  	_ =	shalt  }
0x72: {  	_ =	shalt  }
0x73: {  	_ =	shalt  }
0x74: {  	_ =	shalt  }
0x75: {  	_ =	shalt  }
0x76: {  	_ =	shalt  }
0x77: {  	_ =	shalt  }
0x78: {  	_ =	shalt  }
0x79: {  	_ =	shalt  }
0x7a: {  	_ =	shalt  }
0x7b: {  	_ =	shalt  }
0x7c: {  	_ =	shalt  }
0x7d: {  	_ =	shalt  }
0x7e: {  	_ =	shalt  }
0x7f: {  	_ =	shalt  }
0x80: {  	_ =	shalt  }
0x81: {  	_ =	shalt  }
0x82: {  	_ =	shalt  }
0x83: {  	_ =	shalt  }
0x84: {  	_ =	shalt  }
0x85: {  	_ =	shalt  }
0x86: {  	_ =	shalt  }
0x87: {  	_ =	shalt  }
.Lfunc_end0:
.L_simem_size_0:
called_computation.2_lowered:
.L_overlay_start_0:
0x88: {  	s2 =	sld [smem:$0x3FD9]  }
0x89: {  	s3 =	sld [smem:$0x3FFE];
	_ =	sdelay $0x1  }
0x8a: {  	s1 =	srdreg.scid  }
0x8b: {  	s0 =	sand.u32 $0x1, s1  }
0x8c: {  	s17 =	sshll.u32 s0, $0xA;
	s2 =	sadd.s32 s3, s2  }
0x8d: {  	s2 =	sadd.s32 s2, s17  }
0x8e: {  	[smem:$0x3FC2] =	sst s2  }
0x8f: {  	_ = 	snop  }
0x90: {  	s2 =	sld [smem:$0x3FD0];
	(tm) =	ssettm $0x1  }
0x91: {  	s18 =	sld [smem:$0x3FFB];
	_ =	sdelay $0x3  }
0x92: {  	_ =	strace s18  }
0x93: {  	s3 =	sld [smem:$0x3FFC];
	_ =	sdelay $0x3  }
0x94: {  	_ =	strace s3  }
0x95: {  	s3 =	sld [smem:$0x3FFD];
	_ =	sdelay $0x3  }
0x96: {  	_ =	strace s3  }
0x97: {  	_ =	strace $0x8FFFFFFF  }
0x98: {  	s19 =	sld [smem:$0x3FDB];
	_ =	sdelay $0x1  }
0x99: {  	s4 =	simm.s32 $_scs_section_size  }
0x9a: {  	s5 =	simm.s32 $_size__tile_overlayer_lowered;
	s6 =	simm.s32 $_tile_overlayer_lowered  }
0x9b: {  	s22 =	simm.s32 $0x1BFF;
	s21 =	sshll.u32 s6, $0x1;
	s3 =	sadd.s32 s4, s19  }
0x9c: {  	s7 =	simm.s32 $0x0;
	s20 =	sshll.u32 s5, $0x1;
	s5 =	sadd.s32 s21, s3  }
0x9d: {  	[timem:s7], [sflag:s22] =	dma.local [hbm:s5], s20  }
0x9e: {  	_ =	swait.ge [sflag:s22], s20  }
0x9f: {  	s4 =	ssub.s32 $0x0, s20;
	[sflag:s22] =	ssyncset.done $0x0  }
0xa0: {  	[sflag:s22] =	ssyncadd.s32 s4;
	_ =	sdelay $0x1  }
0xa1: {  	s23 =	simm.s32 $0x1B8B  }
0xa2: {  	_ =	swait.ge [sflag:s23], $0x1  }
0xa3: {  	[sflag:s23] =	ssyncset.done $0x0  }
0xa4: {  	s25 =	simm.s32 $0x1B8E;
	s24 =	sld [smem:$0x3FFE];
	[sflag:s23] =	ssyncadd.s32 $0xFFFFFFFF  }
0xa5: {  	s26 =	simm.s32 $execute0_lowered;
	[smem:$0x3FD2] =	sst s25  }
0xa6: {  	s5 =	sshll.u32 s26, $0x1;
	_ =	strace $0x8000004C;
	[dreg:$0x1] =	wrdreg $0xFFFFFFFF  }
0xa7: {  	s28 =	simm.s32 $_size_execute0_lowered;
	s3 =	sadd.s32 s3, s5;
	[dreg:$0x0] =	wrdreg $0x0  }
0xa8: {  	s5 =	sshll.u32 s28, $0x1;
	[dreg:$0x2] =	wrdreg s3  }
0xa9: {  	[dreg:$0x3] =	wrdreg s5  }
0xaa: {  	[dreg:$0x4] =	wrdreg $0xC0  }
0xab: {  	_ =	task [dreg:s7], $0x5FFFF  }
0xac: {  	[dreg:$0x1] =	wrdreg $0xFFFFFFFF  }
0xad: {  	[dreg:$0x0] =	wrdreg $0x60  }
0xae: {  	[dreg:$0x2] =	wrdreg s24  }
0xaf: {  	[dreg:$0x3] =	wrdreg s2  }
0xb0: {  	[dreg:$0x4] =	wrdreg $0x120000  }
0xb1: {  	[dreg:$0x5] =	wrdreg $0x9  }
0xb2: {  	_ =	task.clear_ibuf [dreg:s7], $0x6FFFF;
	_ =	strace $0x9000004C  }
0xb3: {  	s29 =	simm.s32 $0x9;
	_ =	strace $0x8000004E  }
0xb4: {  	_ =	swait.ge [sflag:s29], $0x1  }
0xb5: {  	[sflag:s29] =	ssyncadd.s32 $0xFFFFFFFF  }
0xb6: {  	_ =	strace $0x9000004E  }
0xb7: {  	_ =	sfence  }
0xb8: {  	s30 =	sld [smem:$0x0];
	_ =	sdelay $0x2  }
0xb9: {  	s31 =	sshll.u32 s1, $0xD;
	s1 =	sshrl.u32 s1, $0x2  }
0xba: {  	s3 =	sand.u32 $0x4000, s31;
	s1 =	sadd.s32 s1, s30  }
0xbb: {  	s0 =	sor.u32 s3, s0;
	s1 =	sshll.u32 s1, $0x11  }
0xbc: {  	s0 =	sor.u32 s1, s0  }
0xbd: {  	s0 =	sadd.s32 $0x8F2B, s0  }
0xbe: {  	[sflag:s0] =	ssyncadd.remote.s32 $0x1  }
0xbf: {  	_ =	sfence.sel $0xFFFF  }
0xc0: {  	[dreg:$0x0] =	wrdreg $0xFFFFFFFF;
	(pc) =	sbr.abs _section_cstart, $3  }
0xc1: {  	[dreg:$0x1] =	wrdreg $0xFFFFFFFF  }
0xc2: {  	_ =	task.clear_ibuf [dreg:s7], $0x2FFFF;
	_ =	strace $0x9FFFFFFF  }
0xc3: {  	(tm) =	ssettm $0x7FFFFFFF  }
tec
execute0_lowered:
.L_overlay_start_1:
0x0: {  	(tag) =	ssettag $0x1  }
0x1: {  	s5 =	rddreg [dreg:$0x0]  }
0x2: {  	s2 =	rddreg [dreg:$0x1]  }
0x3: {  	s3 =	rddreg [dreg:$0x2]  }
0x4: {  	s1 =	stileid.u32;
	s6 =	srdreg.scid  }
0x5: {  	s4 =	simm.s32 $0x0;
	s13 =	simm.s32 $0x80;
	s14 =	simm.s32 $0xA000  }
0x6: {  	s15 =	simm.s32 $0xC000;
	s16 =	simm.s32 $0xE000;
	s17 =	simm.s32 $0x10000  }
0x7: {  	s18 =	simm.s32 $0x1;
	s19 =	simm.s32 $0x2;
	s20 =	simm.s32 $0x3  }
0x8: {  	s21 =	simm.s32 $0x4;
	s22 =	simm.s32 $0x5;
	s23 =	simm.s32 $0x6  }
0x9: {  	s26 =	simm.s32 $0x8;
	s28 =	simm.s32 $0x0;
	s7 =	smul.u32 $0xA00, s1  }
0xa: {  	s6 =	sand.u32 $0x1, s6;
	[smem:$0x7FF] =	sst s4;
	s10 =	smul.u32 $0xA000, s1  }
0xb: {  	s11 =	sshll.u32 s1, $0x6;
	s8 =	smul.u32 $0x14000, s6;
	s6 =	ssub.s32 $0x2, s6  }
0xc: {  	_ =	strace $0x8000004D;
	s11 =	sor.u32 $0x1C09, s11;
	s9 =	sshrl.u32 s6, $0x1  }
0xd: {  	s7 =	sadd.s32 s7, s5;
	s12 =	sadd.s32 s10, s3;
	s25 =	sshrl.u32 s10, $0x3  }
0xe: {  	s10 =	simm.s32 $0x5000;
	s8 =	sadd.s32 s8, s5;
	s9 =	ssub.s32 s6, s9  }
0xf: {  	s5 =	sadd.s32 $0xB800, s7;
	s6 =	sadd.s32 $0x1800, s7;
	s12 =	sshrl.u32 s12, $0x3  }
0x10: {  	s7 =	sadd.s32 $0x6FE00, s8;
	s24 =	sadd.s32 $0x97E00, s8;
	s8 =	smax.u32 s9, $0x1  }
0x11: {  	s9 =	simm.s32 $0x9;
	s24 =	sadd.s32 s25, s24;
	s25 =	simm.s32 $0x7  }
.LBB2_1:
0x12: {  	[tilespmem:s4], [sflag:$0x9] =	stream.linear.gather [hbm4b:s5+s4], $0x5000, $0x38;
	[tilespmem:$0x1C000] =	vst v63  }
0x13: {  	_ =	swait.ge [sflag:s9], $0x5000  }
0x14: {  	[sflag:s9] =	ssyncset.done $0x0  }
0x15: {  	[sflag:s9] =	ssyncadd.s32 $0xFFFFB000  }
0x16: {  	[tilespmem:s10], [sflag:$0x9] =	stream.linear.gather [hbm4b:s6+s4], $0x5000, $0x38;
	[tilespmem:$0x1C000] =	vst v63  }
0x17: {  	_ =	swait.ge [sflag:s9], $0x5000  }
0x18: {  	[sflag:s9] =	ssyncset.done $0x0  }
0x19: {  	[sflag:s9] =	ssyncadd.s32 $0xFFFFB000  }
0x1a: {  	[spmem:s12], [sflag:s11] =	dma.local [hbm:s2], $0x1400  }
0x1b: {  	_ =	swait.ge [sflag:s9], $0x1400  }
0x1c: {  	[sflag:s9] =	ssyncset.done $0x0  }
0x1d: {  	[sflag:s9] =	ssyncadd.s32 $0xFFFFEC00  }
0x1e: {  	s29 =	simm.s32 $0x0;
	[bflag:$0x0] =	sbarrier.arrive $0xFFFF  }
0x1f: {  	[tilespmem:s14], [sflag:$0x1] =	stream.indirect.gather [hbm4b:s7+s13], $0x40, s29, s13, $0xb8;
	[tilespmem:$0x1C000] =	vst v63  }
0x20: {  	s29 =	simm.s32 $0x80  }
0x21: {  	[tilespmem:s15], [sflag:$0x2] =	stream.indirect.gather [hbm4b:s7+s13], $0x40, s29, s13, $0xb8;
	[tilespmem:$0x1C000] =	vst v63  }
0x22: {  	s29 =	simm.s32 $0x100  }
0x23: {  	[tilespmem:s16], [sflag:$0x3] =	stream.indirect.gather [hbm4b:s7+s13], $0x40, s29, s13, $0xb8;
	[tilespmem:$0x1C000] =	vst v63  }
0x24: {  	s29 =	simm.s32 $0x180  }
0x25: {  	[tilespmem:s17], [sflag:$0x4] =	stream.indirect.gather [hbm4b:s7+s13], $0x40, s29, s13, $0xb8;
	[tilespmem:$0x1C000] =	vst v63  }
0x26: {  	_ =	swait.ge [sflag:s18], $0x2000  }
0x27: {  	[sflag:s18] =	ssyncset.done $0x0  }
0x28: {  	s29 =	simm.s32 $0x5000;
	[sflag:s18] =	ssyncadd.s32 $0xFFFFE000  }
0x29: {  	[spmem:s3] =	stream.indirect.scatter.add.f32 [tilespmem:s14], [sflag:$0x5], $0x40, s29, s13, $0xb8;
	[tilespmem:$0x1C000] =	vst v63  }
0x2a: {  	_ =	swait.ge [sflag:s19], $0x2000  }
0x2b: {  	[sflag:s19] =	ssyncset.done $0x0  }
0x2c: {  	s29 =	simm.s32 $0x5080;
	[sflag:s19] =	ssyncadd.s32 $0xFFFFE000  }
0x2d: {  	[spmem:s3] =	stream.indirect.scatter.add.f32 [tilespmem:s15], [sflag:$0x6], $0x40, s29, s13, $0xb8;
	[tilespmem:$0x1C000] =	vst v63  }
0x2e: {  	_ =	swait.ge [sflag:s20], $0x2000  }
0x2f: {  	[sflag:s20] =	ssyncset.done $0x0  }
0x30: {  	s29 =	simm.s32 $0x5100;
	[sflag:s20] =	ssyncadd.s32 $0xFFFFE000  }
0x31: {  	[spmem:s3] =	stream.indirect.scatter.add.f32 [tilespmem:s16], [sflag:$0x7], $0x40, s29, s13, $0xb8;
	[tilespmem:$0x1C000] =	vst v63  }
0x32: {  	_ =	swait.ge [sflag:s21], $0x2000  }
0x33: {  	[sflag:s21] =	ssyncset.done $0x0  }
0x34: {  	s29 =	simm.s32 $0x5180;
	[sflag:s21] =	ssyncadd.s32 $0xFFFFE000  }
0x35: {  	[spmem:s3] =	stream.indirect.scatter.add.f32 [tilespmem:s17], [sflag:$0x8], $0x40, s29, s13, $0xb8;
	[tilespmem:$0x1C000] =	vst v63  }
0x36: {  	_ =	swait.ge [sflag:s22], $0x2000  }
0x37: {  	[sflag:s22] =	ssyncset.done $0x0  }
0x38: {  	[sflag:s22] =	ssyncadd.s32 $0xFFFFE000  }
0x39: {  	_ =	swait.ge [sflag:s23], $0x2000  }
0x3a: {  	[sflag:s23] =	ssyncset.done $0x0  }
0x3b: {  	[sflag:s23] =	ssyncadd.s32 $0xFFFFE000  }
0x3c: {  	_ =	swait.ge [sflag:s25], $0x2000  }
0x3d: {  	[sflag:s25] =	ssyncset.done $0x0  }
0x3e: {  	[sflag:s25] =	ssyncadd.s32 $0xFFFFE000  }
0x3f: {  	_ =	swait.ge [sflag:s26], $0x2000  }
0x40: {  	s31 =	simm.s32 $0x1000;
	s29 =	simm.s32 $0x800;
	[sflag:s26] =	ssyncset.done $0x0  }
.LBB2_2:
0x41: {  	s0 =	sshra.s32 s29, $0x2  }
0x42: {  	[sflag:s26] =	ssyncadd.s32 $0xFFFFE000;
	s29 =	smov.u32 s31;
	s30 =	sadd.s32 $0x800, s31  }
0x43: {  	[tilespmem:s14], [sflag:$0x1] =	stream.indirect.gather [hbm4b:s7+s13], $0x40, s0, s13, $0xb8;
	[tilespmem:$0x1C000] =	vst v63  }
0x44: {  	p0 =	sne.s32 s31, $0x13800;
	s31 =	sadd.s32 $0x80, s0  }
0x45: {  	[tilespmem:s15], [sflag:$0x2] =	stream.indirect.gather [hbm4b:s7+s13], $0x40, s31, s13, $0xb8;
	[tilespmem:$0x1C000] =	vst v63  }
0x46: {  	s31 =	sadd.s32 $0x100, s0  }
0x47: {  	[tilespmem:s16], [sflag:$0x3] =	stream.indirect.gather [hbm4b:s7+s13], $0x40, s31, s13, $0xb8;
	[tilespmem:$0x1C000] =	vst v63  }
0x48: {  	s31 =	sadd.s32 $0x180, s0  }
0x49: {  	[tilespmem:s17], [sflag:$0x4] =	stream.indirect.gather [hbm4b:s7+s13], $0x40, s31, s13, $0xb8;
	[tilespmem:$0x1C000] =	vst v63  }
0x4a: {  	_ =	swait.ge [sflag:s18], $0x2000  }
0x4b: {  	[sflag:s18] =	ssyncset.done $0x0  }
0x4c: {  	s31 =	sadd.s32 $0x5000, s0;
	[sflag:s18] =	ssyncadd.s32 $0xFFFFE000  }
0x4d: {  	[spmem:s3] =	stream.indirect.scatter.add.f32 [tilespmem:s14], [sflag:$0x5], $0x40, s31, s13, $0xb8;
	[tilespmem:$0x1C000] =	vst v63  }
0x4e: {  	_ =	swait.ge [sflag:s19], $0x2000  }
0x4f: {  	[sflag:s19] =	ssyncset.done $0x0  }
0x50: {  	s31 =	sadd.s32 $0x5080, s0;
	[sflag:s19] =	ssyncadd.s32 $0xFFFFE000  }
0x51: {  	[spmem:s3] =	stream.indirect.scatter.add.f32 [tilespmem:s15], [sflag:$0x6], $0x40, s31, s13, $0xb8;
	[tilespmem:$0x1C000] =	vst v63  }
0x52: {  	_ =	swait.ge [sflag:s20], $0x2000  }
0x53: {  	[sflag:s20] =	ssyncset.done $0x0  }
0x54: {  	s31 =	sadd.s32 $0x5100, s0;
	[sflag:s20] =	ssyncadd.s32 $0xFFFFE000  }
0x55: {  	[spmem:s3] =	stream.indirect.scatter.add.f32 [tilespmem:s16], [sflag:$0x7], $0x40, s31, s13, $0xb8;
	[tilespmem:$0x1C000] =	vst v63  }
0x56: {  	_ =	swait.ge [sflag:s21], $0x2000  }
0x57: {  	[sflag:s21] =	ssyncset.done $0x0  }
0x58: {  	s0 =	sadd.s32 $0x5180, s0;
	[sflag:s21] =	ssyncadd.s32 $0xFFFFE000  }
0x59: {  	[spmem:s3] =	stream.indirect.scatter.add.f32 [tilespmem:s17], [sflag:$0x8], $0x40, s0, s13, $0xb8;
	[tilespmem:$0x1C000] =	vst v63  }
0x5a: {  	_ =	swait.ge [sflag:s22], $0x2000  }
0x5b: {  	[sflag:s22] =	ssyncset.done $0x0  }
0x5c: {  	[sflag:s22] =	ssyncadd.s32 $0xFFFFE000  }
0x5d: {  	_ =	swait.ge [sflag:s23], $0x2000  }
0x5e: {  	[sflag:s23] =	ssyncset.done $0x0  }
0x5f: {  	[sflag:s23] =	ssyncadd.s32 $0xFFFFE000  }
.Ltmp0:
0x60: {  	_ =	swait.ge [sflag:s25], $0x2000;
	(pc) =	sbr.rel @p0 .LBB2_2-.Ltmp0, $4  }
0x61: {  	[sflag:s25] =	ssyncset.done $0x0  }
0x62: {  	[sflag:s25] =	ssyncadd.s32 $0xFFFFE000  }
0x63: {  	_ =	swait.ge [sflag:s26], $0x2000  }
0x64: {  	s31 =	smov.u32 s30;
	[sflag:s26] =	ssyncset.done $0x0  }
0x65: {  	s0 =	sshra.s32 s29, $0x2;
	[sflag:s26] =	ssyncadd.s32 $0xFFFFE000  }
0x66: {  	[tilespmem:s14], [sflag:$0x1] =	stream.indirect.gather [hbm4b:s7+s13], $0x40, s0, s13, $0xb8;
	[tilespmem:$0x1C000] =	vst v63  }
0x67: {  	s29 =	sadd.s32 $0x80, s0  }
0x68: {  	[tilespmem:s15], [sflag:$0x2] =	stream.indirect.gather [hbm4b:s7+s13], $0x40, s29, s13, $0xb8;
	[tilespmem:$0x1C000] =	vst v63  }
0x69: {  	s31 =	sadd.s32 $0x100, s0  }
0x6a: {  	[tilespmem:s16], [sflag:$0x3] =	stream.indirect.gather [hbm4b:s7+s13], $0x40, s31, s13, $0xb8;
	[tilespmem:$0x1C000] =	vst v63  }
0x6b: {  	s30 =	sadd.s32 $0x180, s0  }
0x6c: {  	[tilespmem:s17], [sflag:$0x4] =	stream.indirect.gather [hbm4b:s7+s13], $0x40, s30, s13, $0xb8;
	[tilespmem:$0x1C000] =	vst v63  }
0x6d: {  	_ =	swait.ge [sflag:s18], $0x2000  }
0x6e: {  	[sflag:s18] =	ssyncset.done $0x0  }
0x6f: {  	s31 =	sadd.s32 $0x5000, s0;
	[sflag:s18] =	ssyncadd.s32 $0xFFFFE000  }
0x70: {  	[spmem:s3] =	stream.indirect.scatter.add.f32 [tilespmem:s14], [sflag:$0x5], $0x40, s31, s13, $0xb8;
	[tilespmem:$0x1C000] =	vst v63  }
0x71: {  	_ =	swait.ge [sflag:s19], $0x2000  }
0x72: {  	[sflag:s19] =	ssyncset.done $0x0  }
0x73: {  	s30 =	sadd.s32 $0x5080, s0;
	[sflag:s19] =	ssyncadd.s32 $0xFFFFE000  }
0x74: {  	[spmem:s3] =	stream.indirect.scatter.add.f32 [tilespmem:s15], [sflag:$0x6], $0x40, s30, s13, $0xb8;
	[tilespmem:$0x1C000] =	vst v63  }
0x75: {  	_ =	swait.ge [sflag:s20], $0x2000  }
0x76: {  	[sflag:s20] =	ssyncset.done $0x0  }
0x77: {  	s31 =	sadd.s32 $0x5100, s0;
	[sflag:s20] =	ssyncadd.s32 $0xFFFFE000  }
0x78: {  	[spmem:s3] =	stream.indirect.scatter.add.f32 [tilespmem:s16], [sflag:$0x7], $0x40, s31, s13, $0xb8;
	[tilespmem:$0x1C000] =	vst v63  }
0x79: {  	_ =	swait.ge [sflag:s21], $0x2000  }
0x7a: {  	[sflag:s21] =	ssyncset.done $0x0  }
0x7b: {  	s0 =	sadd.s32 $0x5180, s0;
	[sflag:s21] =	ssyncadd.s32 $0xFFFFE000  }
0x7c: {  	[spmem:s3] =	stream.indirect.scatter.add.f32 [tilespmem:s17], [sflag:$0x8], $0x40, s0, s13, $0xb8;
	[tilespmem:$0x1C000] =	vst v63  }
0x7d: {  	_ =	swait.ge [sflag:s22], $0x2000  }
0x7e: {  	[sflag:s22] =	ssyncset.done $0x0  }
0x7f: {  	[sflag:s22] =	ssyncadd.s32 $0xFFFFE000  }
0x80: {  	_ =	swait.ge [sflag:s23], $0x2000  }
0x81: {  	[sflag:s23] =	ssyncset.done $0x0  }
0x82: {  	[sflag:s23] =	ssyncadd.s32 $0xFFFFE000  }
0x83: {  	_ =	swait.ge [sflag:s25], $0x2000  }
0x84: {  	[sflag:s25] =	ssyncset.done $0x0  }
0x85: {  	[sflag:s25] =	ssyncadd.s32 $0xFFFFE000  }
0x86: {  	_ =	swait.ge [sflag:s26], $0x2000  }
0x87: {  	s28 =	sadd.s32 $0x1, s28;
	[sflag:s26] =	ssyncset.done $0x0  }
0x88: {  	p0 =	sne.s32 s28, s8;
	[sflag:s26] =	ssyncadd.s32 $0xFFFFE000  }
.Ltmp1:
0x89: {  	[bflag:$0x0] =	sbarrier.arrive $0xFFFF;
	(pc) =	sbr.rel @p0 .LBB2_1-.Ltmp1, $4  }
0x8a: {  	[hbm:s24], [sflag:s11] =	dma.local [spmem:s12], $0x1400  }
0x8b: {  	_ =	swait.ge [sflag:s9], $0x1400  }
0x8c: {  	[sflag:s9] =	ssyncset.done $0x0  }
0x8d: {  	[sflag:s9] =	ssyncadd.s32 $0xFFFFEC00  }
0x8e: {  	_ =	sfence.sel $0x180000  }
0x8f: {  	[bflag:$0x0] =	sbarrier.arrive $0xFFFF  }
0x90: {  	_ =	strace $0x9000004D  }
0x91: {  	[bflag:$0x2] =	sbarrier.arrive $0xFFFF  }
0x92: {  	p0 =	sne.s32 s1, $0x0;
	s0 =	rddreg [dreg:$0x3]  }
0x93: {  	s0 =	sadd.s32 @!p0 $0x100000, s0  }
0x94: {  	[sflag:s0] =	ssyncadd.tile.s32 @!p0 $0x1;
	_ =	shalt  }
.Lfunc_end2:
_tile_overlayer_lowered:
.L_overlay_start_2:
0x95: {  	(tag) =	ssettag $0x2  }
0x96: {  	s0 =	rddreg [dreg:$0x0];
	s2 =	stileid.u32  }
0x97: {  	s1 =	rddreg [dreg:$0x1];
	p0 =	sne.s32 s2, $0x0  }
0x98: {  	s3 =	rddreg [dreg:$0x2];
	[bflag:$0x3] =	sbarrier.arrive $0xFFFF;
	s2 =	simm.s32 @!p0 $0x1C09  }
0x99: {  	[timem:s3], [sflag:s2] =	dma.local @!p0 [hbm:s0], s1  }
0x9a: {  	s0 =	simm.s32 @!p0 $0x9  }
0x9b: {  	_ =	swait.ge @!p0 [sflag:s0], s1  }
0x9c: {  	s1 =	ssub.s32 @!p0 $0x0, s1;
	[sflag:s0] =	ssyncset.done @!p0 $0x0  }
0x9d: {  	[sflag:s0] =	ssyncadd.s32 @!p0 s1  }
0x9e: {  	[bflag:$0x3] =	sbarrier.arrive $0xFFFF  }
0x9f: {  	_ =	shalt  }

// kernel: kernel.8.cloned.1.call-start
scs
__scs_entry_jumppad:
0x0: {  	(pc) =	sbr.rel $0x88, $3  }
0x1: {  	(tag) =	ssettag $0x0;
	lr =	simm.s32 $0x1  }
0x2: {  	[smem:$0x3F9B] =	sst lr;
	_ =	strace $0xD0000000  }
0x3: {  	_ = 	snop  }
0x4: {  	_ = 	snop  }
0x5: {  	_ = 	snop  }
0x6: {  	_ = 	snop  }
0x7: {  	_ = 	snop  }
__scs_overlays_trampoline_lowered:
0x8: {  	[smem:$0x3FAA] =	sst s0  }
0x9: {  	[smem:$0x3FAB] =	sst s1  }
0xa: {  	[smem:$0x3FAC] =	sst s2  }
0xb: {  	[smem:$0x3FAD] =	sst s3  }
0xc: {  	[smem:$0x3FAE] =	sst s4  }
0xd: {  	[smem:$0x3FAF] =	sst s5  }
0xe: {  	[smem:$0x3FB0] =	sst s6  }
0xf: {  	[smem:$0x3FB1] =	sst s7  }
0x10: {  	[smem:$0x3FB2] =	sst s8  }
0x11: {  	[smem:$0x3FB3] =	sst s9;
	s0 =	simm.s32 @!p0 $0x0  }
0x12: {  	s1 =	sld [smem:$0x3F99];
	s0 =	simm.s32 @p0 $0x1  }
0x13: {  	[smem:$0x3FB4] =	sst s0;
	s0 =	simm.s32 @!p1 $0x0  }
0x14: {  	s2 =	sld [smem:$0x3F98];
	s0 =	simm.s32 @p1 $0x1  }
0x15: {  	[smem:$0x3FB5] =	sst s0;
	s0 =	simm.s32 @!p2 $0x0  }
0x16: {  	s3 =	sld [smem:$0x3FDB];
	s0 =	simm.s32 @p2 $0x1  }
0x17: {  	s4 =	simm.s32 $0x1BF5;
	[smem:$0x3FB7] =	sst s0  }
0x18: {  	s0 =	sld [smem:$0x3F9A];
	_ =	swait.ge [sflag:s4], $0x0  }
0x19: {  	s7 =	sld [smem:$0x3F9B]  }
0x1a: {  	s8 =	sadd.s32 $0xFFFFE003, lr  }
0x1b: {  	s9 =	sadd.s32 $0xFFFFFEF7, lr;
	s5 =	simm.s32 $0xFFFFFFFF;
	p2 =	slt.u32 s8, $0xFFFFF086  }
0x1c: {  	p1 =	slt.u32 s9, $0xF7A;
	s5 =	simm.s32 @!p2 $0x0  }
0x1d: {  	s5 =	simm.s32 @p1 $0x1;
	p0 =	seq.s32 s7, s2  }
0x1e: {  	s7 =	smul.u32 @!p0 $0xF7A, s2;
	p2 =	seq.s32 @!p0 s5, $0x0  }
0x1f: {  	s9 =	smul.u32 $0xF7A, s1;
	s8 =	simm.s32 @!p0 $0x1BF5;
	p2 =	por !p2, p0  }
0x20: {  	[sflag:s8] =	ssyncset.s32 @!p0 $0xFFFFF086;
	s6 =	sadd.s32 @!p0 s3, s7;
	s7 =	simm.s32 @!p0 $0x108  }
0x21: {  	s3 =	sadd.s32 s3, s9;
	s6 =	sadd.s32 @!p0 $0x88, s6;
	s7 =	simm.s32 @p2 $0x1082  }
0x22: {  	[simem:s7], [sflag:s8] =	dma.local @!p0 [hbm:s6], $0xF7A  }
0x23: {  	s9 =	sor.u32 $0xD0000000, s2;
	s6 =	simm.s32 $0x108;
	_ =	swait.ge @!p0 [sflag:s8], $0x0  }
0x24: {  	s3 =	sadd.s32 $0x88, s3;
	s6 =	simm.s32 @!p1 $0x1082;
	[sflag:s4] =	ssyncset.s32 $0xFFFFF086  }
0x25: {  	[simem:s6], [sflag:s4] =	dma.local [hbm:s3], $0xF7A  }
0x26: {  	[smem:$0x3F9B] =	sst s1;
	(tag) =	ssettag s2;
	_ =	strace s9  }
0x27: {  	s1 =	sld [smem:$0x3FAB]  }
0x28: {  	s2 =	sld [smem:$0x3FAC]  }
0x29: {  	s4 =	sld [smem:$0x3FAE]  }
0x2a: {  	p0 =	seq.s32 s5, $0x0;
	s5 =	sld [smem:$0x3FAF]  }
0x2b: {  	s6 =	sld [smem:$0x3FB0]  }
0x2c: {  	s7 =	sld [smem:$0x3FB1]  }
0x2d: {  	s3 =	simm.s32 $0x108;
	s8 =	sld [smem:$0x3FB2]  }
0x2e: {  	s3 =	simm.s32 @!p0 $0x1082;
	s9 =	sld [smem:$0x3FB3]  }
0x2f: {  	lr =	sadd.s32 s0, s3;
	s0 =	sld [smem:$0x3FAA]  }
0x30: {  	s3 =	sld [smem:$0x3FAD]  }
0x31: {  	[smem:$0x3FB6] =	sst s10  }
0x32: {  	s10 =	sld [smem:$0x3FB4];
	_ =	sdelay $0x3  }
0x33: {  	p0 =	seq.s32 s10, $0x1;
	s10 =	sld [smem:$0x3FB6];
	_ =	sdelay $0x3  }
0x34: {  	[smem:$0x3FB6] =	sst s10  }
0x35: {  	s10 =	sld [smem:$0x3FB5];
	_ =	sdelay $0x3  }
0x36: {  	p1 =	seq.s32 s10, $0x1;
	s10 =	sld [smem:$0x3FB6];
	_ =	sdelay $0x3  }
0x37: {  	[smem:$0x3FB6] =	sst s10  }
0x38: {  	s10 =	sld [smem:$0x3FB7]  }
0x39: {  	_ = 	snop;
	(pc) =	sbr.ind lr, $3  }
0x3a: {  	_ = 	snop  }
0x3b: {  	_ = 	snop  }
0x3c: {  	p2 =	seq.s32 s10, $0x1;
	s10 =	sld [smem:$0x3FB6]  }
0x3d: {  	_ =	shalt  }
0x3e: {  	_ =	shalt  }
0x3f: {  	_ =	shalt  }
0x40: {  	_ =	shalt  }
0x41: {  	_ =	shalt  }
0x42: {  	_ =	shalt  }
0x43: {  	_ =	shalt  }
0x44: {  	_ =	shalt  }
0x45: {  	_ =	shalt  }
0x46: {  	_ =	shalt  }
0x47: {  	_ =	shalt  }
0x48: {  	_ =	shalt  }
0x49: {  	_ =	shalt  }
0x4a: {  	_ =	shalt  }
0x4b: {  	_ =	shalt  }
0x4c: {  	_ =	shalt  }
0x4d: {  	_ =	shalt  }
0x4e: {  	_ =	shalt  }
0x4f: {  	_ =	shalt  }
0x50: {  	_ =	shalt  }
0x51: {  	_ =	shalt  }
0x52: {  	_ =	shalt  }
0x53: {  	_ =	shalt  }
0x54: {  	_ =	shalt  }
0x55: {  	_ =	shalt  }
0x56: {  	_ =	shalt  }
0x57: {  	_ =	shalt  }
0x58: {  	_ =	shalt  }
0x59: {  	_ =	shalt  }
0x5a: {  	_ =	shalt  }
0x5b: {  	_ =	shalt  }
0x5c: {  	_ =	shalt  }
0x5d: {  	_ =	shalt  }
0x5e: {  	_ =	shalt  }
0x5f: {  	_ =	shalt  }
0x60: {  	_ =	shalt  }
0x61: {  	_ =	shalt  }
0x62: {  	_ =	shalt  }
0x63: {  	_ =	shalt  }
0x64: {  	_ =	shalt  }
0x65: {  	_ =	shalt  }
0x66: {  	_ =	shalt  }
0x67: {  	_ =	shalt  }
0x68: {  	_ =	shalt  }
0x69: {  	_ =	shalt  }
0x6a: {  	_ =	shalt  }
0x6b: {  	_ =	shalt  }
0x6c: {  	_ =	shalt  }
0x6d: {  	_ =	shalt  }
0x6e: {  	_ =	shalt  }
0x6f: {  	_ =	shalt  }
0x70: {  	_ =	shalt  }
0x71: {  	_ =	shalt  }
0x72: {  	_ =	shalt  }
0x73: {  	_ =	shalt  }
0x74: {  	_ =	shalt  }
0x75: {  	_ =	shalt  }
0x76: {  	_ =	shalt  }
0x77: {  	_ =	shalt  }
0x78: {  	_ =	shalt  }
0x79: {  	_ =	shalt  }
0x7a: {  	_ =	shalt  }
0x7b: {  	_ =	shalt  }
0x7c: {  	_ =	shalt  }
0x7d: {  	_ =	shalt  }
0x7e: {  	_ =	shalt  }
0x7f: {  	_ =	shalt  }
0x80: {  	_ =	shalt  }
0x81: {  	_ =	shalt  }
0x82: {  	_ =	shalt  }
0x83: {  	_ =	shalt  }
0x84: {  	_ =	shalt  }
0x85: {  	_ =	shalt  }
0x86: {  	_ =	shalt  }
0x87: {  	_ =	shalt  }
.Lfunc_end0:
.L_simem_size_0:
called_computation_lowered:
.L_overlay_start_0:
0x88: {  	s2 =	sld [smem:$0x3FD9]  }
0x89: {  	s3 =	sld [smem:$0x3FFE];
	_ =	sdelay $0x1  }
0x8a: {  	s1 =	srdreg.scid  }
0x8b: {  	s0 =	sand.u32 $0x1, s1  }
0x8c: {  	s17 =	sshll.u32 s0, $0xA;
	s2 =	sadd.s32 s3, s2  }
0x8d: {  	s2 =	sadd.s32 s2, s17  }
0x8e: {  	[smem:$0x3FC2] =	sst s2  }
0x8f: {  	_ = 	snop  }
0x90: {  	s2 =	sld [smem:$0x3FD0];
	(tm) =	ssettm $0x1  }
0x91: {  	s18 =	sld [smem:$0x3FFB];
	_ =	sdelay $0x3  }
0x92: {  	_ =	strace s18  }
0x93: {  	s3 =	sld [smem:$0x3FFC];
	_ =	sdelay $0x3  }
0x94: {  	_ =	strace s3  }
0x95: {  	s3 =	sld [smem:$0x3FFD];
	_ =	sdelay $0x3  }
0x96: {  	_ =	strace s3  }
0x97: {  	_ =	strace $0x8FFFFFFF  }
0x98: {  	s19 =	sld [smem:$0x3FDB];
	_ =	sdelay $0x1  }
0x99: {  	s4 =	simm.s32 $_scs_section_size  }
0x9a: {  	s5 =	simm.s32 $_size__tile_overlayer_lowered;
	s6 =	simm.s32 $_tile_overlayer_lowered  }
0x9b: {  	s22 =	simm.s32 $0x1BFF;
	s21 =	sshll.u32 s6, $0x1;
	s3 =	sadd.s32 s4, s19  }
0x9c: {  	s7 =	simm.s32 $0x0;
	s20 =	sshll.u32 s5, $0x1;
	s5 =	sadd.s32 s21, s3  }
0x9d: {  	[timem:s7], [sflag:s22] =	dma.local [hbm:s5], s20  }
0x9e: {  	_ =	swait.ge [sflag:s22], s20  }
0x9f: {  	s4 =	ssub.s32 $0x0, s20;
	[sflag:s22] =	ssyncset.done $0x0  }
0xa0: {  	[sflag:s22] =	ssyncadd.s32 s4;
	_ =	sdelay $0x1  }
0xa1: {  	s23 =	simm.s32 $0x1B8B  }
0xa2: {  	_ =	swait.ge [sflag:s23], $0x1  }
0xa3: {  	[sflag:s23] =	ssyncset.done $0x0  }
0xa4: {  	s25 =	simm.s32 $0x1B8E;
	s24 =	sld [smem:$0x3FFE];
	[sflag:s23] =	ssyncadd.s32 $0xFFFFFFFF  }
0xa5: {  	s26 =	simm.s32 $execute0_lowered;
	[smem:$0x3FD2] =	sst s25  }
0xa6: {  	s5 =	sshll.u32 s26, $0x1;
	_ =	strace $0x80000046;
	[dreg:$0x1] =	wrdreg $0xFFFFFFFF  }
0xa7: {  	s28 =	simm.s32 $_size_execute0_lowered;
	s3 =	sadd.s32 s3, s5;
	[dreg:$0x0] =	wrdreg $0x0  }
0xa8: {  	s5 =	sshll.u32 s28, $0x1;
	[dreg:$0x2] =	wrdreg s3  }
0xa9: {  	[dreg:$0x3] =	wrdreg s5  }
0xaa: {  	[dreg:$0x4] =	wrdreg $0xC0  }
0xab: {  	_ =	task [dreg:s7], $0x5FFFF  }
0xac: {  	[dreg:$0x1] =	wrdreg $0xFFFFFFFF  }
0xad: {  	[dreg:$0x0] =	wrdreg $0x60  }
0xae: {  	[dreg:$0x2] =	wrdreg s2  }
0xaf: {  	[dreg:$0x3] =	wrdreg s24  }
0xb0: {  	[dreg:$0x4] =	wrdreg $0xC0000  }
0xb1: {  	[dreg:$0x5] =	wrdreg $0x9  }
0xb2: {  	_ =	task.clear_ibuf [dreg:s7], $0x6FFFF;
	_ =	strace $0x90000046  }
0xb3: {  	s29 =	simm.s32 $0x9;
	_ =	strace $0x80000048  }
0xb4: {  	_ =	swait.ge [sflag:s29], $0x1  }
0xb5: {  	[sflag:s29] =	ssyncadd.s32 $0xFFFFFFFF  }
0xb6: {  	_ =	strace $0x90000048  }
0xb7: {  	_ =	sfence  }
0xb8: {  	s30 =	sld [smem:$0x0];
	_ =	sdelay $0x2  }
0xb9: {  	s31 =	sshll.u32 s1, $0xD;
	s1 =	sshrl.u32 s1, $0x2  }
0xba: {  	s3 =	sand.u32 $0x4000, s31;
	s1 =	sadd.s32 s1, s30  }
0xbb: {  	s0 =	sor.u32 s3, s0;
	s1 =	sshll.u32 s1, $0x11  }
0xbc: {  	s0 =	sor.u32 s1, s0  }
0xbd: {  	s0 =	sadd.s32 $0x8F2B, s0  }
0xbe: {  	[sflag:s0] =	ssyncadd.remote.s32 $0x1  }
0xbf: {  	_ =	sfence.sel $0xFFFF  }
0xc0: {  	[dreg:$0x0] =	wrdreg $0xFFFFFFFF;
	(pc) =	sbr.abs _section_cstart, $3  }
0xc1: {  	[dreg:$0x1] =	wrdreg $0xFFFFFFFF  }
0xc2: {  	_ =	task.clear_ibuf [dreg:s7], $0x2FFFF;
	_ =	strace $0x9FFFFFFF  }
0xc3: {  	(tm) =	ssettm $0x7FFFFFFF  }
tec
execute0_lowered:
.L_overlay_start_1:
0x0: {  	(tag) =	ssettag $0x1  }
0x1: {  	s0 =	rddreg [dreg:$0x0]  }
0x2: {  	s1 =	rddreg [dreg:$0x1]  }
0x3: {  	s2 =	rddreg [dreg:$0x2];
	s5 =	simm.s32 $0x0;
	s3 =	stileid.u32  }
0x4: {  	s4 =	srdreg.scid;
	s17 =	simm.s32 $0x80;
	s18 =	simm.s32 $0xA000  }
0x5: {  	s19 =	simm.s32 $0xA800;
	s20 =	simm.s32 $0xB000;
	s21 =	simm.s32 $0xB800  }
0x6: {  	s22 =	simm.s32 $0x1;
	s28 =	simm.s32 $0x5;
	s29 =	simm.s32 $0x6  }
0x7: {  	s30 =	simm.s32 $0x7;
	s31 =	simm.s32 $0x8;
	s23 =	smul.u32 $0xA00, s3  }
0x8: {  	[smem:$0x7FF] =	sst s5;
	s6 =	sand.u32 $0x1, s4;
	s12 =	smul.u32 $0x2800, s3  }
0x9: {  	s24 =	sadd.s32 $0x15800, s1;
	s15 =	sshll.u32 s3, $0x6;
	_ =	strace $0x80000047  }
0xa: {  	s7 =	smul.u32 $0x5000, s6;
	s8 =	ssub.s32 $0x2, s6;
	[dreg:$0x4] =	wrdreg s24  }
0xb: {  	s6 =	smul.u32 $0xA000, s6;
	s15 =	sor.u32 $0x1C09, s15;
	s5 =	sadd.s32 s23, s1  }
0xc: {  	s9 =	sshrl.u32 s8, $0x1;
	s14 =	sadd.s32 s12, s2;
	s26 =	sshrl.u32 s12, $0x3  }
0xd: {  	s23 =	simm.s32 $0x2;
	s1 =	sadd.s32 s7, s1;
	s13 =	ssub.s32 s8, s9  }
0xe: {  	s5 =	sadd.s32 $0x1800, s5;
	s6 =	sshrl.u32 s6, $0x2;
	s7 =	sadd.s32 s0, s7  }
0xf: {  	s16 =	sshrl.u32 s14, $0x3;
	s0 =	simm.s32 $0x0;
	s8 =	sor.u32 $0x80, s6  }
0x10: {  	s9 =	sor.u32 $0x100, s6;
	s10 =	sor.u32 $0x180, s6;
	s11 =	sadd.s32 $0x5000, s6  }
0x11: {  	s25 =	sadd.s32 $0x15E00, s1;
	s12 =	smax.u32 s13, $0x1;
	s13 =	simm.s32 $0x9  }
0x12: {  	s24 =	sadd.s32 s26, s25;
	s25 =	simm.s32 $0x3;
	s26 =	simm.s32 $0x4  }
.LBB2_1:
0x13: {  	s1 =	simm.s32 $0x0  }
0x14: {  	[tilespmem:s1], [sflag:$0x9] =	stream.linear.gather [hbm4b:s5+s1], $0x5000, $0x38;
	[tilespmem:$0xE800] =	vst v63  }
0x15: {  	_ =	swait.ge [sflag:s13], $0x5000  }
0x16: {  	[sflag:s13] =	ssyncset.done $0x0  }
0x17: {  	s3 =	simm.s32 $0x5000;
	[sflag:s13] =	ssyncadd.s32 $0xFFFFB000  }
0x18: {  	[tilespmem:s3], [sflag:$0x9] =	stream.linear.gather [hbm4b:s5+s1], $0x5000, $0x38;
	[tilespmem:$0xE800] =	vst v63  }
0x19: {  	_ =	swait.ge [sflag:s13], $0x5000  }
0x1a: {  	[sflag:s13] =	ssyncset.done $0x0  }
0x1b: {  	s14 =	rddreg [dreg:$0x4];
	[sflag:s13] =	ssyncadd.s32 $0xFFFFB000  }
0x1c: {  	[spmem:s16], [sflag:s15] =	dma.local [hbm:s14], $0x500  }
0x1d: {  	_ =	swait.ge [sflag:s13], $0x500  }
0x1e: {  	[sflag:s13] =	ssyncset.done $0x0  }
0x1f: {  	[sflag:s13] =	ssyncadd.s32 $0xFFFFFB00  }
0x20: {  	[bflag:$0x0] =	sbarrier.arrive $0xFFFF  }
0x21: {  	[tilespmem:s18], [sflag:$0x1] =	stream.indirect.gather [hbm4b:s7+s17], $0x10, s6, s17, $0xb8;
	[tilespmem:$0xE800] =	vst v63  }
0x22: {  	_ = 	snop  }
0x23: {  	[tilespmem:s19], [sflag:$0x2] =	stream.indirect.gather [hbm4b:s7+s17], $0x10, s8, s17, $0xb8;
	[tilespmem:$0xE800] =	vst v63  }
0x24: {  	_ = 	snop  }
0x25: {  	[tilespmem:s20], [sflag:$0x3] =	stream.indirect.gather [hbm4b:s7+s17], $0x10, s9, s17, $0xb8;
	[tilespmem:$0xE800] =	vst v63  }
0x26: {  	_ = 	snop  }
0x27: {  	[tilespmem:s21], [sflag:$0x4] =	stream.indirect.gather [hbm4b:s7+s17], $0x10, s10, s17, $0xb8;
	[tilespmem:$0xE800] =	vst v63  }
0x28: {  	_ =	swait.ge [sflag:s22], $0x800  }
0x29: {  	[sflag:s22] =	ssyncset.done $0x0  }
0x2a: {  	[sflag:s22] =	ssyncadd.s32 $0xFFFFF800  }
0x2b: {  	_ =	swait.ge [sflag:s23], $0x800  }
0x2c: {  	[sflag:s23] =	ssyncset.done $0x0  }
0x2d: {  	[sflag:s23] =	ssyncadd.s32 $0xFFFFF800  }
0x2e: {  	_ =	swait.ge [sflag:s25], $0x800  }
0x2f: {  	[sflag:s25] =	ssyncset.done $0x0  }
0x30: {  	[sflag:s25] =	ssyncadd.s32 $0xFFFFF800  }
0x31: {  	_ =	swait.ge [sflag:s26], $0x800  }
0x32: {  	[sflag:s26] =	ssyncset.done $0x0  }
0x33: {  	s3 =	sadd.s32 $0x0, s11;
	[sflag:s26] =	ssyncadd.s32 $0xFFFFF800  }
0x34: {  	[spmem:s2] =	stream.indirect.scatter.add.f32 [tilespmem:s18], [sflag:$0x5], $0x10, s3, s17, $0xb8;
	[tilespmem:$0xE800] =	vst v63  }
0x35: {  	s14 =	sadd.s32 $0x80, s3  }
0x36: {  	[spmem:s2] =	stream.indirect.scatter.add.f32 [tilespmem:s19], [sflag:$0x6], $0x10, s14, s17, $0xb8;
	[tilespmem:$0xE800] =	vst v63  }
0x37: {  	s4 =	sadd.s32 $0x100, s3  }
0x38: {  	[spmem:s2] =	stream.indirect.scatter.add.f32 [tilespmem:s20], [sflag:$0x7], $0x10, s4, s17, $0xb8;
	[tilespmem:$0xE800] =	vst v63  }
0x39: {  	s1 =	sadd.s32 $0x180, s3  }
0x3a: {  	[spmem:s2] =	stream.indirect.scatter.add.f32 [tilespmem:s21], [sflag:$0x8], $0x10, s1, s17, $0xb8;
	[tilespmem:$0xE800] =	vst v63  }
0x3b: {  	_ =	swait.ge [sflag:s28], $0x800  }
0x3c: {  	[sflag:s28] =	ssyncset.done $0x0  }
0x3d: {  	[sflag:s28] =	ssyncadd.s32 $0xFFFFF800  }
0x3e: {  	_ =	swait.ge [sflag:s29], $0x800  }
0x3f: {  	[sflag:s29] =	ssyncset.done $0x0  }
0x40: {  	[sflag:s29] =	ssyncadd.s32 $0xFFFFF800  }
0x41: {  	_ =	swait.ge [sflag:s30], $0x800  }
0x42: {  	[sflag:s30] =	ssyncset.done $0x0  }
0x43: {  	[sflag:s30] =	ssyncadd.s32 $0xFFFFF800  }
0x44: {  	_ =	swait.ge [sflag:s31], $0x800  }
0x45: {  	s14 =	simm.s32 $0x200;
	s1 =	simm.s32 $0x1000;
	[sflag:s31] =	ssyncset.done $0x0  }
.LBB2_2:
0x46: {  	s14 =	sadd.s32 s14, s11  }
0x47: {  	[sflag:s31] =	ssyncadd.s32 $0xFFFFF800;
	s3 =	smov.u32 s1;
	s4 =	sadd.s32 $0x800, s1  }
0x48: {  	[spmem:s2] =	stream.indirect.scatter.add.f32 [tilespmem:s18], [sflag:$0x5], $0x10, s14, s17, $0xb8;
	[tilespmem:$0xE800] =	vst v63  }
0x49: {  	p0 =	sne.s32 s1, $0x9800;
	s1 =	sadd.s32 $0x80, s14  }
0x4a: {  	[spmem:s2] =	stream.indirect.scatter.add.f32 [tilespmem:s19], [sflag:$0x6], $0x10, s1, s17, $0xb8;
	[tilespmem:$0xE800] =	vst v63  }
0x4b: {  	s1 =	sadd.s32 $0x100, s14  }
0x4c: {  	[spmem:s2] =	stream.indirect.scatter.add.f32 [tilespmem:s20], [sflag:$0x7], $0x10, s1, s17, $0xb8;
	[tilespmem:$0xE800] =	vst v63  }
0x4d: {  	s1 =	sadd.s32 $0x180, s14  }
0x4e: {  	[spmem:s2] =	stream.indirect.scatter.add.f32 [tilespmem:s21], [sflag:$0x8], $0x10, s1, s17, $0xb8;
	[tilespmem:$0xE800] =	vst v63  }
0x4f: {  	_ =	swait.ge [sflag:s28], $0x800  }
0x50: {  	[sflag:s28] =	ssyncset.done $0x0  }
0x51: {  	[sflag:s28] =	ssyncadd.s32 $0xFFFFF800  }
0x52: {  	_ =	swait.ge [sflag:s29], $0x800  }
0x53: {  	[sflag:s29] =	ssyncset.done $0x0  }
0x54: {  	[sflag:s29] =	ssyncadd.s32 $0xFFFFF800  }
.Ltmp0:
0x55: {  	_ =	swait.ge [sflag:s30], $0x800;
	(pc) =	sbr.rel @p0 .LBB2_2-.Ltmp0, $4  }
0x56: {  	[sflag:s30] =	ssyncset.done $0x0  }
0x57: {  	[sflag:s30] =	ssyncadd.s32 $0xFFFFF800  }
0x58: {  	_ =	swait.ge [sflag:s31], $0x800  }
0x59: {  	s14 =	sshra.s32 s3, $0x2;
	s1 =	smov.u32 s4;
	[sflag:s31] =	ssyncset.done $0x0  }
0x5a: {  	s1 =	sadd.s32 s14, s11;
	[sflag:s31] =	ssyncadd.s32 $0xFFFFF800  }
0x5b: {  	[spmem:s2] =	stream.indirect.scatter.add.f32 [tilespmem:s18], [sflag:$0x5], $0x10, s1, s17, $0xb8;
	[tilespmem:$0xE800] =	vst v63  }
0x5c: {  	s3 =	sadd.s32 $0x80, s1  }
0x5d: {  	[spmem:s2] =	stream.indirect.scatter.add.f32 [tilespmem:s19], [sflag:$0x6], $0x10, s3, s17, $0xb8;
	[tilespmem:$0xE800] =	vst v63  }
0x5e: {  	s14 =	sadd.s32 $0x100, s1  }
0x5f: {  	[spmem:s2] =	stream.indirect.scatter.add.f32 [tilespmem:s20], [sflag:$0x7], $0x10, s14, s17, $0xb8;
	[tilespmem:$0xE800] =	vst v63  }
0x60: {  	s1 =	sadd.s32 $0x180, s1  }
0x61: {  	[spmem:s2] =	stream.indirect.scatter.add.f32 [tilespmem:s21], [sflag:$0x8], $0x10, s1, s17, $0xb8;
	[tilespmem:$0xE800] =	vst v63  }
0x62: {  	_ =	swait.ge [sflag:s28], $0x800  }
0x63: {  	[sflag:s28] =	ssyncset.done $0x0  }
0x64: {  	[sflag:s28] =	ssyncadd.s32 $0xFFFFF800  }
0x65: {  	_ =	swait.ge [sflag:s29], $0x800  }
0x66: {  	[sflag:s29] =	ssyncset.done $0x0  }
0x67: {  	[sflag:s29] =	ssyncadd.s32 $0xFFFFF800  }
0x68: {  	_ =	swait.ge [sflag:s30], $0x800  }
0x69: {  	[sflag:s30] =	ssyncset.done $0x0  }
0x6a: {  	[sflag:s30] =	ssyncadd.s32 $0xFFFFF800  }
0x6b: {  	_ =	swait.ge [sflag:s31], $0x800  }
0x6c: {  	s0 =	sadd.s32 $0x1, s0;
	[sflag:s31] =	ssyncset.done $0x0  }
0x6d: {  	p0 =	sne.s32 s0, s12;
	[sflag:s31] =	ssyncadd.s32 $0xFFFFF800  }
.Ltmp1:
0x6e: {  	[bflag:$0x0] =	sbarrier.arrive $0xFFFF;
	(pc) =	sbr.rel @p0 .LBB2_1-.Ltmp1, $4  }
0x6f: {  	[hbm:s24], [sflag:s15] =	dma.local [spmem:s16], $0x500  }
0x70: {  	_ =	swait.ge [sflag:s13], $0x500  }
0x71: {  	[sflag:s13] =	ssyncset.done $0x0  }
0x72: {  	[sflag:s13] =	ssyncadd.s32 $0xFFFFFB00  }
0x73: {  	_ =	sfence.sel $0x180000  }
0x74: {  	[bflag:$0x0] =	sbarrier.arrive $0xFFFF  }
0x75: {  	_ =	strace $0x90000047  }
0x76: {  	s0 =	stileid.u32;
	[bflag:$0x2] =	sbarrier.arrive $0xFFFF  }
0x77: {  	p0 =	sne.s32 s0, $0x0;
	s0 =	rddreg [dreg:$0x3]  }
0x78: {  	s0 =	sadd.s32 @!p0 $0x100000, s0  }
0x79: {  	[sflag:s0] =	ssyncadd.tile.s32 @!p0 $0x1;
	_ =	shalt  }
.Lfunc_end2:
_tile_overlayer_lowered:
.L_overlay_start_2:
0x7a: {  	(tag) =	ssettag $0x2  }
0x7b: {  	s0 =	rddreg [dreg:$0x0];
	s2 =	stileid.u32  }
0x7c: {  	s1 =	rddreg [dreg:$0x1];
	p0 =	sne.s32 s2, $0x0  }
0x7d: {  	s3 =	rddreg [dreg:$0x2];
	[bflag:$0x3] =	sbarrier.arrive $0xFFFF;
	s2 =	simm.s32 @!p0 $0x1C09  }
0x7e: {  	[timem:s3], [sflag:s2] =	dma.local @!p0 [hbm:s0], s1  }
0x7f: {  	s0 =	simm.s32 @!p0 $0x9  }
0x80: {  	_ =	swait.ge @!p0 [sflag:s0], s1  }
0x81: {  	s1 =	ssub.s32 @!p0 $0x0, s1;
	[sflag:s0] =	ssyncset.done @!p0 $0x0  }
0x82: {  	[sflag:s0] =	ssyncadd.s32 @!p0 s1  }
0x83: {  	[bflag:$0x3] =	sbarrier.arrive $0xFFFF  }
0x84: {  	_ =	shalt  }

</sc_bundles>
